<compile_context>
chip_gen: v7x
topology: tpu7x:2x2x1
jax: 0.10.2.dev20260603
libtpu: 0.0.44.dev20260713+nightly
codegen_flags: <defaults>
</compile_context>

<pallas_src>
import functools

import jax
import jax.numpy as jnp
from jax import lax
from jax.experimental import pallas as pl
from jax.experimental.pallas import tpu as pltpu
from jax.experimental.pallas import tpu_sc as plsc

_NC = 2
_NS = 16
_NW = _NC * _NS
_L = 16

_T = 100
_T_PAD = 112
_TK = 4
_IN_SIZE = 512.0

_mesh = plsc.VectorSubcoreMesh(core_axis_name="c", subcore_axis_name="s")


def _make_sc_kernel(b, a_dim, h_dim, w_dim):
    hpw = h_dim // (_NW // b)
    rows = a_dim * hpw
    npw = rows * w_dim
    div = _NW // b

    @functools.partial(
        pl.kernel,
        out_type=jax.ShapeDtypeStruct((b * a_dim, h_dim, w_dim), jnp.float32),
        mesh=_mesh,
        compiler_params=pltpu.CompilerParams(needs_layout_passes=False),
        scratch_types=[
            pltpu.VMEM((rows, w_dim * 4), jnp.float32),
            pltpu.VMEM((_T_PAD * 4,), jnp.float32),
            pltpu.VMEM((rows, w_dim), jnp.float32),
            pltpu.VMEM((rows, w_dim), jnp.float32),
            pltpu.VMEM((npw,), jnp.float32),
            pltpu.VMEM((npw,), jnp.float32),
            pltpu.VMEM((npw,), jnp.float32),
            pltpu.VMEM((npw,), jnp.float32),
            pltpu.VMEM((_T_PAD,), jnp.float32),
            pltpu.VMEM((_T_PAD,), jnp.float32),
            pltpu.VMEM((_T_PAD,), jnp.float32),
            pltpu.VMEM((_T_PAD,), jnp.float32),
            pltpu.VMEM((_T_PAD,), jnp.float32),
            pltpu.VMEM((npw,), jnp.float32),
            pltpu.SemaphoreType.DMA,
            pltpu.SemaphoreType.DMA,
        ],
    )
    def sc_kernel(pred_hbm, tgt_hbm, mask_hbm, out_hbm,
                  praw_v, traw_v, mrow_v, orow_v,
                  px1_v, py1_v, px2_v, py2_v,
                  tx1_v, ty1_v, tx2_v, ty2_v, ta3_v, macc_v,
                  sem_in, sem_mask):
        wid = lax.axis_index("s") * _NC + lax.axis_index("c")
        img = wid // div
        h0 = (wid % div) * hpw

        in_copies = [
            pltpu.async_copy(pred_hbm.at[img * a_dim + a, pl.ds(h0, hpw)],
                             praw_v.at[pl.ds(a * hpw, hpw)], sem_in)
            for a in range(a_dim)
        ]
        in_copies.append(pltpu.async_copy(tgt_hbm.at[img], traw_v, sem_in))
        mask_copies = [
            pltpu.async_copy(mask_hbm.at[img * a_dim + a, pl.ds(h0, hpw)],
                             mrow_v.at[pl.ds(a * hpw, hpw)], sem_mask)
            for a in range(a_dim)
        ]
        for c in in_copies:
            c.wait()

        lane = lax.iota(jnp.int32, _L)
        lane4 = lane * 4
        cpr = w_dim // _L

        init = (jnp.full((_L,), -3.4e38, jnp.float32),
                jnp.full((_L,), 3.4e38, jnp.float32))

        @plsc.parallel_loop(0, rows, 1, unroll=2, carry=init)
        def pscan(r, ext):
            amax, amin = ext
            for k in range(cpr * 4):
                v = praw_v[r, pl.ds(k * _L, _L)]
                amax = jnp.maximum(amax, v)
                amin = jnp.minimum(amin, v)
            return amax, amin

        is_w = (lane % 4) == 2
        is_h = (lane % 4) == 3
        wmax = jnp.max(jnp.where(is_w, pscan[0], -3.4e38))
        hmax = jnp.max(jnp.where(is_h, pscan[0], -3.4e38))
        wmin = jnp.min(jnp.where(is_w, pscan[1], 3.4e38))
        hmin = jnp.min(jnp.where(is_h, pscan[1], 3.4e38))
        pamax3 = wmax * hmax * (1.0001 / 3.0)
        pamin3 = wmin * hmin * (0.9999 / 3.0)

        alive_acc = jnp.zeros((_L,), jnp.int32)
        for j in range(_T_PAD // _L):
            base = lane4 + (j * _L * 4)
            tw = plsc.load_gather(traw_v, [base + 2]) * _IN_SIZE
            th = plsc.load_gather(traw_v, [base + 3]) * _IN_SIZE
            ta3 = tw * th * (1.0 / 3.0)
            live = jnp.logical_and(ta3 < pamax3 * 6.0, ta3 * 6.0 > pamin3)
            alive_acc = alive_acc | jnp.where(live, 1, 0)
        any_alive = jnp.max(alive_acc)

        @pl.when(any_alive == 0)
        def _():
            for c in mask_copies:
                c.wait()
            outc = [
                pltpu.async_copy(mrow_v.at[pl.ds(a * hpw, hpw)],
                                 out_hbm.at[img * a_dim + a, pl.ds(h0, hpw)],
                                 sem_in)
                for a in range(a_dim)
            ]
            for c in outc:
                c.wait()

        @pl.when(any_alive > 0)
        def _():
            for c in mask_copies:
                c.wait()

            for j in range(_T_PAD // _L):
                base = lane4 + (j * _L * 4)
                cx = plsc.load_gather(traw_v, [base]) * _IN_SIZE
                cy = plsc.load_gather(traw_v, [base + 1]) * _IN_SIZE
                hw = plsc.load_gather(traw_v, [base + 2]) * (0.5 * _IN_SIZE)
                hh = plsc.load_gather(traw_v, [base + 3]) * (0.5 * _IN_SIZE)
                sl = pl.ds(j * _L, _L)
                x1 = cx - hw
                y1 = cy - hh
                x2 = cx + hw
                y2 = cy + hh
                tx1_v[sl] = x1
                ty1_v[sl] = y1
                tx2_v[sl] = x2
                ty2_v[sl] = y2
                ta3_v[sl] = (x2 - x1) * (y2 - y1) * (1.0 / 3.0)

            @plsc.parallel_loop(0, rows, 1, unroll=2)
            def pprep(r):
                rr = jnp.full((_L,), r, jnp.int32)
                for k in range(cpr):
                    base = lane4 + (k * _L * 4)
                    cx = plsc.load_gather(praw_v, [rr, base])
                    cy = plsc.load_gather(praw_v, [rr, base + 1])
                    hw = plsc.load_gather(praw_v, [rr, base + 2]) * 0.5
                    hh = plsc.load_gather(praw_v, [rr, base + 3]) * 0.5
                    sl = pl.ds(r * w_dim + k * _L, _L)
                    px1_v[sl] = cx - hw
                    py1_v[sl] = cy - hh
                    px2_v[sl] = cx + hw
                    py2_v[sl] = cy + hh
                    macc_v[sl] = jnp.zeros((_L,), jnp.float32)

            def tblk(tb, carry):
                t0 = tb * _TK
                bts = []
                for k in range(_TK):
                    idx = jnp.full((_L,), t0 + k, jnp.int32)
                    bts.append((plsc.load_gather(tx1_v, [idx]),
                                plsc.load_gather(ty1_v, [idx]),
                                plsc.load_gather(tx2_v, [idx]),
                                plsc.load_gather(ty2_v, [idx]),
                                plsc.load_gather(ta3_v, [idx])))

                blk_alive = jnp.zeros((_L,), jnp.int32)
                for (_, _, _, _, bta3) in bts:
                    live = jnp.logical_and(bta3 < pamax3 * 6.0,
                                           bta3 * 6.0 > pamin3)
                    blk_alive = blk_alive | jnp.where(live, 1, 0)

                @pl.when(jnp.max(blk_alive) > 0)
                def _():
                    @plsc.parallel_loop(0, npw // _L, 1, unroll=4)
                    def ploop(p):
                        sl = pl.ds(p * _L, _L)
                        px1 = px1_v[sl]
                        py1 = py1_v[sl]
                        px2 = px2_v[sl]
                        py2 = py2_v[sl]
                        m = macc_v[sl]
                        for (btx1, bty1, btx2, bty2, bta3) in bts:
                            iw = jnp.maximum(
                                jnp.minimum(btx2, px2) - jnp.maximum(btx1, px1),
                                0.0)
                            ih = jnp.maximum(
                                jnp.minimum(bty2, py2) - jnp.maximum(bty1, py1),
                                0.0)
                            m = jnp.maximum(m, iw * ih - bta3)
                        macc_v[sl] = m

                return carry

            lax.fori_loop(0, _T // _TK, tblk, 0)

            @plsc.parallel_loop(0, rows, 1, unroll=2)
            def fin(r):
                for k in range(cpr):
                    sl = pl.ds(r * w_dim + k * _L, _L)
                    ms = pl.ds(k * _L, _L)
                    pa3 = ((px2_v[sl] - px1_v[sl])
                           * (py2_v[sl] - py1_v[sl]) * (1.0 / 3.0))
                    orow_v[r, ms] = jnp.where(
                        macc_v[sl] > pa3, 0.0, mrow_v[r, ms])

            outc = [
                pltpu.async_copy(orow_v.at[pl.ds(a * hpw, hpw)],
                                 out_hbm.at[img * a_dim + a, pl.ds(h0, hpw)],
                                 sem_in)
                for a in range(a_dim)
            ]
            for c in outc:
                c.wait()

    return sc_kernel


def kernel(batch_predict_boxes, batch_targets, no_obj_mask):
    b, a_dim, h_dim, w_dim, _ = batch_predict_boxes.shape
    pred = batch_predict_boxes.reshape(b * a_dim, h_dim, w_dim * 4)
    mask = no_obj_mask.reshape(b * a_dim, h_dim, w_dim)
    tgt = jnp.pad(batch_targets, ((0, 0), (0, _T_PAD - _T), (0, 0)))
    tgt = tgt.reshape(b, _T_PAD * 4)
    out = _make_sc_kernel(b, a_dim, h_dim, w_dim)(pred, tgt, mask)
    return out.reshape(no_obj_mask.shape)

# --- scband reference (transcript-rebuilt; emitter-appended) ---
"""Pipeline reference for scband-yolo-ignore-62947040690648 (READ-ONLY COPY).

The authoritative reference and input builder live on the scoring server;
editing this copy changes nothing except your own understanding.
"""

import jax, jax.numpy as jnp
import numpy as np

INPUT_SIZE = (512, 512)
IGNORE_THRESHOLD = 0.5


def cxcywh_to_xyxy(b):
    cx, cy, w, h = b[..., 0], b[..., 1], b[..., 2], b[..., 3]
    return jnp.stack([cx - w / 2.0, cy - h / 2.0, cx + w / 2.0, cy + h / 2.0], axis=-1)


def box_iou(b1, b2):
    # b1: [T, 4] xyxy, b2: [N, 4] xyxy -> [T, N]
    a1 = (b1[:, 2] - b1[:, 0]) * (b1[:, 3] - b1[:, 1])
    a2 = (b2[:, 2] - b2[:, 0]) * (b2[:, 3] - b2[:, 1])
    lt = jnp.maximum(b1[:, None, :2], b2[None, :, :2])
    rb = jnp.minimum(b1[:, None, 2:], b2[None, :, 2:])
    wh = jnp.maximum(rb - lt, 0.0)
    inter = wh[..., 0] * wh[..., 1]
    union = a1[:, None] + a2[None, :] - inter
    return inter / union


def setup_inputs(seed: int = 0) -> dict:
    key = jax.random.key(seed)
    k1, k2 = jax.random.split(key)
    batch_predict_boxes = jax.random.uniform(k1, (16, 3, 64, 64, 4), dtype=jnp.float32)
    batch_targets = jax.random.uniform(k2, (16, 100, 4), dtype=jnp.float32)
    no_obj_mask = jnp.ones((16, 3, 64, 64), dtype=jnp.float32)
    return {
        "batch_predict_boxes": batch_predict_boxes,
        "batch_targets": batch_targets,
        "no_obj_mask": no_obj_mask,
    }


def reference(batch_predict_boxes, batch_targets, no_obj_mask):
    in_h, in_w = INPUT_SIZE
    # torch: cols [0,2] scaled by input_size[1] (width), cols [1,3] by input_size[0] (height)
    scale = jnp.array([in_w, in_h, in_w, in_h], dtype=jnp.float32)
    tgt = batch_targets * scale  # [B, T, 4] cxcywh in pixels
    tgt_xyxy = cxcywh_to_xyxy(tgt)  # [B, T, 4]

    B = batch_predict_boxes.shape[0]
    pred = batch_predict_boxes.reshape(B, -1, 4)  # [B, N, 4] cxcywh
    pred_xyxy = cxcywh_to_xyxy(pred)  # [B, N, 4]

    def per_image(t, p):
        iou = box_iou(t, p)  # [T, N]
        return jnp.max(iou, axis=0)  # [N]

    max_iou = jax.vmap(per_image)(tgt_xyxy, pred_xyxy)  # [B, N]
    max_iou = max_iou.reshape(no_obj_mask.shape)  # [B, A, H, W]
    out = jnp.where(max_iou > IGNORE_THRESHOLD, 0.0, no_obj_mask)
    return out

if __name__ == "__main__":
    import jax
    _d = setup_inputs()
    print(jax.jit(kernel)(*tuple(_d.values())))

</pallas_src>

<mosaic_0001>
#map = affine_map<(d0, d1) -> (0, 0, 0)>
#map1 = affine_map<(d0, d1) -> (0, 0)>
module attributes {stable_mosaic.version = 14 : i64} {
  func.func @sc_kernel(%arg0: i32, %arg1: i32, %arg2: memref<48x64x256xf32, #tpu.memory_space<hbm>>, %arg3: memref<16x448xf32, #tpu.memory_space<hbm>>, %arg4: memref<48x64x64xf32, #tpu.memory_space<hbm>>, %arg5: memref<48x64x64xf32, #tpu.memory_space<hbm>>, %arg6: memref<96x256xf32, #tpu.memory_space<vmem>>, %arg7: memref<448xf32, #tpu.memory_space<vmem>>, %arg8: memref<96x64xf32, #tpu.memory_space<vmem>>, %arg9: memref<96x64xf32, #tpu.memory_space<vmem>>, %arg10: memref<6144xf32, #tpu.memory_space<vmem>>, %arg11: memref<6144xf32, #tpu.memory_space<vmem>>, %arg12: memref<6144xf32, #tpu.memory_space<vmem>>, %arg13: memref<6144xf32, #tpu.memory_space<vmem>>, %arg14: memref<112xf32, #tpu.memory_space<vmem>>, %arg15: memref<112xf32, #tpu.memory_space<vmem>>, %arg16: memref<112xf32, #tpu.memory_space<vmem>>, %arg17: memref<112xf32, #tpu.memory_space<vmem>>, %arg18: memref<112xf32, #tpu.memory_space<vmem>>, %arg19: memref<6144xf32, #tpu.memory_space<vmem>>, %arg20: memref<!tpu.dma_semaphore, #tpu.memory_space<semaphore_mem>>, %arg21: memref<!tpu.dma_semaphore, #tpu.memory_space<semaphore_mem>>) attributes {dimension_semantics = [#tpu.dimension_semantics<core_parallel>, #tpu.dimension_semantics<subcore_parallel>], iteration_bounds = array<i64: 2, 16>, scalar_prefetch = 0 : i64, scratch_operands = 16 : i64, tpu.core_type = #tpu.core_type<sc_vector_subcore>, window_params = [{transform_indices = #map}, {transform_indices = #map1}, {transform_indices = #map}, {transform_indices = #map}]} {
    %mul3A = arith.constant 2 : i32
    %mul3A_0 = arith.muli %arg1, %mul3A : i32
    %add3A = arith.addi %mul3A_0, %arg0 : i32
    %jit3A = arith.constant 2 : i32
    %div3A = arith.divsi %add3A, %jit3A : i32
    %sign3A = arith.constant 0 : i32
    %sign3A_1 = arith.cmpi sgt, %add3A, %sign3A : i32
    %sign3A_2 = arith.extui %sign3A_1 : i1 to i32
    %sign3A_3 = arith.constant 0 : i32
    %sign3A_4 = arith.cmpi slt, %add3A, %sign3A_3 : i32
    %sign3A_5 = arith.extui %sign3A_4 : i1 to i32
    %sign3A_6 = arith.subi %sign3A_2, %sign3A_5 : i32
    %sign3A_7 = arith.constant 0 : i32
    %sign3A_8 = arith.cmpi sgt, %jit3A, %sign3A_7 : i32
    %sign3A_9 = arith.extui %sign3A_8 : i1 to i32
    %sign3A_10 = arith.constant 0 : i32
    %sign3A_11 = arith.cmpi slt, %jit3A, %sign3A_10 : i32
    %sign3A_12 = arith.extui %sign3A_11 : i1 to i32
    %sign3A_13 = arith.subi %sign3A_9, %sign3A_12 : i32
    %ne3A = arith.cmpi ne, %sign3A_6, %sign3A_13 : i32
    %rem3A = arith.remsi %add3A, %jit3A : i32
    %ne3A_14 = arith.constant 0 : i32
    %ne3A_15 = arith.cmpi ne, %rem3A, %ne3A_14 : i32
    %and3A = arith.andi %ne3A, %ne3A_15 : i1
    %sub3A = arith.constant 1 : i32
    %sub3A_16 = arith.subi %div3A, %sub3A : i32
    %select_n3A = arith.select %and3A, %sub3A_16, %div3A : i32
    %jit3A_17 = arith.constant 2 : i32
    %eq3A = arith.constant 0 : i32
    %eq3A_18 = arith.cmpi eq, %jit3A_17, %eq3A : i32
    %jit3A_19 = arith.constant 1 : i32
    %select_n3A_20 = arith.select %eq3A_18, %jit3A_19, %jit3A_17 : i32
    %rem3A_21 = arith.remsi %add3A, %select_n3A_20 : i32
    %ne3A_22 = arith.constant 0 : i32
    %ne3A_23 = arith.cmpi ne, %rem3A_21, %ne3A_22 : i32
    %lt3A = arith.constant 0 : i32
    %lt3A_24 = arith.cmpi slt, %rem3A_21, %lt3A : i32
    %lt3A_25 = arith.constant 0 : i32
    %lt3A_26 = arith.cmpi slt, %select_n3A_20, %lt3A_25 : i32
    %ne3A_27 = arith.xori %lt3A_24, %lt3A_26 : i1
    %and3A_28 = arith.andi %ne3A_27, %ne3A_23 : i1
    %add3A_29 = arith.addi %rem3A_21, %select_n3A_20 : i32
    %select_n3A_30 = arith.select %and3A_28, %add3A_29, %rem3A_21 : i32
    %mul3A_31 = arith.constant 32 : i32
    %mul3A_32 = arith.muli %select_n3A_30, %mul3A_31 : i32
    %mul3A_33 = arith.constant 3 : i32
    %mul3A_34 = arith.muli %select_n3A, %mul3A_33 : i32
    %add3A_35 = arith.constant 0 : i32
    %add3A_36 = arith.addi %mul3A_34, %add3A_35 : i32
    %dma_start3A = arith.constant 0 : i32
    %dma_start3A_37 = arith.constant 0 : i32
    %dma_start3A_38 = tpu.memref_slice %arg6[%dma_start3A, %dma_start3A_37] : memref<96x256xf32, #tpu.memory_space<vmem>> -> memref<32x256xf32, #tpu.memory_space<vmem>>
    %dma_start3A_39 = arith.constant 0 : i32
    %dma_start3A_40 = tpu.memref_slice %arg2[%add3A_36, %mul3A_32, %dma_start3A_39] : memref<48x64x256xf32, #tpu.memory_space<hbm>> -> memref<1x32x256xf32, #tpu.memory_space<hbm>>
    %dma_start3A_41 = tpu.memref_squeeze %dma_start3A_40 : memref<1x32x256xf32, #tpu.memory_space<hbm>> -> memref<32x256xf32, #tpu.memory_space<hbm>>
    %dma_start3A_42 = arith.constant 0 : i32
    %dma_start3A_43 = arith.constant 0 : i32
    %dma_start3A_44 = tpu.memref_slice %arg6[%dma_start3A_42, %dma_start3A_43] : memref<96x256xf32, #tpu.memory_space<vmem>> -> memref<32x256xf32, #tpu.memory_space<vmem>>
    %dma_start3A_45 = arith.constant 0 : i32
    %dma_start3A_46 = tpu.memref_slice %arg2[%add3A_36, %mul3A_32, %dma_start3A_45] : memref<48x64x256xf32, #tpu.memory_space<hbm>> -> memref<1x32x256xf32, #tpu.memory_space<hbm>>
    %dma_start3A_47 = tpu.memref_squeeze %dma_start3A_46 : memref<1x32x256xf32, #tpu.memory_space<hbm>> -> memref<32x256xf32, #tpu.memory_space<hbm>>
    tpu.enqueue_dma source(%dma_start3A_47 : memref<32x256xf32, #tpu.memory_space<hbm>>) target(%dma_start3A_44 : memref<32x256xf32, #tpu.memory_space<vmem>>) target_semaphore(%arg20 : memref<!tpu.dma_semaphore, #tpu.memory_space<semaphore_mem>>)
    %mul3A_48 = arith.constant 3 : i32
    %mul3A_49 = arith.muli %select_n3A, %mul3A_48 : i32
    %add3A_50 = arith.constant 1 : i32
    %add3A_51 = arith.addi %mul3A_49, %add3A_50 : i32
    %dma_start3A_52 = arith.constant 32 : i32
    %dma_start3A_53 = arith.constant 0 : i32
    %dma_start3A_54 = tpu.memref_slice %arg6[%dma_start3A_52, %dma_start3A_53] : memref<96x256xf32, #tpu.memory_space<vmem>> -> memref<32x256xf32, #tpu.memory_space<vmem>>
    %dma_start3A_55 = arith.constant 0 : i32
    %dma_start3A_56 = tpu.memref_slice %arg2[%add3A_51, %mul3A_32, %dma_start3A_55] : memref<48x64x256xf32, #tpu.memory_space<hbm>> -> memref<1x32x256xf32, #tpu.memory_space<hbm>>
    %dma_start3A_57 = tpu.memref_squeeze %dma_start3A_56 : memref<1x32x256xf32, #tpu.memory_space<hbm>> -> memref<32x256xf32, #tpu.memory_space<hbm>>
    %dma_start3A_58 = arith.constant 32 : i32
    %dma_start3A_59 = arith.constant 0 : i32
    %dma_start3A_60 = tpu.memref_slice %arg6[%dma_start3A_58, %dma_start3A_59] : memref<96x256xf32, #tpu.memory_space<vmem>> -> memref<32x256xf32, #tpu.memory_space<vmem>>
    %dma_start3A_61 = arith.constant 0 : i32
    %dma_start3A_62 = tpu.memref_slice %arg2[%add3A_51, %mul3A_32, %dma_start3A_61] : memref<48x64x256xf32, #tpu.memory_space<hbm>> -> memref<1x32x256xf32, #tpu.memory_space<hbm>>
    %dma_start3A_63 = tpu.memref_squeeze %dma_start3A_62 : memref<1x32x256xf32, #tpu.memory_space<hbm>> -> memref<32x256xf32, #tpu.memory_space<hbm>>
    tpu.enqueue_dma source(%dma_start3A_63 : memref<32x256xf32, #tpu.memory_space<hbm>>) target(%dma_start3A_60 : memref<32x256xf32, #tpu.memory_space<vmem>>) target_semaphore(%arg20 : memref<!tpu.dma_semaphore, #tpu.memory_space<semaphore_mem>>)
    %mul3A_64 = arith.constant 3 : i32
    %mul3A_65 = arith.muli %select_n3A, %mul3A_64 : i32
    %add3A_66 = arith.constant 2 : i32
    %add3A_67 = arith.addi %mul3A_65, %add3A_66 : i32
    %dma_start3A_68 = arith.constant 64 : i32
    %dma_start3A_69 = arith.constant 0 : i32
    %dma_start3A_70 = tpu.memref_slice %arg6[%dma_start3A_68, %dma_start3A_69] : memref<96x256xf32, #tpu.memory_space<vmem>> -> memref<32x256xf32, #tpu.memory_space<vmem>>
    %dma_start3A_71 = arith.constant 0 : i32
    %dma_start3A_72 = tpu.memref_slice %arg2[%add3A_67, %mul3A_32, %dma_start3A_71] : memref<48x64x256xf32, #tpu.memory_space<hbm>> -> memref<1x32x256xf32, #tpu.memory_space<hbm>>
    %dma_start3A_73 = tpu.memref_squeeze %dma_start3A_72 : memref<1x32x256xf32, #tpu.memory_space<hbm>> -> memref<32x256xf32, #tpu.memory_space<hbm>>
    %dma_start3A_74 = arith.constant 64 : i32
    %dma_start3A_75 = arith.constant 0 : i32
    %dma_start3A_76 = tpu.memref_slice %arg6[%dma_start3A_74, %dma_start3A_75] : memref<96x256xf32, #tpu.memory_space<vmem>> -> memref<32x256xf32, #tpu.memory_space<vmem>>
    %dma_start3A_77 = arith.constant 0 : i32
    %dma_start3A_78 = tpu.memref_slice %arg2[%add3A_67, %mul3A_32, %dma_start3A_77] : memref<48x64x256xf32, #tpu.memory_space<hbm>> -> memref<1x32x256xf32, #tpu.memory_space<hbm>>
    %dma_start3A_79 = tpu.memref_squeeze %dma_start3A_78 : memref<1x32x256xf32, #tpu.memory_space<hbm>> -> memref<32x256xf32, #tpu.memory_space<hbm>>
    tpu.enqueue_dma source(%dma_start3A_79 : memref<32x256xf32, #tpu.memory_space<hbm>>) target(%dma_start3A_76 : memref<32x256xf32, #tpu.memory_space<vmem>>) target_semaphore(%arg20 : memref<!tpu.dma_semaphore, #tpu.memory_space<semaphore_mem>>)
    %dma_start3A_80 = arith.constant 0 : i32
    %dma_start3A_81 = tpu.memref_slice %arg3[%select_n3A, %dma_start3A_80] : memref<16x448xf32, #tpu.memory_space<hbm>> -> memref<1x448xf32, #tpu.memory_space<hbm>>
    %dma_start3A_82 = tpu.memref_squeeze %dma_start3A_81 : memref<1x448xf32, #tpu.memory_space<hbm>> -> memref<448xf32, #tpu.memory_space<hbm>>
    %dma_start3A_83 = arith.constant 0 : i32
    %dma_start3A_84 = tpu.memref_slice %arg3[%select_n3A, %dma_start3A_83] : memref<16x448xf32, #tpu.memory_space<hbm>> -> memref<1x448xf32, #tpu.memory_space<hbm>>
    %dma_start3A_85 = tpu.memref_squeeze %dma_start3A_84 : memref<1x448xf32, #tpu.memory_space<hbm>> -> memref<448xf32, #tpu.memory_space<hbm>>
    tpu.enqueue_dma source(%dma_start3A_85 : memref<448xf32, #tpu.memory_space<hbm>>) target(%arg7 : memref<448xf32, #tpu.memory_space<vmem>>) target_semaphore(%arg20 : memref<!tpu.dma_semaphore, #tpu.memory_space<semaphore_mem>>)
    %mul3A_86 = arith.constant 3 : i32
    %mul3A_87 = arith.muli %select_n3A, %mul3A_86 : i32
    %add3A_88 = arith.constant 0 : i32
    %add3A_89 = arith.addi %mul3A_87, %add3A_88 : i32
    %dma_start3A_90 = arith.constant 0 : i32
    %dma_start3A_91 = arith.constant 0 : i32
    %dma_start3A_92 = tpu.memref_slice %arg8[%dma_start3A_90, %dma_start3A_91] : memref<96x64xf32, #tpu.memory_space<vmem>> -> memref<32x64xf32, #tpu.memory_space<vmem>>
    %dma_start3A_93 = arith.constant 0 : i32
    %dma_start3A_94 = tpu.memref_slice %arg4[%add3A_89, %mul3A_32, %dma_start3A_93] : memref<48x64x64xf32, #tpu.memory_space<hbm>> -> memref<1x32x64xf32, #tpu.memory_space<hbm>>
    %dma_start3A_95 = tpu.memref_squeeze %dma_start3A_94 : memref<1x32x64xf32, #tpu.memory_space<hbm>> -> memref<32x64xf32, #tpu.memory_space<hbm>>
    %dma_start3A_96 = arith.constant 0 : i32
    %dma_start3A_97 = arith.constant 0 : i32
    %dma_start3A_98 = tpu.memref_slice %arg8[%dma_start3A_96, %dma_start3A_97] : memref<96x64xf32, #tpu.memory_space<vmem>> -> memref<32x64xf32, #tpu.memory_space<vmem>>
    %dma_start3A_99 = arith.constant 0 : i32
    %dma_start3A_100 = tpu.memref_slice %arg4[%add3A_89, %mul3A_32, %dma_start3A_99] : memref<48x64x64xf32, #tpu.memory_space<hbm>> -> memref<1x32x64xf32, #tpu.memory_space<hbm>>
    %dma_start3A_101 = tpu.memref_squeeze %dma_start3A_100 : memref<1x32x64xf32, #tpu.memory_space<hbm>> -> memref<32x64xf32, #tpu.memory_space<hbm>>
    tpu.enqueue_dma source(%dma_start3A_101 : memref<32x64xf32, #tpu.memory_space<hbm>>) target(%dma_start3A_98 : memref<32x64xf32, #tpu.memory_space<vmem>>) target_semaphore(%arg21 : memref<!tpu.dma_semaphore, #tpu.memory_space<semaphore_mem>>)
    %mul3A_102 = arith.constant 3 : i32
    %mul3A_103 = arith.muli %select_n3A, %mul3A_102 : i32
    %add3A_104 = arith.constant 1 : i32
    %add3A_105 = arith.addi %mul3A_103, %add3A_104 : i32
    %dma_start3A_106 = arith.constant 32 : i32
    %dma_start3A_107 = arith.constant 0 : i32
    %dma_start3A_108 = tpu.memref_slice %arg8[%dma_start3A_106, %dma_start3A_107] : memref<96x64xf32, #tpu.memory_space<vmem>> -> memref<32x64xf32, #tpu.memory_space<vmem>>
    %dma_start3A_109 = arith.constant 0 : i32
    %dma_start3A_110 = tpu.memref_slice %arg4[%add3A_105, %mul3A_32, %dma_start3A_109] : memref<48x64x64xf32, #tpu.memory_space<hbm>> -> memref<1x32x64xf32, #tpu.memory_space<hbm>>
    %dma_start3A_111 = tpu.memref_squeeze %dma_start3A_110 : memref<1x32x64xf32, #tpu.memory_space<hbm>> -> memref<32x64xf32, #tpu.memory_space<hbm>>
    %dma_start3A_112 = arith.constant 32 : i32
    %dma_start3A_113 = arith.constant 0 : i32
    %dma_start3A_114 = tpu.memref_slice %arg8[%dma_start3A_112, %dma_start3A_113] : memref<96x64xf32, #tpu.memory_space<vmem>> -> memref<32x64xf32, #tpu.memory_space<vmem>>
    %dma_start3A_115 = arith.constant 0 : i32
    %dma_start3A_116 = tpu.memref_slice %arg4[%add3A_105, %mul3A_32, %dma_start3A_115] : memref<48x64x64xf32, #tpu.memory_space<hbm>> -> memref<1x32x64xf32, #tpu.memory_space<hbm>>
    %dma_start3A_117 = tpu.memref_squeeze %dma_start3A_116 : memref<1x32x64xf32, #tpu.memory_space<hbm>> -> memref<32x64xf32, #tpu.memory_space<hbm>>
    tpu.enqueue_dma source(%dma_start3A_117 : memref<32x64xf32, #tpu.memory_space<hbm>>) target(%dma_start3A_114 : memref<32x64xf32, #tpu.memory_space<vmem>>) target_semaphore(%arg21 : memref<!tpu.dma_semaphore, #tpu.memory_space<semaphore_mem>>)
    %mul3A_118 = arith.constant 3 : i32
    %mul3A_119 = arith.muli %select_n3A, %mul3A_118 : i32
    %add3A_120 = arith.constant 2 : i32
    %add3A_121 = arith.addi %mul3A_119, %add3A_120 : i32
    %dma_start3A_122 = arith.constant 64 : i32
    %dma_start3A_123 = arith.constant 0 : i32
    %dma_start3A_124 = tpu.memref_slice %arg8[%dma_start3A_122, %dma_start3A_123] : memref<96x64xf32, #tpu.memory_space<vmem>> -> memref<32x64xf32, #tpu.memory_space<vmem>>
    %dma_start3A_125 = arith.constant 0 : i32
    %dma_start3A_126 = tpu.memref_slice %arg4[%add3A_121, %mul3A_32, %dma_start3A_125] : memref<48x64x64xf32, #tpu.memory_space<hbm>> -> memref<1x32x64xf32, #tpu.memory_space<hbm>>
    %dma_start3A_127 = tpu.memref_squeeze %dma_start3A_126 : memref<1x32x64xf32, #tpu.memory_space<hbm>> -> memref<32x64xf32, #tpu.memory_space<hbm>>
    %dma_start3A_128 = arith.constant 64 : i32
    %dma_start3A_129 = arith.constant 0 : i32
    %dma_start3A_130 = tpu.memref_slice %arg8[%dma_start3A_128, %dma_start3A_129] : memref<96x64xf32, #tpu.memory_space<vmem>> -> memref<32x64xf32, #tpu.memory_space<vmem>>
    %dma_start3A_131 = arith.constant 0 : i32
    %dma_start3A_132 = tpu.memref_slice %arg4[%add3A_121, %mul3A_32, %dma_start3A_131] : memref<48x64x64xf32, #tpu.memory_space<hbm>> -> memref<1x32x64xf32, #tpu.memory_space<hbm>>
    %dma_start3A_133 = tpu.memref_squeeze %dma_start3A_132 : memref<1x32x64xf32, #tpu.memory_space<hbm>> -> memref<32x64xf32, #tpu.memory_space<hbm>>
    tpu.enqueue_dma source(%dma_start3A_133 : memref<32x64xf32, #tpu.memory_space<hbm>>) target(%dma_start3A_130 : memref<32x64xf32, #tpu.memory_space<vmem>>) target_semaphore(%arg21 : memref<!tpu.dma_semaphore, #tpu.memory_space<semaphore_mem>>)
    %dma_wait3A = arith.constant 0 : i32
    %dma_wait3A_134 = arith.constant 0 : i32
    %dma_wait3A_135 = tpu.memref_slice %arg6[%dma_wait3A, %dma_wait3A_134] : memref<96x256xf32, #tpu.memory_space<vmem>> -> memref<32x256xf32, #tpu.memory_space<vmem>>
    %dma_wait3A_136 = arith.constant 0 : i32
    %dma_wait3A_137 = tpu.memref_slice %arg2[%add3A_36, %mul3A_32, %dma_wait3A_136] : memref<48x64x256xf32, #tpu.memory_space<hbm>> -> memref<1x32x256xf32, #tpu.memory_space<hbm>>
    %dma_wait3A_138 = tpu.memref_squeeze %dma_wait3A_137 : memref<1x32x256xf32, #tpu.memory_space<hbm>> -> memref<32x256xf32, #tpu.memory_space<hbm>>
    %dma_wait3A_139 = arith.constant 0 : i32
    %dma_wait3A_140 = arith.constant 0 : i32
    %dma_wait3A_141 = tpu.memref_slice %arg6[%dma_wait3A_139, %dma_wait3A_140] : memref<96x256xf32, #tpu.memory_space<vmem>> -> memref<32x256xf32, #tpu.memory_space<vmem>>
    %dma_wait3A_142 = arith.constant 0 : i32
    %dma_wait3A_143 = tpu.memref_slice %arg2[%add3A_36, %mul3A_32, %dma_wait3A_142] : memref<48x64x256xf32, #tpu.memory_space<hbm>> -> memref<1x32x256xf32, #tpu.memory_space<hbm>>
    %dma_wait3A_144 = tpu.memref_squeeze %dma_wait3A_143 : memref<1x32x256xf32, #tpu.memory_space<hbm>> -> memref<32x256xf32, #tpu.memory_space<hbm>>
    tpu.wait_dma2 semaphore(%arg20 : memref<!tpu.dma_semaphore, #tpu.memory_space<semaphore_mem>>) src(%dma_wait3A_144 : memref<32x256xf32, #tpu.memory_space<hbm>>) dst(%dma_wait3A_141 : memref<32x256xf32, #tpu.memory_space<vmem>>)
    %dma_wait3A_145 = arith.constant 32 : i32
    %dma_wait3A_146 = arith.constant 0 : i32
    %dma_wait3A_147 = tpu.memref_slice %arg6[%dma_wait3A_145, %dma_wait3A_146] : memref<96x256xf32, #tpu.memory_space<vmem>> -> memref<32x256xf32, #tpu.memory_space<vmem>>
    %dma_wait3A_148 = arith.constant 0 : i32
    %dma_wait3A_149 = tpu.memref_slice %arg2[%add3A_51, %mul3A_32, %dma_wait3A_148] : memref<48x64x256xf32, #tpu.memory_space<hbm>> -> memref<1x32x256xf32, #tpu.memory_space<hbm>>
    %dma_wait3A_150 = tpu.memref_squeeze %dma_wait3A_149 : memref<1x32x256xf32, #tpu.memory_space<hbm>> -> memref<32x256xf32, #tpu.memory_space<hbm>>
    %dma_wait3A_151 = arith.constant 32 : i32
    %dma_wait3A_152 = arith.constant 0 : i32
    %dma_wait3A_153 = tpu.memref_slice %arg6[%dma_wait3A_151, %dma_wait3A_152] : memref<96x256xf32, #tpu.memory_space<vmem>> -> memref<32x256xf32, #tpu.memory_space<vmem>>
    %dma_wait3A_154 = arith.constant 0 : i32
    %dma_wait3A_155 = tpu.memref_slice %arg2[%add3A_51, %mul3A_32, %dma_wait3A_154] : memref<48x64x256xf32, #tpu.memory_space<hbm>> -> memref<1x32x256xf32, #tpu.memory_space<hbm>>
    %dma_wait3A_156 = tpu.memref_squeeze %dma_wait3A_155 : memref<1x32x256xf32, #tpu.memory_space<hbm>> -> memref<32x256xf32, #tpu.memory_space<hbm>>
    tpu.wait_dma2 semaphore(%arg20 : memref<!tpu.dma_semaphore, #tpu.memory_space<semaphore_mem>>) src(%dma_wait3A_156 : memref<32x256xf32, #tpu.memory_space<hbm>>) dst(%dma_wait3A_153 : memref<32x256xf32, #tpu.memory_space<vmem>>)
    %dma_wait3A_157 = arith.constant 64 : i32
    %dma_wait3A_158 = arith.constant 0 : i32
    %dma_wait3A_159 = tpu.memref_slice %arg6[%dma_wait3A_157, %dma_wait3A_158] : memref<96x256xf32, #tpu.memory_space<vmem>> -> memref<32x256xf32, #tpu.memory_space<vmem>>
    %dma_wait3A_160 = arith.constant 0 : i32
    %dma_wait3A_161 = tpu.memref_slice %arg2[%add3A_67, %mul3A_32, %dma_wait3A_160] : memref<48x64x256xf32, #tpu.memory_space<hbm>> -> memref<1x32x256xf32, #tpu.memory_space<hbm>>
    %dma_wait3A_162 = tpu.memref_squeeze %dma_wait3A_161 : memref<1x32x256xf32, #tpu.memory_space<hbm>> -> memref<32x256xf32, #tpu.memory_space<hbm>>
    %dma_wait3A_163 = arith.constant 64 : i32
    %dma_wait3A_164 = arith.constant 0 : i32
    %dma_wait3A_165 = tpu.memref_slice %arg6[%dma_wait3A_163, %dma_wait3A_164] : memref<96x256xf32, #tpu.memory_space<vmem>> -> memref<32x256xf32, #tpu.memory_space<vmem>>
    %dma_wait3A_166 = arith.constant 0 : i32
    %dma_wait3A_167 = tpu.memref_slice %arg2[%add3A_67, %mul3A_32, %dma_wait3A_166] : memref<48x64x256xf32, #tpu.memory_space<hbm>> -> memref<1x32x256xf32, #tpu.memory_space<hbm>>
    %dma_wait3A_168 = tpu.memref_squeeze %dma_wait3A_167 : memref<1x32x256xf32, #tpu.memory_space<hbm>> -> memref<32x256xf32, #tpu.memory_space<hbm>>
    tpu.wait_dma2 semaphore(%arg20 : memref<!tpu.dma_semaphore, #tpu.memory_space<semaphore_mem>>) src(%dma_wait3A_168 : memref<32x256xf32, #tpu.memory_space<hbm>>) dst(%dma_wait3A_165 : memref<32x256xf32, #tpu.memory_space<vmem>>)
    %dma_wait3A_169 = arith.constant 0 : i32
    %dma_wait3A_170 = tpu.memref_slice %arg3[%select_n3A, %dma_wait3A_169] : memref<16x448xf32, #tpu.memory_space<hbm>> -> memref<1x448xf32, #tpu.memory_space<hbm>>
    %dma_wait3A_171 = tpu.memref_squeeze %dma_wait3A_170 : memref<1x448xf32, #tpu.memory_space<hbm>> -> memref<448xf32, #tpu.memory_space<hbm>>
    %dma_wait3A_172 = arith.constant 0 : i32
    %dma_wait3A_173 = tpu.memref_slice %arg3[%select_n3A, %dma_wait3A_172] : memref<16x448xf32, #tpu.memory_space<hbm>> -> memref<1x448xf32, #tpu.memory_space<hbm>>
    %dma_wait3A_174 = tpu.memref_squeeze %dma_wait3A_173 : memref<1x448xf32, #tpu.memory_space<hbm>> -> memref<448xf32, #tpu.memory_space<hbm>>
    tpu.wait_dma2 semaphore(%arg20 : memref<!tpu.dma_semaphore, #tpu.memory_space<semaphore_mem>>) src(%dma_wait3A_174 : memref<448xf32, #tpu.memory_space<hbm>>) dst(%arg7 : memref<448xf32, #tpu.memory_space<vmem>>)
    %iota3A = tpu.iota {dimensions = array<i32: 0>} : vector<16xi32>
    %mul3A_175 = arith.constant 4 : i32
    %mul3A_176 = vector.broadcast %mul3A_175 : i32 to vector<16xi32>
    %mul3A_177 = arith.muli %iota3A, %mul3A_176 : vector<16xi32>
    %broadcast_in_dim3A = arith.constant -3.400000e+38 : f32
    %broadcast_in_dim3A_178 = vector.broadcast %broadcast_in_dim3A : f32 to vector<16xf32>
    %broadcast_in_dim3A_179 = arith.constant 3.400000e+38 : f32
    %broadcast_in_dim3A_180 = vector.broadcast %broadcast_in_dim3A_179 : f32 to vector<16xf32>
    %parallel_loop3A = arith.constant 0 : i32
    %parallel_loop3A_181 = arith.constant 96 : i32
    %parallel_loop3A_182 = arith.constant 1 : i32
    %parallel_loop3A_183:2 = scf.for %parallel_loop3A_540 = %parallel_loop3A to %parallel_loop3A_181 step %parallel_loop3A_182 iter_args(%parallel_loop3A_541 = %broadcast_in_dim3A_178, %parallel_loop3A_542 = %broadcast_in_dim3A_180) -> (vector<16xf32>, vector<16xf32>)  : i32 {
      %parallel_loop3A_543 = arith.index_cast %parallel_loop3A_540 : i32 to index
      %parallel_loop3A_544 = arith.constant 0 : index
      %parallel_loop3A_545 = tpu.vector_load %arg6[%parallel_loop3A_543, %parallel_loop3A_544] {strides = array<i32>} : memref<96x256xf32, #tpu.memory_space<vmem>>, vector<16xf32>,
      %parallel_loop3A_546 = arith.maximumf %parallel_loop3A_541, %parallel_loop3A_545 : vector<16xf32>
      %parallel_loop3A_547 = arith.minimumf %parallel_loop3A_542, %parallel_loop3A_545 : vector<16xf32>
      %parallel_loop3A_548 = arith.index_cast %parallel_loop3A_540 : i32 to index
      %parallel_loop3A_549 = arith.constant 16 : index
      %parallel_loop3A_550 = tpu.vector_load %arg6[%parallel_loop3A_548, %parallel_loop3A_549] {strides = array<i32>} : memref<96x256xf32, #tpu.memory_space<vmem>>, vector<16xf32>,
      %parallel_loop3A_551 = arith.maximumf %parallel_loop3A_546, %parallel_loop3A_550 : vector<16xf32>
      %parallel_loop3A_552 = arith.minimumf %parallel_loop3A_547, %parallel_loop3A_550 : vector<16xf32>
      %parallel_loop3A_553 = arith.index_cast %parallel_loop3A_540 : i32 to index
      %parallel_loop3A_554 = arith.constant 32 : index
      %parallel_loop3A_555 = tpu.vector_load %arg6[%parallel_loop3A_553, %parallel_loop3A_554] {strides = array<i32>} : memref<96x256xf32, #tpu.memory_space<vmem>>, vector<16xf32>,
      %parallel_loop3A_556 = arith.maximumf %parallel_loop3A_551, %parallel_loop3A_555 : vector<16xf32>
      %parallel_loop3A_557 = arith.minimumf %parallel_loop3A_552, %parallel_loop3A_555 : vector<16xf32>
      %parallel_loop3A_558 = arith.index_cast %parallel_loop3A_540 : i32 to index
      %parallel_loop3A_559 = arith.constant 48 : index
      %parallel_loop3A_560 = tpu.vector_load %arg6[%parallel_loop3A_558, %parallel_loop3A_559] {strides = array<i32>} : memref<96x256xf32, #tpu.memory_space<vmem>>, vector<16xf32>,
      %parallel_loop3A_561 = arith.maximumf %parallel_loop3A_556, %parallel_loop3A_560 : vector<16xf32>
      %parallel_loop3A_562 = arith.minimumf %parallel_loop3A_557, %parallel_loop3A_560 : vector<16xf32>
      %parallel_loop3A_563 = arith.index_cast %parallel_loop3A_540 : i32 to index
      %parallel_loop3A_564 = arith.constant 64 : index
      %parallel_loop3A_565 = tpu.vector_load %arg6[%parallel_loop3A_563, %parallel_loop3A_564] {strides = array<i32>} : memref<96x256xf32, #tpu.memory_space<vmem>>, vector<16xf32>,
      %parallel_loop3A_566 = arith.maximumf %parallel_loop3A_561, %parallel_loop3A_565 : vector<16xf32>
      %parallel_loop3A_567 = arith.minimumf %parallel_loop3A_562, %parallel_loop3A_565 : vector<16xf32>
      %parallel_loop3A_568 = arith.index_cast %parallel_loop3A_540 : i32 to index
      %parallel_loop3A_569 = arith.constant 80 : index
      %parallel_loop3A_570 = tpu.vector_load %arg6[%parallel_loop3A_568, %parallel_loop3A_569] {strides = array<i32>} : memref<96x256xf32, #tpu.memory_space<vmem>>, vector<16xf32>,
      %parallel_loop3A_571 = arith.maximumf %parallel_loop3A_566, %parallel_loop3A_570 : vector<16xf32>
      %parallel_loop3A_572 = arith.minimumf %parallel_loop3A_567, %parallel_loop3A_570 : vector<16xf32>
      %parallel_loop3A_573 = arith.index_cast %parallel_loop3A_540 : i32 to index
      %parallel_loop3A_574 = arith.constant 96 : index
      %parallel_loop3A_575 = tpu.vector_load %arg6[%parallel_loop3A_573, %parallel_loop3A_574] {strides = array<i32>} : memref<96x256xf32, #tpu.memory_space<vmem>>, vector<16xf32>,
      %parallel_loop3A_576 = arith.maximumf %parallel_loop3A_571, %parallel_loop3A_575 : vector<16xf32>
      %parallel_loop3A_577 = arith.minimumf %parallel_loop3A_572, %parallel_loop3A_575 : vector<16xf32>
      %parallel_loop3A_578 = arith.index_cast %parallel_loop3A_540 : i32 to index
      %parallel_loop3A_579 = arith.constant 112 : index
      %parallel_loop3A_580 = tpu.vector_load %arg6[%parallel_loop3A_578, %parallel_loop3A_579] {strides = array<i32>} : memref<96x256xf32, #tpu.memory_space<vmem>>, vector<16xf32>,
      %parallel_loop3A_581 = arith.maximumf %parallel_loop3A_576, %parallel_loop3A_580 : vector<16xf32>
      %parallel_loop3A_582 = arith.minimumf %parallel_loop3A_577, %parallel_loop3A_580 : vector<16xf32>
      %parallel_loop3A_583 = arith.index_cast %parallel_loop3A_540 : i32 to index
      %parallel_loop3A_584 = arith.constant 128 : index
      %parallel_loop3A_585 = tpu.vector_load %arg6[%parallel_loop3A_583, %parallel_loop3A_584] {strides = array<i32>} : memref<96x256xf32, #tpu.memory_space<vmem>>, vector<16xf32>,
      %parallel_loop3A_586 = arith.maximumf %parallel_loop3A_581, %parallel_loop3A_585 : vector<16xf32>
      %parallel_loop3A_587 = arith.minimumf %parallel_loop3A_582, %parallel_loop3A_585 : vector<16xf32>
      %parallel_loop3A_588 = arith.index_cast %parallel_loop3A_540 : i32 to index
      %parallel_loop3A_589 = arith.constant 144 : index
      %parallel_loop3A_590 = tpu.vector_load %arg6[%parallel_loop3A_588, %parallel_loop3A_589] {strides = array<i32>} : memref<96x256xf32, #tpu.memory_space<vmem>>, vector<16xf32>,
      %parallel_loop3A_591 = arith.maximumf %parallel_loop3A_586, %parallel_loop3A_590 : vector<16xf32>
      %parallel_loop3A_592 = arith.minimumf %parallel_loop3A_587, %parallel_loop3A_590 : vector<16xf32>
      %parallel_loop3A_593 = arith.index_cast %parallel_loop3A_540 : i32 to index
      %parallel_loop3A_594 = arith.constant 160 : index
      %parallel_loop3A_595 = tpu.vector_load %arg6[%parallel_loop3A_593, %parallel_loop3A_594] {strides = array<i32>} : memref<96x256xf32, #tpu.memory_space<vmem>>, vector<16xf32>,
      %parallel_loop3A_596 = arith.maximumf %parallel_loop3A_591, %parallel_loop3A_595 : vector<16xf32>
      %parallel_loop3A_597 = arith.minimumf %parallel_loop3A_592, %parallel_loop3A_595 : vector<16xf32>
      %parallel_loop3A_598 = arith.index_cast %parallel_loop3A_540 : i32 to index
      %parallel_loop3A_599 = arith.constant 176 : index
      %parallel_loop3A_600 = tpu.vector_load %arg6[%parallel_loop3A_598, %parallel_loop3A_599] {strides = array<i32>} : memref<96x256xf32, #tpu.memory_space<vmem>>, vector<16xf32>,
      %parallel_loop3A_601 = arith.maximumf %parallel_loop3A_596, %parallel_loop3A_600 : vector<16xf32>
      %parallel_loop3A_602 = arith.minimumf %parallel_loop3A_597, %parallel_loop3A_600 : vector<16xf32>
      %parallel_loop3A_603 = arith.index_cast %parallel_loop3A_540 : i32 to index
      %parallel_loop3A_604 = arith.constant 192 : index
      %parallel_loop3A_605 = tpu.vector_load %arg6[%parallel_loop3A_603, %parallel_loop3A_604] {strides = array<i32>} : memref<96x256xf32, #tpu.memory_space<vmem>>, vector<16xf32>,
      %parallel_loop3A_606 = arith.maximumf %parallel_loop3A_601, %parallel_loop3A_605 : vector<16xf32>
      %parallel_loop3A_607 = arith.minimumf %parallel_loop3A_602, %parallel_loop3A_605 : vector<16xf32>
      %parallel_loop3A_608 = arith.index_cast %parallel_loop3A_540 : i32 to index
      %parallel_loop3A_609 = arith.constant 208 : index
      %parallel_loop3A_610 = tpu.vector_load %arg6[%parallel_loop3A_608, %parallel_loop3A_609] {strides = array<i32>} : memref<96x256xf32, #tpu.memory_space<vmem>>, vector<16xf32>,
      %parallel_loop3A_611 = arith.maximumf %parallel_loop3A_606, %parallel_loop3A_610 : vector<16xf32>
      %parallel_loop3A_612 = arith.minimumf %parallel_loop3A_607, %parallel_loop3A_610 : vector<16xf32>
      %parallel_loop3A_613 = arith.index_cast %parallel_loop3A_540 : i32 to index
      %parallel_loop3A_614 = arith.constant 224 : index
      %parallel_loop3A_615 = tpu.vector_load %arg6[%parallel_loop3A_613, %parallel_loop3A_614] {strides = array<i32>} : memref<96x256xf32, #tpu.memory_space<vmem>>, vector<16xf32>,
      %parallel_loop3A_616 = arith.maximumf %parallel_loop3A_611, %parallel_loop3A_615 : vector<16xf32>
      %parallel_loop3A_617 = arith.minimumf %parallel_loop3A_612, %parallel_loop3A_615 : vector<16xf32>
      %parallel_loop3A_618 = arith.index_cast %parallel_loop3A_540 : i32 to index
      %parallel_loop3A_619 = arith.constant 240 : index
      %parallel_loop3A_620 = tpu.vector_load %arg6[%parallel_loop3A_618, %parallel_loop3A_619] {strides = array<i32>} : memref<96x256xf32, #tpu.memory_space<vmem>>, vector<16xf32>,
      %parallel_loop3A_621 = arith.maximumf %parallel_loop3A_616, %parallel_loop3A_620 : vector<16xf32>
      %parallel_loop3A_622 = arith.minimumf %parallel_loop3A_617, %parallel_loop3A_620 : vector<16xf32>
      scf.yield %parallel_loop3A_621, %parallel_loop3A_622 : vector<16xf32>, vector<16xf32>
    } {sc.loop_unroll_factor = 2 : i64, sc.parallel_access}
    %jit3A_184 = arith.constant 4 : i32
    %eq3A_185 = arith.constant 0 : i32
    %eq3A_186 = arith.cmpi eq, %jit3A_184, %eq3A_185 : i32
    %jit3A_187 = arith.constant 1 : i32
    %select_n3A_188 = arith.select %eq3A_186, %jit3A_187, %jit3A_184 : i32
    %rem3A_189 = vector.broadcast %select_n3A_188 : i32 to vector<16xi32>
    %rem3A_190 = arith.remsi %iota3A, %rem3A_189 : vector<16xi32>
    %ne3A_191 = arith.constant 0 : i32
    %ne3A_192 = vector.broadcast %ne3A_191 : i32 to vector<16xi32>
    %ne3A_193 = arith.cmpi ne, %rem3A_190, %ne3A_192 : vector<16xi32>
    %lt3A_194 = arith.constant 0 : i32
    %lt3A_195 = vector.broadcast %lt3A_194 : i32 to vector<16xi32>
    %lt3A_196 = arith.cmpi slt, %rem3A_190, %lt3A_195 : vector<16xi32>
    %lt3A_197 = arith.constant 0 : i32
    %lt3A_198 = arith.cmpi slt, %select_n3A_188, %lt3A_197 : i32
    %ne3A_199 = vector.broadcast %lt3A_198 : i1 to vector<16xi1>
    %ne3A_200 = vector.broadcast %ne3A_199 : vector<16xi1> to vector<16xi1>
    %ne3A_201 = arith.xori %lt3A_196, %ne3A_200 : vector<16xi1>
    %and3A_202 = arith.andi %ne3A_201, %ne3A_193 : vector<16xi1>
    %add3A_203 = vector.broadcast %select_n3A_188 : i32 to vector<16xi32>
    %add3A_204 = arith.addi %rem3A_190, %add3A_203 : vector<16xi32>
    %select_n3A_205 = arith.select %and3A_202, %add3A_204, %rem3A_190 : vector<16xi1>, vector<16xi32>
    %eq3A_206 = arith.constant 2 : i32
    %eq3A_207 = vector.broadcast %eq3A_206 : i32 to vector<16xi32>
    %eq3A_208 = arith.cmpi eq, %select_n3A_205, %eq3A_207 : vector<16xi32>
    %jit3A_209 = arith.constant 4 : i32
    %eq3A_210 = arith.constant 0 : i32
    %eq3A_211 = arith.cmpi eq, %jit3A_209, %eq3A_210 : i32
    %jit3A_212 = arith.constant 1 : i32
    %select_n3A_213 = arith.select %eq3A_211, %jit3A_212, %jit3A_209 : i32
    %rem3A_214 = vector.broadcast %select_n3A_213 : i32 to vector<16xi32>
    %rem3A_215 = arith.remsi %iota3A, %rem3A_214 : vector<16xi32>
    %ne3A_216 = arith.constant 0 : i32
    %ne3A_217 = vector.broadcast %ne3A_216 : i32 to vector<16xi32>
    %ne3A_218 = arith.cmpi ne, %rem3A_215, %ne3A_217 : vector<16xi32>
    %lt3A_219 = arith.constant 0 : i32
    %lt3A_220 = vector.broadcast %lt3A_219 : i32 to vector<16xi32>
    %lt3A_221 = arith.cmpi slt, %rem3A_215, %lt3A_220 : vector<16xi32>
    %lt3A_222 = arith.constant 0 : i32
    %lt3A_223 = arith.cmpi slt, %select_n3A_213, %lt3A_222 : i32
    %ne3A_224 = vector.broadcast %lt3A_223 : i1 to vector<16xi1>
    %ne3A_225 = vector.broadcast %ne3A_224 : vector<16xi1> to vector<16xi1>
    %ne3A_226 = arith.xori %lt3A_221, %ne3A_225 : vector<16xi1>
    %and3A_227 = arith.andi %ne3A_226, %ne3A_218 : vector<16xi1>
    %add3A_228 = vector.broadcast %select_n3A_213 : i32 to vector<16xi32>
    %add3A_229 = arith.addi %rem3A_215, %add3A_228 : vector<16xi32>
    %select_n3A_230 = arith.select %and3A_227, %add3A_229, %rem3A_215 : vector<16xi1>, vector<16xi32>
    %eq3A_231 = arith.constant 3 : i32
    %eq3A_232 = vector.broadcast %eq3A_231 : i32 to vector<16xi32>
    %eq3A_233 = arith.cmpi eq, %select_n3A_230, %eq3A_232 : vector<16xi32>
    %jit3A_234 = arith.constant -3.400000e+38 : f32
    %broadcast_in_dim3A_235 = vector.broadcast %jit3A_234 : f32 to vector<16xf32>
    %select_n3A_236 = arith.select %eq3A_208, %parallel_loop3A_183#0, %broadcast_in_dim3A_235 : vector<16xi1>, vector<16xf32>
    %reduce_max3A = arith.constant true
    %reduce_max3A_237 = vector.broadcast %reduce_max3A : i1 to vector<16xi1>
    %reduce_max3A_238 = tpu.scan <max>, %select_n3A_236 masked %reduce_max3A_237 : vector<16xf32>, vector<16xi1> -> vector<16xf32>
    %reduce_max3A_239 = vector.extract %reduce_max3A_238[15] : f32 from vector<16xf32>
    %jit3A_240 = arith.constant -3.400000e+38 : f32
    %broadcast_in_dim3A_241 = vector.broadcast %jit3A_240 : f32 to vector<16xf32>
    %select_n3A_242 = arith.select %eq3A_233, %parallel_loop3A_183#0, %broadcast_in_dim3A_241 : vector<16xi1>, vector<16xf32>
    %reduce_max3A_243 = arith.constant true
    %reduce_max3A_244 = vector.broadcast %reduce_max3A_243 : i1 to vector<16xi1>
    %reduce_max3A_245 = tpu.scan <max>, %select_n3A_242 masked %reduce_max3A_244 : vector<16xf32>, vector<16xi1> -> vector<16xf32>
    %reduce_max3A_246 = vector.extract %reduce_max3A_245[15] : f32 from vector<16xf32>
    %jit3A_247 = arith.constant 3.400000e+38 : f32
    %broadcast_in_dim3A_248 = vector.broadcast %jit3A_247 : f32 to vector<16xf32>
    %select_n3A_249 = arith.select %eq3A_208, %parallel_loop3A_183#1, %broadcast_in_dim3A_248 : vector<16xi1>, vector<16xf32>
    %reduce_min3A = arith.constant true
    %reduce_min3A_250 = vector.broadcast %reduce_min3A : i1 to vector<16xi1>
    %reduce_min3A_251 = tpu.scan <min>, %select_n3A_249 masked %reduce_min3A_250 : vector<16xf32>, vector<16xi1> -> vector<16xf32>
    %reduce_min3A_252 = vector.extract %reduce_min3A_251[15] : f32 from vector<16xf32>
    %jit3A_253 = arith.constant 3.400000e+38 : f32
    %broadcast_in_dim3A_254 = vector.broadcast %jit3A_253 : f32 to vector<16xf32>
    %select_n3A_255 = arith.select %eq3A_233, %parallel_loop3A_183#1, %broadcast_in_dim3A_254 : vector<16xi1>, vector<16xf32>
    %reduce_min3A_256 = arith.constant true
    %reduce_min3A_257 = vector.broadcast %reduce_min3A_256 : i1 to vector<16xi1>
    %reduce_min3A_258 = tpu.scan <min>, %select_n3A_255 masked %reduce_min3A_257 : vector<16xf32>, vector<16xi1> -> vector<16xf32>
    %reduce_min3A_259 = vector.extract %reduce_min3A_258[15] : f32 from vector<16xf32>
    %mul3A_260 = arith.mulf %reduce_max3A_239, %reduce_max3A_246 : f32
    %mul3A_261 = arith.constant 0.333366662 : f32
    %mul3A_262 = arith.mulf %mul3A_260, %mul3A_261 : f32
    %mul3A_263 = arith.mulf %reduce_min3A_252, %reduce_min3A_259 : f32
    %mul3A_264 = arith.constant 3.333000e-01 : f32
    %mul3A_265 = arith.mulf %mul3A_263, %mul3A_264 : f32
    %broadcast_in_dim3A_266 = arith.constant 0 : i32
    %broadcast_in_dim3A_267 = vector.broadcast %broadcast_in_dim3A_266 : i32 to vector<16xi32>
    %add3A_268 = arith.constant 0 : i32
    %add3A_269 = vector.broadcast %add3A_268 : i32 to vector<16xi32>
    %add3A_270 = arith.addi %mul3A_177, %add3A_269 : vector<16xi32>
    %add3A_271 = arith.constant 2 : i32
    %add3A_272 = vector.broadcast %add3A_271 : i32 to vector<16xi32>
    %add3A_273 = arith.addi %add3A_270, %add3A_272 : vector<16xi32>
    %gather3A = tpu.vector_load_idx %arg7[%add3A_273] : memref<448xf32, #tpu.memory_space<vmem>>[vector<16xi32>], vector<16xf32>,
    %mul3A_274 = arith.constant 5.120000e+02 : f32
    %mul3A_275 = vector.broadcast %mul3A_274 : f32 to vector<16xf32>
    %mul3A_276 = arith.mulf %gather3A, %mul3A_275 : vector<16xf32>
    %add3A_277 = arith.constant 3 : i32
    %add3A_278 = vector.broadcast %add3A_277 : i32 to vector<16xi32>
    %add3A_279 = arith.addi %add3A_270, %add3A_278 : vector<16xi32>
    %gather3A_280 = tpu.vector_load_idx %arg7[%add3A_279] : memref<448xf32, #tpu.memory_space<vmem>>[vector<16xi32>], vector<16xf32>,
    %mul3A_281 = arith.constant 5.120000e+02 : f32
    %mul3A_282 = vector.broadcast %mul3A_281 : f32 to vector<16xf32>
    %mul3A_283 = arith.mulf %gather3A_280, %mul3A_282 : vector<16xf32>
    %mul3A_284 = arith.mulf %mul3A_276, %mul3A_283 : vector<16xf32>
    %mul3A_285 = arith.constant 0.333333343 : f32
    %mul3A_286 = vector.broadcast %mul3A_285 : f32 to vector<16xf32>
    %mul3A_287 = arith.mulf %mul3A_284, %mul3A_286 : vector<16xf32>
    %mul3A_288 = arith.constant 6.000000e+00 : f32
    %mul3A_289 = arith.mulf %mul3A_262, %mul3A_288 : f32
    %lt3A_290 = vector.broadcast %mul3A_289 : f32 to vector<16xf32>
    %lt3A_291 = arith.cmpf olt, %mul3A_287, %lt3A_290 : vector<16xf32>
    %mul3A_292 = arith.constant 6.000000e+00 : f32
    %mul3A_293 = vector.broadcast %mul3A_292 : f32 to vector<16xf32>
    %mul3A_294 = arith.mulf %mul3A_287, %mul3A_293 : vector<16xf32>
    %gt3A = vector.broadcast %mul3A_265 : f32 to vector<16xf32>
    %gt3A_295 = arith.cmpf ogt, %mul3A_294, %gt3A : vector<16xf32>
    %and3A_296 = arith.andi %lt3A_291, %gt3A_295 : vector<16xi1>
    %jit3A_297 = arith.constant 1 : i32
    %jit3A_298 = arith.constant 0 : i32
    %broadcast_in_dim3A_299 = vector.broadcast %jit3A_297 : i32 to vector<16xi32>
    %broadcast_in_dim3A_300 = vector.broadcast %jit3A_298 : i32 to vector<16xi32>
    %select_n3A_301 = arith.select %and3A_296, %broadcast_in_dim3A_299, %broadcast_in_dim3A_300 : vector<16xi1>, vector<16xi32>
    %or3A = arith.ori %broadcast_in_dim3A_267, %select_n3A_301 : vector<16xi32>
    %add3A_302 = arith.constant 64 : i32
    %add3A_303 = vector.broadcast %add3A_302 : i32 to vector<16xi32>
    %add3A_304 = arith.addi %mul3A_177, %add3A_303 : vector<16xi32>
    %add3A_305 = arith.constant 2 : i32
    %add3A_306 = vector.broadcast %add3A_305 : i32 to vector<16xi32>
    %add3A_307 = arith.addi %add3A_304, %add3A_306 : vector<16xi32>
    %gather3A_308 = tpu.vector_load_idx %arg7[%add3A_307] : memref<448xf32, #tpu.memory_space<vmem>>[vector<16xi32>], vector<16xf32>,
    %mul3A_309 = arith.constant 5.120000e+02 : f32
    %mul3A_310 = vector.broadcast %mul3A_309 : f32 to vector<16xf32>
    %mul3A_311 = arith.mulf %gather3A_308, %mul3A_310 : vector<16xf32>
    %add3A_312 = arith.constant 3 : i32
    %add3A_313 = vector.broadcast %add3A_312 : i32 to vector<16xi32>
    %add3A_314 = arith.addi %add3A_304, %add3A_313 : vector<16xi32>
    %gather3A_315 = tpu.vector_load_idx %arg7[%add3A_314] : memref<448xf32, #tpu.memory_space<vmem>>[vector<16xi32>], vector<16xf32>,
    %mul3A_316 = arith.constant 5.120000e+02 : f32
    %mul3A_317 = vector.broadcast %mul3A_316 : f32 to vector<16xf32>
    %mul3A_318 = arith.mulf %gather3A_315, %mul3A_317 : vector<16xf32>
    %mul3A_319 = arith.mulf %mul3A_311, %mul3A_318 : vector<16xf32>
    %mul3A_320 = arith.constant 0.333333343 : f32
    %mul3A_321 = vector.broadcast %mul3A_320 : f32 to vector<16xf32>
    %mul3A_322 = arith.mulf %mul3A_319, %mul3A_321 : vector<16xf32>
    %mul3A_323 = arith.constant 6.000000e+00 : f32
    %mul3A_324 = arith.mulf %mul3A_262, %mul3A_323 : f32
    %lt3A_325 = vector.broadcast %mul3A_324 : f32 to vector<16xf32>
    %lt3A_326 = arith.cmpf olt, %mul3A_322, %lt3A_325 : vector<16xf32>
    %mul3A_327 = arith.constant 6.000000e+00 : f32
    %mul3A_328 = vector.broadcast %mul3A_327 : f32 to vector<16xf32>
    %mul3A_329 = arith.mulf %mul3A_322, %mul3A_328 : vector<16xf32>
    %gt3A_330 = vector.broadcast %mul3A_265 : f32 to vector<16xf32>
    %gt3A_331 = arith.cmpf ogt, %mul3A_329, %gt3A_330 : vector<16xf32>
    %and3A_332 = arith.andi %lt3A_326, %gt3A_331 : vector<16xi1>
    %jit3A_333 = arith.constant 1 : i32
    %jit3A_334 = arith.constant 0 : i32
    %broadcast_in_dim3A_335 = vector.broadcast %jit3A_333 : i32 to vector<16xi32>
    %broadcast_in_dim3A_336 = vector.broadcast %jit3A_334 : i32 to vector<16xi32>
    %select_n3A_337 = arith.select %and3A_332, %broadcast_in_dim3A_335, %broadcast_in_dim3A_336 : vector<16xi1>, vector<16xi32>
    %or3A_338 = arith.ori %or3A, %select_n3A_337 : vector<16xi32>
    %add3A_339 = arith.constant 128 : i32
    %add3A_340 = vector.broadcast %add3A_339 : i32 to vector<16xi32>
    %add3A_341 = arith.addi %mul3A_177, %add3A_340 : vector<16xi32>
    %add3A_342 = arith.constant 2 : i32
    %add3A_343 = vector.broadcast %add3A_342 : i32 to vector<16xi32>
    %add3A_344 = arith.addi %add3A_341, %add3A_343 : vector<16xi32>
    %gather3A_345 = tpu.vector_load_idx %arg7[%add3A_344] : memref<448xf32, #tpu.memory_space<vmem>>[vector<16xi32>], vector<16xf32>,
    %mul3A_346 = arith.constant 5.120000e+02 : f32
    %mul3A_347 = vector.broadcast %mul3A_346 : f32 to vector<16xf32>
    %mul3A_348 = arith.mulf %gather3A_345, %mul3A_347 : vector<16xf32>
    %add3A_349 = arith.constant 3 : i32
    %add3A_350 = vector.broadcast %add3A_349 : i32 to vector<16xi32>
    %add3A_351 = arith.addi %add3A_341, %add3A_350 : vector<16xi32>
    %gather3A_352 = tpu.vector_load_idx %arg7[%add3A_351] : memref<448xf32, #tpu.memory_space<vmem>>[vector<16xi32>], vector<16xf32>,
    %mul3A_353 = arith.constant 5.120000e+02 : f32
    %mul3A_354 = vector.broadcast %mul3A_353 : f32 to vector<16xf32>
    %mul3A_355 = arith.mulf %gather3A_352, %mul3A_354 : vector<16xf32>
    %mul3A_356 = arith.mulf %mul3A_348, %mul3A_355 : vector<16xf32>
    %mul3A_357 = arith.constant 0.333333343 : f32
    %mul3A_358 = vector.broadcast %mul3A_357 : f32 to vector<16xf32>
    %mul3A_359 = arith.mulf %mul3A_356, %mul3A_358 : vector<16xf32>
    %mul3A_360 = arith.constant 6.000000e+00 : f32
    %mul3A_361 = arith.mulf %mul3A_262, %mul3A_360 : f32
    %lt3A_362 = vector.broadcast %mul3A_361 : f32 to vector<16xf32>
    %lt3A_363 = arith.cmpf olt, %mul3A_359, %lt3A_362 : vector<16xf32>
    %mul3A_364 = arith.constant 6.000000e+00 : f32
    %mul3A_365 = vector.broadcast %mul3A_364 : f32 to vector<16xf32>
    %mul3A_366 = arith.mulf %mul3A_359, %mul3A_365 : vector<16xf32>
    %gt3A_367 = vector.broadcast %mul3A_265 : f32 to vector<16xf32>
    %gt3A_368 = arith.cmpf ogt, %mul3A_366, %gt3A_367 : vector<16xf32>
    %and3A_369 = arith.andi %lt3A_363, %gt3A_368 : vector<16xi1>
    %jit3A_370 = arith.constant 1 : i32
    %jit3A_371 = arith.constant 0 : i32
    %broadcast_in_dim3A_372 = vector.broadcast %jit3A_370 : i32 to vector<16xi32>
    %broadcast_in_dim3A_373 = vector.broadcast %jit3A_371 : i32 to vector<16xi32>
    %select_n3A_374 = arith.select %and3A_369, %broadcast_in_dim3A_372, %broadcast_in_dim3A_373 : vector<16xi1>, vector<16xi32>
    %or3A_375 = arith.ori %or3A_338, %select_n3A_374 : vector<16xi32>
    %add3A_376 = arith.constant 192 : i32
    %add3A_377 = vector.broadcast %add3A_376 : i32 to vector<16xi32>
    %add3A_378 = arith.addi %mul3A_177, %add3A_377 : vector<16xi32>
    %add3A_379 = arith.constant 2 : i32
    %add3A_380 = vector.broadcast %add3A_379 : i32 to vector<16xi32>
    %add3A_381 = arith.addi %add3A_378, %add3A_380 : vector<16xi32>
    %gather3A_382 = tpu.vector_load_idx %arg7[%add3A_381] : memref<448xf32, #tpu.memory_space<vmem>>[vector<16xi32>], vector<16xf32>,
    %mul3A_383 = arith.constant 5.120000e+02 : f32
    %mul3A_384 = vector.broadcast %mul3A_383 : f32 to vector<16xf32>
    %mul3A_385 = arith.mulf %gather3A_382, %mul3A_384 : vector<16xf32>
    %add3A_386 = arith.constant 3 : i32
    %add3A_387 = vector.broadcast %add3A_386 : i32 to vector<16xi32>
    %add3A_388 = arith.addi %add3A_378, %add3A_387 : vector<16xi32>
    %gather3A_389 = tpu.vector_load_idx %arg7[%add3A_388] : memref<448xf32, #tpu.memory_space<vmem>>[vector<16xi32>], vector<16xf32>,
    %mul3A_390 = arith.constant 5.120000e+02 : f32
    %mul3A_391 = vector.broadcast %mul3A_390 : f32 to vector<16xf32>
    %mul3A_392 = arith.mulf %gather3A_389, %mul3A_391 : vector<16xf32>
    %mul3A_393 = arith.mulf %mul3A_385, %mul3A_392 : vector<16xf32>
    %mul3A_394 = arith.constant 0.333333343 : f32
    %mul3A_395 = vector.broadcast %mul3A_394 : f32 to vector<16xf32>
    %mul3A_396 = arith.mulf %mul3A_393, %mul3A_395 : vector<16xf32>
    %mul3A_397 = arith.constant 6.000000e+00 : f32
    %mul3A_398 = arith.mulf %mul3A_262, %mul3A_397 : f32
    %lt3A_399 = vector.broadcast %mul3A_398 : f32 to vector<16xf32>
    %lt3A_400 = arith.cmpf olt, %mul3A_396, %lt3A_399 : vector<16xf32>
    %mul3A_401 = arith.constant 6.000000e+00 : f32
    %mul3A_402 = vector.broadcast %mul3A_401 : f32 to vector<16xf32>
    %mul3A_403 = arith.mulf %mul3A_396, %mul3A_402 : vector<16xf32>
    %gt3A_404 = vector.broadcast %mul3A_265 : f32 to vector<16xf32>
    %gt3A_405 = arith.cmpf ogt, %mul3A_403, %gt3A_404 : vector<16xf32>
    %and3A_406 = arith.andi %lt3A_400, %gt3A_405 : vector<16xi1>
    %jit3A_407 = arith.constant 1 : i32
    %jit3A_408 = arith.constant 0 : i32
    %broadcast_in_dim3A_409 = vector.broadcast %jit3A_407 : i32 to vector<16xi32>
    %broadcast_in_dim3A_410 = vector.broadcast %jit3A_408 : i32 to vector<16xi32>
    %select_n3A_411 = arith.select %and3A_406, %broadcast_in_dim3A_409, %broadcast_in_dim3A_410 : vector<16xi1>, vector<16xi32>
    %or3A_412 = arith.ori %or3A_375, %select_n3A_411 : vector<16xi32>
    %add3A_413 = arith.constant 256 : i32
    %add3A_414 = vector.broadcast %add3A_413 : i32 to vector<16xi32>
    %add3A_415 = arith.addi %mul3A_177, %add3A_414 : vector<16xi32>
    %add3A_416 = arith.constant 2 : i32
    %add3A_417 = vector.broadcast %add3A_416 : i32 to vector<16xi32>
    %add3A_418 = arith.addi %add3A_415, %add3A_417 : vector<16xi32>
    %gather3A_419 = tpu.vector_load_idx %arg7[%add3A_418] : memref<448xf32, #tpu.memory_space<vmem>>[vector<16xi32>], vector<16xf32>,
    %mul3A_420 = arith.constant 5.120000e+02 : f32
    %mul3A_421 = vector.broadcast %mul3A_420 : f32 to vector<16xf32>
    %mul3A_422 = arith.mulf %gather3A_419, %mul3A_421 : vector<16xf32>
    %add3A_423 = arith.constant 3 : i32
    %add3A_424 = vector.broadcast %add3A_423 : i32 to vector<16xi32>
    %add3A_425 = arith.addi %add3A_415, %add3A_424 : vector<16xi32>
    %gather3A_426 = tpu.vector_load_idx %arg7[%add3A_425] : memref<448xf32, #tpu.memory_space<vmem>>[vector<16xi32>], vector<16xf32>,
    %mul3A_427 = arith.constant 5.120000e+02 : f32
    %mul3A_428 = vector.broadcast %mul3A_427 : f32 to vector<16xf32>
    %mul3A_429 = arith.mulf %gather3A_426, %mul3A_428 : vector<16xf32>
    %mul3A_430 = arith.mulf %mul3A_422, %mul3A_429 : vector<16xf32>
    %mul3A_431 = arith.constant 0.333333343 : f32
    %mul3A_432 = vector.broadcast %mul3A_431 : f32 to vector<16xf32>
    %mul3A_433 = arith.mulf %mul3A_430, %mul3A_432 : vector<16xf32>
    %mul3A_434 = arith.constant 6.000000e+00 : f32
    %mul3A_435 = arith.mulf %mul3A_262, %mul3A_434 : f32
    %lt3A_436 = vector.broadcast %mul3A_435 : f32 to vector<16xf32>
    %lt3A_437 = arith.cmpf olt, %mul3A_433, %lt3A_436 : vector<16xf32>
    %mul3A_438 = arith.constant 6.000000e+00 : f32
    %mul3A_439 = vector.broadcast %mul3A_438 : f32 to vector<16xf32>
    %mul3A_440 = arith.mulf %mul3A_433, %mul3A_439 : vector<16xf32>
    %gt3A_441 = vector.broadcast %mul3A_265 : f32 to vector<16xf32>
    %gt3A_442 = arith.cmpf ogt, %mul3A_440, %gt3A_441 : vector<16xf32>
    %and3A_443 = arith.andi %lt3A_437, %gt3A_442 : vector<16xi1>
    %jit3A_444 = arith.constant 1 : i32
    %jit3A_445 = arith.constant 0 : i32
    %broadcast_in_dim3A_446 = vector.broadcast %jit3A_444 : i32 to vector<16xi32>
    %broadcast_in_dim3A_447 = vector.broadcast %jit3A_445 : i32 to vector<16xi32>
    %select_n3A_448 = arith.select %and3A_443, %broadcast_in_dim3A_446, %broadcast_in_dim3A_447 : vector<16xi1>, vector<16xi32>
    %or3A_449 = arith.ori %or3A_412, %select_n3A_448 : vector<16xi32>
    %add3A_450 = arith.constant 320 : i32
    %add3A_451 = vector.broadcast %add3A_450 : i32 to vector<16xi32>
    %add3A_452 = arith.addi %mul3A_177, %add3A_451 : vector<16xi32>
    %add3A_453 = arith.constant 2 : i32
    %add3A_454 = vector.broadcast %add3A_453 : i32 to vector<16xi32>
    %add3A_455 = arith.addi %add3A_452, %add3A_454 : vector<16xi32>
    %gather3A_456 = tpu.vector_load_idx %arg7[%add3A_455] : memref<448xf32, #tpu.memory_space<vmem>>[vector<16xi32>], vector<16xf32>,
    %mul3A_457 = arith.constant 5.120000e+02 : f32
    %mul3A_458 = vector.broadcast %mul3A_457 : f32 to vector<16xf32>
    %mul3A_459 = arith.mulf %gather3A_456, %mul3A_458 : vector<16xf32>
    %add3A_460 = arith.constant 3 : i32
    %add3A_461 = vector.broadcast %add3A_460 : i32 to vector<16xi32>
    %add3A_462 = arith.addi %add3A_452, %add3A_461 : vector<16xi32>
    %gather3A_463 = tpu.vector_load_idx %arg7[%add3A_462] : memref<448xf32, #tpu.memory_space<vmem>>[vector<16xi32>], vector<16xf32>,
    %mul3A_464 = arith.constant 5.120000e+02 : f32
    %mul3A_465 = vector.broadcast %mul3A_464 : f32 to vector<16xf32>
    %mul3A_466 = arith.mulf %gather3A_463, %mul3A_465 : vector<16xf32>
    %mul3A_467 = arith.mulf %mul3A_459, %mul3A_466 : vector<16xf32>
    %mul3A_468 = arith.constant 0.333333343 : f32
    %mul3A_469 = vector.broadcast %mul3A_468 : f32 to vector<16xf32>
    %mul3A_470 = arith.mulf %mul3A_467, %mul3A_469 : vector<16xf32>
    %mul3A_471 = arith.constant 6.000000e+00 : f32
    %mul3A_472 = arith.mulf %mul3A_262, %mul3A_471 : f32
    %lt3A_473 = vector.broadcast %mul3A_472 : f32 to vector<16xf32>
    %lt3A_474 = arith.cmpf olt, %mul3A_470, %lt3A_473 : vector<16xf32>
    %mul3A_475 = arith.constant 6.000000e+00 : f32
    %mul3A_476 = vector.broadcast %mul3A_475 : f32 to vector<16xf32>
    %mul3A_477 = arith.mulf %mul3A_470, %mul3A_476 : vector<16xf32>
    %gt3A_478 = vector.broadcast %mul3A_265 : f32 to vector<16xf32>
    %gt3A_479 = arith.cmpf ogt, %mul3A_477, %gt3A_478 : vector<16xf32>
    %and3A_480 = arith.andi %lt3A_474, %gt3A_479 : vector<16xi1>
    %jit3A_481 = arith.constant 1 : i32
    %jit3A_482 = arith.constant 0 : i32
    %broadcast_in_dim3A_483 = vector.broadcast %jit3A_481 : i32 to vector<16xi32>
    %broadcast_in_dim3A_484 = vector.broadcast %jit3A_482 : i32 to vector<16xi32>
    %select_n3A_485 = arith.select %and3A_480, %broadcast_in_dim3A_483, %broadcast_in_dim3A_484 : vector<16xi1>, vector<16xi32>
    %or3A_486 = arith.ori %or3A_449, %select_n3A_485 : vector<16xi32>
    %add3A_487 = arith.constant 384 : i32
    %add3A_488 = vector.broadcast %add3A_487 : i32 to vector<16xi32>
    %add3A_489 = arith.addi %mul3A_177, %add3A_488 : vector<16xi32>
    %add3A_490 = arith.constant 2 : i32
    %add3A_491 = vector.broadcast %add3A_490 : i32 to vector<16xi32>
    %add3A_492 = arith.addi %add3A_489, %add3A_491 : vector<16xi32>
    %gather3A_493 = tpu.vector_load_idx %arg7[%add3A_492] : memref<448xf32, #tpu.memory_space<vmem>>[vector<16xi32>], vector<16xf32>,
    %mul3A_494 = arith.constant 5.120000e+02 : f32
    %mul3A_495 = vector.broadcast %mul3A_494 : f32 to vector<16xf32>
    %mul3A_496 = arith.mulf %gather3A_493, %mul3A_495 : vector<16xf32>
    %add3A_497 = arith.constant 3 : i32
    %add3A_498 = vector.broadcast %add3A_497 : i32 to vector<16xi32>
    %add3A_499 = arith.addi %add3A_489, %add3A_498 : vector<16xi32>
    %gather3A_500 = tpu.vector_load_idx %arg7[%add3A_499] : memref<448xf32, #tpu.memory_space<vmem>>[vector<16xi32>], vector<16xf32>,
    %mul3A_501 = arith.constant 5.120000e+02 : f32
    %mul3A_502 = vector.broadcast %mul3A_501 : f32 to vector<16xf32>
    %mul3A_503 = arith.mulf %gather3A_500, %mul3A_502 : vector<16xf32>
    %mul3A_504 = arith.mulf %mul3A_496, %mul3A_503 : vector<16xf32>
    %mul3A_505 = arith.constant 0.333333343 : f32
    %mul3A_506 = vector.broadcast %mul3A_505 : f32 to vector<16xf32>
    %mul3A_507 = arith.mulf %mul3A_504, %mul3A_506 : vector<16xf32>
    %mul3A_508 = arith.constant 6.000000e+00 : f32
    %mul3A_509 = arith.mulf %mul3A_262, %mul3A_508 : f32
    %lt3A_510 = vector.broadcast %mul3A_509 : f32 to vector<16xf32>
    %lt3A_511 = arith.cmpf olt, %mul3A_507, %lt3A_510 : vector<16xf32>
    %mul3A_512 = arith.constant 6.000000e+00 : f32
    %mul3A_513 = vector.broadcast %mul3A_512 : f32 to vector<16xf32>
    %mul3A_514 = arith.mulf %mul3A_507, %mul3A_513 : vector<16xf32>
    %gt3A_515 = vector.broadcast %mul3A_265 : f32 to vector<16xf32>
    %gt3A_516 = arith.cmpf ogt, %mul3A_514, %gt3A_515 : vector<16xf32>
    %and3A_517 = arith.andi %lt3A_511, %gt3A_516 : vector<16xi1>
    %jit3A_518 = arith.constant 1 : i32
    %jit3A_519 = arith.constant 0 : i32
    %broadcast_in_dim3A_520 = vector.broadcast %jit3A_518 : i32 to vector<16xi32>
    %broadcast_in_dim3A_521 = vector.broadcast %jit3A_519 : i32 to vector<16xi32>
    %select_n3A_522 = arith.select %and3A_517, %broadcast_in_dim3A_520, %broadcast_in_dim3A_521 : vector<16xi1>, vector<16xi32>
    %or3A_523 = arith.ori %or3A_486, %select_n3A_522 : vector<16xi32>
    %reduce_max3A_524 = arith.constant true
    %reduce_max3A_525 = vector.broadcast %reduce_max3A_524 : i1 to vector<16xi1>
    %reduce_max3A_526 = arith.constant -2147483648 : i32
    %reduce_max3A_527 = vector.broadcast %reduce_max3A_526 : i32 to vector<16xi32>
    %reduce_max3A_528 = arith.xori %or3A_523, %reduce_max3A_527 : vector<16xi32>
    %reduce_max3A_529 = tpu.scan <max>, %reduce_max3A_528 masked %reduce_max3A_525 : vector<16xi32>, vector<16xi1> -> vector<16xi32>
    %reduce_max3A_530 = arith.xori %reduce_max3A_529, %reduce_max3A_527 : vector<16xi32>
    %reduce_max3A_531 = vector.extract %reduce_max3A_530[15] : i32 from vector<16xi32>
    %eq3A_532 = arith.constant 0 : i32
    %eq3A_533 = arith.cmpi eq, %reduce_max3A_531, %eq3A_532 : i32
    %convert_element_type3A = arith.extui %eq3A_533 : i1 to i32
    %cond3A = arith.constant 0 : i32
    %cond3A_534 = arith.cmpi ne, %convert_element_type3A, %cond3A : i32
    scf.if %cond3A_534 {
      %dma_wait3A_540 = arith.constant 0 : i32
      %dma_wait3A_541 = arith.constant 0 : i32
      %dma_wait3A_542 = tpu.memref_slice %arg8[%dma_wait3A_540, %dma_wait3A_541] : memref<96x64xf32, #tpu.memory_space<vmem>> -> memref<32x64xf32, #tpu.memory_space<vmem>>
      %dma_wait3A_543 = arith.constant 0 : i32
      %dma_wait3A_544 = tpu.memref_slice %arg4[%add3A_89, %mul3A_32, %dma_wait3A_543] : memref<48x64x64xf32, #tpu.memory_space<hbm>> -> memref<1x32x64xf32, #tpu.memory_space<hbm>>
      %dma_wait3A_545 = tpu.memref_squeeze %dma_wait3A_544 : memref<1x32x64xf32, #tpu.memory_space<hbm>> -> memref<32x64xf32, #tpu.memory_space<hbm>>
      %dma_wait3A_546 = arith.constant 0 : i32
      %dma_wait3A_547 = arith.constant 0 : i32
      %dma_wait3A_548 = tpu.memref_slice %arg8[%dma_wait3A_546, %dma_wait3A_547] : memref<96x64xf32, #tpu.memory_space<vmem>> -> memref<32x64xf32, #tpu.memory_space<vmem>>
      %dma_wait3A_549 = arith.constant 0 : i32
      %dma_wait3A_550 = tpu.memref_slice %arg4[%add3A_89, %mul3A_32, %dma_wait3A_549] : memref<48x64x64xf32, #tpu.memory_space<hbm>> -> memref<1x32x64xf32, #tpu.memory_space<hbm>>
      %dma_wait3A_551 = tpu.memref_squeeze %dma_wait3A_550 : memref<1x32x64xf32, #tpu.memory_space<hbm>> -> memref<32x64xf32, #tpu.memory_space<hbm>>
      tpu.wait_dma2 semaphore(%arg21 : memref<!tpu.dma_semaphore, #tpu.memory_space<semaphore_mem>>) src(%dma_wait3A_551 : memref<32x64xf32, #tpu.memory_space<hbm>>) dst(%dma_wait3A_548 : memref<32x64xf32, #tpu.memory_space<vmem>>)
      %dma_wait3A_552 = arith.constant 32 : i32
      %dma_wait3A_553 = arith.constant 0 : i32
      %dma_wait3A_554 = tpu.memref_slice %arg8[%dma_wait3A_552, %dma_wait3A_553] : memref<96x64xf32, #tpu.memory_space<vmem>> -> memref<32x64xf32, #tpu.memory_space<vmem>>
      %dma_wait3A_555 = arith.constant 0 : i32
      %dma_wait3A_556 = tpu.memref_slice %arg4[%add3A_105, %mul3A_32, %dma_wait3A_555] : memref<48x64x64xf32, #tpu.memory_space<hbm>> -> memref<1x32x64xf32, #tpu.memory_space<hbm>>
      %dma_wait3A_557 = tpu.memref_squeeze %dma_wait3A_556 : memref<1x32x64xf32, #tpu.memory_space<hbm>> -> memref<32x64xf32, #tpu.memory_space<hbm>>
      %dma_wait3A_558 = arith.constant 32 : i32
      %dma_wait3A_559 = arith.constant 0 : i32
      %dma_wait3A_560 = tpu.memref_slice %arg8[%dma_wait3A_558, %dma_wait3A_559] : memref<96x64xf32, #tpu.memory_space<vmem>> -> memref<32x64xf32, #tpu.memory_space<vmem>>
      %dma_wait3A_561 = arith.constant 0 : i32
      %dma_wait3A_562 = tpu.memref_slice %arg4[%add3A_105, %mul3A_32, %dma_wait3A_561] : memref<48x64x64xf32, #tpu.memory_space<hbm>> -> memref<1x32x64xf32, #tpu.memory_space<hbm>>
      %dma_wait3A_563 = tpu.memref_squeeze %dma_wait3A_562 : memref<1x32x64xf32, #tpu.memory_space<hbm>> -> memref<32x64xf32, #tpu.memory_space<hbm>>
      tpu.wait_dma2 semaphore(%arg21 : memref<!tpu.dma_semaphore, #tpu.memory_space<semaphore_mem>>) src(%dma_wait3A_563 : memref<32x64xf32, #tpu.memory_space<hbm>>) dst(%dma_wait3A_560 : memref<32x64xf32, #tpu.memory_space<vmem>>)
      %dma_wait3A_564 = arith.constant 64 : i32
      %dma_wait3A_565 = arith.constant 0 : i32
      %dma_wait3A_566 = tpu.memref_slice %arg8[%dma_wait3A_564, %dma_wait3A_565] : memref<96x64xf32, #tpu.memory_space<vmem>> -> memref<32x64xf32, #tpu.memory_space<vmem>>
      %dma_wait3A_567 = arith.constant 0 : i32
      %dma_wait3A_568 = tpu.memref_slice %arg4[%add3A_121, %mul3A_32, %dma_wait3A_567] : memref<48x64x64xf32, #tpu.memory_space<hbm>> -> memref<1x32x64xf32, #tpu.memory_space<hbm>>
      %dma_wait3A_569 = tpu.memref_squeeze %dma_wait3A_568 : memref<1x32x64xf32, #tpu.memory_space<hbm>> -> memref<32x64xf32, #tpu.memory_space<hbm>>
      %dma_wait3A_570 = arith.constant 64 : i32
      %dma_wait3A_571 = arith.constant 0 : i32
      %dma_wait3A_572 = tpu.memref_slice %arg8[%dma_wait3A_570, %dma_wait3A_571] : memref<96x64xf32, #tpu.memory_space<vmem>> -> memref<32x64xf32, #tpu.memory_space<vmem>>
      %dma_wait3A_573 = arith.constant 0 : i32
      %dma_wait3A_574 = tpu.memref_slice %arg4[%add3A_121, %mul3A_32, %dma_wait3A_573] : memref<48x64x64xf32, #tpu.memory_space<hbm>> -> memref<1x32x64xf32, #tpu.memory_space<hbm>>
      %dma_wait3A_575 = tpu.memref_squeeze %dma_wait3A_574 : memref<1x32x64xf32, #tpu.memory_space<hbm>> -> memref<32x64xf32, #tpu.memory_space<hbm>>
      tpu.wait_dma2 semaphore(%arg21 : memref<!tpu.dma_semaphore, #tpu.memory_space<semaphore_mem>>) src(%dma_wait3A_575 : memref<32x64xf32, #tpu.memory_space<hbm>>) dst(%dma_wait3A_572 : memref<32x64xf32, #tpu.memory_space<vmem>>)
      %mul3A_576 = arith.constant 3 : i32
      %mul3A_577 = arith.muli %select_n3A, %mul3A_576 : i32
      %add3A_578 = arith.constant 0 : i32
      %add3A_579 = arith.addi %mul3A_577, %add3A_578 : i32
      %dma_start3A_580 = arith.constant 0 : i32
      %dma_start3A_581 = arith.constant 0 : i32
      %dma_start3A_582 = tpu.memref_slice %arg8[%dma_start3A_580, %dma_start3A_581] : memref<96x64xf32, #tpu.memory_space<vmem>> -> memref<32x64xf32, #tpu.memory_space<vmem>>
      %dma_start3A_583 = arith.constant 0 : i32
      %dma_start3A_584 = tpu.memref_slice %arg5[%add3A_579, %mul3A_32, %dma_start3A_583] : memref<48x64x64xf32, #tpu.memory_space<hbm>> -> memref<1x32x64xf32, #tpu.memory_space<hbm>>
      %dma_start3A_585 = tpu.memref_squeeze %dma_start3A_584 : memref<1x32x64xf32, #tpu.memory_space<hbm>> -> memref<32x64xf32, #tpu.memory_space<hbm>>
      %dma_start3A_586 = arith.constant 0 : i32
      %dma_start3A_587 = tpu.memref_slice %arg5[%add3A_579, %mul3A_32, %dma_start3A_586] : memref<48x64x64xf32, #tpu.memory_space<hbm>> -> memref<1x32x64xf32, #tpu.memory_space<hbm>>
      %dma_start3A_588 = tpu.memref_squeeze %dma_start3A_587 : memref<1x32x64xf32, #tpu.memory_space<hbm>> -> memref<32x64xf32, #tpu.memory_space<hbm>>
      %dma_start3A_589 = arith.constant 0 : i32
      %dma_start3A_590 = arith.constant 0 : i32
      %dma_start3A_591 = tpu.memref_slice %arg8[%dma_start3A_589, %dma_start3A_590] : memref<96x64xf32, #tpu.memory_space<vmem>> -> memref<32x64xf32, #tpu.memory_space<vmem>>
      tpu.enqueue_dma source(%dma_start3A_591 : memref<32x64xf32, #tpu.memory_space<vmem>>) target(%dma_start3A_588 : memref<32x64xf32, #tpu.memory_space<hbm>>) target_semaphore(%arg20 : memref<!tpu.dma_semaphore, #tpu.memory_space<semaphore_mem>>)
      %mul3A_592 = arith.constant 3 : i32
      %mul3A_593 = arith.muli %select_n3A, %mul3A_592 : i32
      %add3A_594 = arith.constant 1 : i32
      %add3A_595 = arith.addi %mul3A_593, %add3A_594 : i32
      %dma_start3A_596 = arith.constant 32 : i32
      %dma_start3A_597 = arith.constant 0 : i32
      %dma_start3A_598 = tpu.memref_slice %arg8[%dma_start3A_596, %dma_start3A_597] : memref<96x64xf32, #tpu.memory_space<vmem>> -> memref<32x64xf32, #tpu.memory_space<vmem>>
      %dma_start3A_599 = arith.constant 0 : i32
      %dma_start3A_600 = tpu.memref_slice %arg5[%add3A_595, %mul3A_32, %dma_start3A_599] : memref<48x64x64xf32, #tpu.memory_space<hbm>> -> memref<1x32x64xf32, #tpu.memory_space<hbm>>
      %dma_start3A_601 = tpu.memref_squeeze %dma_start3A_600 : memref<1x32x64xf32, #tpu.memory_space<hbm>> -> memref<32x64xf32, #tpu.memory_space<hbm>>
      %dma_start3A_602 = arith.constant 0 : i32
      %dma_start3A_603 = tpu.memref_slice %arg5[%add3A_595, %mul3A_32, %dma_start3A_602] : memref<48x64x64xf32, #tpu.memory_space<hbm>> -> memref<1x32x64xf32, #tpu.memory_space<hbm>>
      %dma_start3A_604 = tpu.memref_squeeze %dma_start3A_603 : memref<1x32x64xf32, #tpu.memory_space<hbm>> -> memref<32x64xf32, #tpu.memory_space<hbm>>
      %dma_start3A_605 = arith.constant 32 : i32
      %dma_start3A_606 = arith.constant 0 : i32
      %dma_start3A_607 = tpu.memref_slice %arg8[%dma_start3A_605, %dma_start3A_606] : memref<96x64xf32, #tpu.memory_space<vmem>> -> memref<32x64xf32, #tpu.memory_space<vmem>>
      tpu.enqueue_dma source(%dma_start3A_607 : memref<32x64xf32, #tpu.memory_space<vmem>>) target(%dma_start3A_604 : memref<32x64xf32, #tpu.memory_space<hbm>>) target_semaphore(%arg20 : memref<!tpu.dma_semaphore, #tpu.memory_space<semaphore_mem>>)
      %mul3A_608 = arith.constant 3 : i32
      %mul3A_609 = arith.muli %select_n3A, %mul3A_608 : i32
      %add3A_610 = arith.constant 2 : i32
      %add3A_611 = arith.addi %mul3A_609, %add3A_610 : i32
      %dma_start3A_612 = arith.constant 64 : i32
      %dma_start3A_613 = arith.constant 0 : i32
      %dma_start3A_614 = tpu.memref_slice %arg8[%dma_start3A_612, %dma_start3A_613] : memref<96x64xf32, #tpu.memory_space<vmem>> -> memref<32x64xf32, #tpu.memory_space<vmem>>
      %dma_start3A_615 = arith.constant 0 : i32
      %dma_start3A_616 = tpu.memref_slice %arg5[%add3A_611, %mul3A_32, %dma_start3A_615] : memref<48x64x64xf32, #tpu.memory_space<hbm>> -> memref<1x32x64xf32, #tpu.memory_space<hbm>>
      %dma_start3A_617 = tpu.memref_squeeze %dma_start3A_616 : memref<1x32x64xf32, #tpu.memory_space<hbm>> -> memref<32x64xf32, #tpu.memory_space<hbm>>
      %dma_start3A_618 = arith.constant 0 : i32
      %dma_start3A_619 = tpu.memref_slice %arg5[%add3A_611, %mul3A_32, %dma_start3A_618] : memref<48x64x64xf32, #tpu.memory_space<hbm>> -> memref<1x32x64xf32, #tpu.memory_space<hbm>>
      %dma_start3A_620 = tpu.memref_squeeze %dma_start3A_619 : memref<1x32x64xf32, #tpu.memory_space<hbm>> -> memref<32x64xf32, #tpu.memory_space<hbm>>
      %dma_start3A_621 = arith.constant 64 : i32
      %dma_start3A_622 = arith.constant 0 : i32
      %dma_start3A_623 = tpu.memref_slice %arg8[%dma_start3A_621, %dma_start3A_622] : memref<96x64xf32, #tpu.memory_space<vmem>> -> memref<32x64xf32, #tpu.memory_space<vmem>>
      tpu.enqueue_dma source(%dma_start3A_623 : memref<32x64xf32, #tpu.memory_space<vmem>>) target(%dma_start3A_620 : memref<32x64xf32, #tpu.memory_space<hbm>>) target_semaphore(%arg20 : memref<!tpu.dma_semaphore, #tpu.memory_space<semaphore_mem>>)
      %dma_wait3A_624 = arith.constant 0 : i32
      %dma_wait3A_625 = arith.constant 0 : i32
      %dma_wait3A_626 = tpu.memref_slice %arg8[%dma_wait3A_624, %dma_wait3A_625] : memref<96x64xf32, #tpu.memory_space<vmem>> -> memref<32x64xf32, #tpu.memory_space<vmem>>
      %dma_wait3A_627 = arith.constant 0 : i32
      %dma_wait3A_628 = tpu.memref_slice %arg5[%add3A_579, %mul3A_32, %dma_wait3A_627] : memref<48x64x64xf32, #tpu.memory_space<hbm>> -> memref<1x32x64xf32, #tpu.memory_space<hbm>>
      %dma_wait3A_629 = tpu.memref_squeeze %dma_wait3A_628 : memref<1x32x64xf32, #tpu.memory_space<hbm>> -> memref<32x64xf32, #tpu.memory_space<hbm>>
      %dma_wait3A_630 = arith.constant 0 : i32
      %dma_wait3A_631 = tpu.memref_slice %arg5[%add3A_579, %mul3A_32, %dma_wait3A_630] : memref<48x64x64xf32, #tpu.memory_space<hbm>> -> memref<1x32x64xf32, #tpu.memory_space<hbm>>
      %dma_wait3A_632 = tpu.memref_squeeze %dma_wait3A_631 : memref<1x32x64xf32, #tpu.memory_space<hbm>> -> memref<32x64xf32, #tpu.memory_space<hbm>>
      %dma_wait3A_633 = arith.constant 0 : i32
      %dma_wait3A_634 = arith.constant 0 : i32
      %dma_wait3A_635 = tpu.memref_slice %arg8[%dma_wait3A_633, %dma_wait3A_634] : memref<96x64xf32, #tpu.memory_space<vmem>> -> memref<32x64xf32, #tpu.memory_space<vmem>>
      tpu.wait_dma2 semaphore(%arg20 : memref<!tpu.dma_semaphore, #tpu.memory_space<semaphore_mem>>) src(%dma_wait3A_635 : memref<32x64xf32, #tpu.memory_space<vmem>>) dst(%dma_wait3A_632 : memref<32x64xf32, #tpu.memory_space<hbm>>)
      %dma_wait3A_636 = arith.constant 32 : i32
      %dma_wait3A_637 = arith.constant 0 : i32
      %dma_wait3A_638 = tpu.memref_slice %arg8[%dma_wait3A_636, %dma_wait3A_637] : memref<96x64xf32, #tpu.memory_space<vmem>> -> memref<32x64xf32, #tpu.memory_space<vmem>>
      %dma_wait3A_639 = arith.constant 0 : i32
      %dma_wait3A_640 = tpu.memref_slice %arg5[%add3A_595, %mul3A_32, %dma_wait3A_639] : memref<48x64x64xf32, #tpu.memory_space<hbm>> -> memref<1x32x64xf32, #tpu.memory_space<hbm>>
      %dma_wait3A_641 = tpu.memref_squeeze %dma_wait3A_640 : memref<1x32x64xf32, #tpu.memory_space<hbm>> -> memref<32x64xf32, #tpu.memory_space<hbm>>
      %dma_wait3A_642 = arith.constant 0 : i32
      %dma_wait3A_643 = tpu.memref_slice %arg5[%add3A_595, %mul3A_32, %dma_wait3A_642] : memref<48x64x64xf32, #tpu.memory_space<hbm>> -> memref<1x32x64xf32, #tpu.memory_space<hbm>>
      %dma_wait3A_644 = tpu.memref_squeeze %dma_wait3A_643 : memref<1x32x64xf32, #tpu.memory_space<hbm>> -> memref<32x64xf32, #tpu.memory_space<hbm>>
      %dma_wait3A_645 = arith.constant 32 : i32
      %dma_wait3A_646 = arith.constant 0 : i32
      %dma_wait3A_647 = tpu.memref_slice %arg8[%dma_wait3A_645, %dma_wait3A_646] : memref<96x64xf32, #tpu.memory_space<vmem>> -> memref<32x64xf32, #tpu.memory_space<vmem>>
      tpu.wait_dma2 semaphore(%arg20 : memref<!tpu.dma_semaphore, #tpu.memory_space<semaphore_mem>>) src(%dma_wait3A_647 : memref<32x64xf32, #tpu.memory_space<vmem>>) dst(%dma_wait3A_644 : memref<32x64xf32, #tpu.memory_space<hbm>>)
      %dma_wait3A_648 = arith.constant 64 : i32
      %dma_wait3A_649 = arith.constant 0 : i32
      %dma_wait3A_650 = tpu.memref_slice %arg8[%dma_wait3A_648, %dma_wait3A_649] : memref<96x64xf32, #tpu.memory_space<vmem>> -> memref<32x64xf32, #tpu.memory_space<vmem>>
      %dma_wait3A_651 = arith.constant 0 : i32
      %dma_wait3A_652 = tpu.memref_slice %arg5[%add3A_611, %mul3A_32, %dma_wait3A_651] : memref<48x64x64xf32, #tpu.memory_space<hbm>> -> memref<1x32x64xf32, #tpu.memory_space<hbm>>
      %dma_wait3A_653 = tpu.memref_squeeze %dma_wait3A_652 : memref<1x32x64xf32, #tpu.memory_space<hbm>> -> memref<32x64xf32, #tpu.memory_space<hbm>>
      %dma_wait3A_654 = arith.constant 0 : i32
      %dma_wait3A_655 = tpu.memref_slice %arg5[%add3A_611, %mul3A_32, %dma_wait3A_654] : memref<48x64x64xf32, #tpu.memory_space<hbm>> -> memref<1x32x64xf32, #tpu.memory_space<hbm>>
      %dma_wait3A_656 = tpu.memref_squeeze %dma_wait3A_655 : memref<1x32x64xf32, #tpu.memory_space<hbm>> -> memref<32x64xf32, #tpu.memory_space<hbm>>
      %dma_wait3A_657 = arith.constant 64 : i32
      %dma_wait3A_658 = arith.constant 0 : i32
      %dma_wait3A_659 = tpu.memref_slice %arg8[%dma_wait3A_657, %dma_wait3A_658] : memref<96x64xf32, #tpu.memory_space<vmem>> -> memref<32x64xf32, #tpu.memory_space<vmem>>
      tpu.wait_dma2 semaphore(%arg20 : memref<!tpu.dma_semaphore, #tpu.memory_space<semaphore_mem>>) src(%dma_wait3A_659 : memref<32x64xf32, #tpu.memory_space<vmem>>) dst(%dma_wait3A_656 : memref<32x64xf32, #tpu.memory_space<hbm>>)
    } else {
    }
    %gt3A_535 = arith.constant 0 : i32
    %gt3A_536 = arith.cmpi sgt, %reduce_max3A_531, %gt3A_535 : i32
    %convert_element_type3A_537 = arith.extui %gt3A_536 : i1 to i32
    %cond3A_538 = arith.constant 0 : i32
    %cond3A_539 = arith.cmpi ne, %convert_element_type3A_537, %cond3A_538 : i32
    scf.if %cond3A_539 {
      %dma_wait3A_540 = arith.constant 0 : i32
      %dma_wait3A_541 = arith.constant 0 : i32
      %dma_wait3A_542 = tpu.memref_slice %arg8[%dma_wait3A_540, %dma_wait3A_541] : memref<96x64xf32, #tpu.memory_space<vmem>> -> memref<32x64xf32, #tpu.memory_space<vmem>>
      %dma_wait3A_543 = arith.constant 0 : i32
      %dma_wait3A_544 = tpu.memref_slice %arg4[%add3A_89, %mul3A_32, %dma_wait3A_543] : memref<48x64x64xf32, #tpu.memory_space<hbm>> -> memref<1x32x64xf32, #tpu.memory_space<hbm>>
      %dma_wait3A_545 = tpu.memref_squeeze %dma_wait3A_544 : memref<1x32x64xf32, #tpu.memory_space<hbm>> -> memref<32x64xf32, #tpu.memory_space<hbm>>
      %dma_wait3A_546 = arith.constant 0 : i32
      %dma_wait3A_547 = arith.constant 0 : i32
      %dma_wait3A_548 = tpu.memref_slice %arg8[%dma_wait3A_546, %dma_wait3A_547] : memref<96x64xf32, #tpu.memory_space<vmem>> -> memref<32x64xf32, #tpu.memory_space<vmem>>
      %dma_wait3A_549 = arith.constant 0 : i32
      %dma_wait3A_550 = tpu.memref_slice %arg4[%add3A_89, %mul3A_32, %dma_wait3A_549] : memref<48x64x64xf32, #tpu.memory_space<hbm>> -> memref<1x32x64xf32, #tpu.memory_space<hbm>>
      %dma_wait3A_551 = tpu.memref_squeeze %dma_wait3A_550 : memref<1x32x64xf32, #tpu.memory_space<hbm>> -> memref<32x64xf32, #tpu.memory_space<hbm>>
      tpu.wait_dma2 semaphore(%arg21 : memref<!tpu.dma_semaphore, #tpu.memory_space<semaphore_mem>>) src(%dma_wait3A_551 : memref<32x64xf32, #tpu.memory_space<hbm>>) dst(%dma_wait3A_548 : memref<32x64xf32, #tpu.memory_space<vmem>>)
      %dma_wait3A_552 = arith.constant 32 : i32
      %dma_wait3A_553 = arith.constant 0 : i32
      %dma_wait3A_554 = tpu.memref_slice %arg8[%dma_wait3A_552, %dma_wait3A_553] : memref<96x64xf32, #tpu.memory_space<vmem>> -> memref<32x64xf32, #tpu.memory_space<vmem>>
      %dma_wait3A_555 = arith.constant 0 : i32
      %dma_wait3A_556 = tpu.memref_slice %arg4[%add3A_105, %mul3A_32, %dma_wait3A_555] : memref<48x64x64xf32, #tpu.memory_space<hbm>> -> memref<1x32x64xf32, #tpu.memory_space<hbm>>
      %dma_wait3A_557 = tpu.memref_squeeze %dma_wait3A_556 : memref<1x32x64xf32, #tpu.memory_space<hbm>> -> memref<32x64xf32, #tpu.memory_space<hbm>>
      %dma_wait3A_558 = arith.constant 32 : i32
      %dma_wait3A_559 = arith.constant 0 : i32
      %dma_wait3A_560 = tpu.memref_slice %arg8[%dma_wait3A_558, %dma_wait3A_559] : memref<96x64xf32, #tpu.memory_space<vmem>> -> memref<32x64xf32, #tpu.memory_space<vmem>>
      %dma_wait3A_561 = arith.constant 0 : i32
      %dma_wait3A_562 = tpu.memref_slice %arg4[%add3A_105, %mul3A_32, %dma_wait3A_561] : memref<48x64x64xf32, #tpu.memory_space<hbm>> -> memref<1x32x64xf32, #tpu.memory_space<hbm>>
      %dma_wait3A_563 = tpu.memref_squeeze %dma_wait3A_562 : memref<1x32x64xf32, #tpu.memory_space<hbm>> -> memref<32x64xf32, #tpu.memory_space<hbm>>
      tpu.wait_dma2 semaphore(%arg21 : memref<!tpu.dma_semaphore, #tpu.memory_space<semaphore_mem>>) src(%dma_wait3A_563 : memref<32x64xf32, #tpu.memory_space<hbm>>) dst(%dma_wait3A_560 : memref<32x64xf32, #tpu.memory_space<vmem>>)
      %dma_wait3A_564 = arith.constant 64 : i32
      %dma_wait3A_565 = arith.constant 0 : i32
      %dma_wait3A_566 = tpu.memref_slice %arg8[%dma_wait3A_564, %dma_wait3A_565] : memref<96x64xf32, #tpu.memory_space<vmem>> -> memref<32x64xf32, #tpu.memory_space<vmem>>
      %dma_wait3A_567 = arith.constant 0 : i32
      %dma_wait3A_568 = tpu.memref_slice %arg4[%add3A_121, %mul3A_32, %dma_wait3A_567] : memref<48x64x64xf32, #tpu.memory_space<hbm>> -> memref<1x32x64xf32, #tpu.memory_space<hbm>>
      %dma_wait3A_569 = tpu.memref_squeeze %dma_wait3A_568 : memref<1x32x64xf32, #tpu.memory_space<hbm>> -> memref<32x64xf32, #tpu.memory_space<hbm>>
      %dma_wait3A_570 = arith.constant 64 : i32
      %dma_wait3A_571 = arith.constant 0 : i32
      %dma_wait3A_572 = tpu.memref_slice %arg8[%dma_wait3A_570, %dma_wait3A_571] : memref<96x64xf32, #tpu.memory_space<vmem>> -> memref<32x64xf32, #tpu.memory_space<vmem>>
      %dma_wait3A_573 = arith.constant 0 : i32
      %dma_wait3A_574 = tpu.memref_slice %arg4[%add3A_121, %mul3A_32, %dma_wait3A_573] : memref<48x64x64xf32, #tpu.memory_space<hbm>> -> memref<1x32x64xf32, #tpu.memory_space<hbm>>
      %dma_wait3A_575 = tpu.memref_squeeze %dma_wait3A_574 : memref<1x32x64xf32, #tpu.memory_space<hbm>> -> memref<32x64xf32, #tpu.memory_space<hbm>>
      tpu.wait_dma2 semaphore(%arg21 : memref<!tpu.dma_semaphore, #tpu.memory_space<semaphore_mem>>) src(%dma_wait3A_575 : memref<32x64xf32, #tpu.memory_space<hbm>>) dst(%dma_wait3A_572 : memref<32x64xf32, #tpu.memory_space<vmem>>)
      %add3A_576 = arith.constant 0 : i32
      %add3A_577 = vector.broadcast %add3A_576 : i32 to vector<16xi32>
      %add3A_578 = arith.addi %mul3A_177, %add3A_577 : vector<16xi32>
      %gather3A_579 = tpu.vector_load_idx %arg7[%add3A_578] : memref<448xf32, #tpu.memory_space<vmem>>[vector<16xi32>], vector<16xf32>,
      %mul3A_580 = arith.constant 5.120000e+02 : f32
      %mul3A_581 = vector.broadcast %mul3A_580 : f32 to vector<16xf32>
      %mul3A_582 = arith.mulf %gather3A_579, %mul3A_581 : vector<16xf32>
      %add3A_583 = arith.constant 1 : i32
      %add3A_584 = vector.broadcast %add3A_583 : i32 to vector<16xi32>
      %add3A_585 = arith.addi %add3A_578, %add3A_584 : vector<16xi32>
      %gather3A_586 = tpu.vector_load_idx %arg7[%add3A_585] : memref<448xf32, #tpu.memory_space<vmem>>[vector<16xi32>], vector<16xf32>,
      %mul3A_587 = arith.constant 5.120000e+02 : f32
      %mul3A_588 = vector.broadcast %mul3A_587 : f32 to vector<16xf32>
      %mul3A_589 = arith.mulf %gather3A_586, %mul3A_588 : vector<16xf32>
      %add3A_590 = arith.constant 2 : i32
      %add3A_591 = vector.broadcast %add3A_590 : i32 to vector<16xi32>
      %add3A_592 = arith.addi %add3A_578, %add3A_591 : vector<16xi32>
      %gather3A_593 = tpu.vector_load_idx %arg7[%add3A_592] : memref<448xf32, #tpu.memory_space<vmem>>[vector<16xi32>], vector<16xf32>,
      %mul3A_594 = arith.constant 2.560000e+02 : f32
      %mul3A_595 = vector.broadcast %mul3A_594 : f32 to vector<16xf32>
      %mul3A_596 = arith.mulf %gather3A_593, %mul3A_595 : vector<16xf32>
      %add3A_597 = arith.constant 3 : i32
      %add3A_598 = vector.broadcast %add3A_597 : i32 to vector<16xi32>
      %add3A_599 = arith.addi %add3A_578, %add3A_598 : vector<16xi32>
      %gather3A_600 = tpu.vector_load_idx %arg7[%add3A_599] : memref<448xf32, #tpu.memory_space<vmem>>[vector<16xi32>], vector<16xf32>,
      %mul3A_601 = arith.constant 2.560000e+02 : f32
      %mul3A_602 = vector.broadcast %mul3A_601 : f32 to vector<16xf32>
      %mul3A_603 = arith.mulf %gather3A_600, %mul3A_602 : vector<16xf32>
      %sub3A_604 = arith.subf %mul3A_582, %mul3A_596 : vector<16xf32>
      %sub3A_605 = arith.subf %mul3A_589, %mul3A_603 : vector<16xf32>
      %add3A_606 = arith.addf %mul3A_582, %mul3A_596 : vector<16xf32>
      %add3A_607 = arith.addf %mul3A_589, %mul3A_603 : vector<16xf32>
      %swap3A = arith.constant 0 : index
      %swap3A_608 = tpu.vector_load %arg14[%swap3A] {strides = array<i32>} : memref<112xf32, #tpu.memory_space<vmem>>, vector<16xf32>,
      tpu.vector_store %arg14[%swap3A], %sub3A_604 {strides = array<i32>} : memref<112xf32, #tpu.memory_space<vmem>>, vector<16xf32>,
      %swap3A_609 = arith.constant 0 : index
      %swap3A_610 = tpu.vector_load %arg15[%swap3A_609] {strides = array<i32>} : memref<112xf32, #tpu.memory_space<vmem>>, vector<16xf32>,
      tpu.vector_store %arg15[%swap3A_609], %sub3A_605 {strides = array<i32>} : memref<112xf32, #tpu.memory_space<vmem>>, vector<16xf32>,
      %swap3A_611 = arith.constant 0 : index
      %swap3A_612 = tpu.vector_load %arg16[%swap3A_611] {strides = array<i32>} : memref<112xf32, #tpu.memory_space<vmem>>, vector<16xf32>,
      tpu.vector_store %arg16[%swap3A_611], %add3A_606 {strides = array<i32>} : memref<112xf32, #tpu.memory_space<vmem>>, vector<16xf32>,
      %swap3A_613 = arith.constant 0 : index
      %swap3A_614 = tpu.vector_load %arg17[%swap3A_613] {strides = array<i32>} : memref<112xf32, #tpu.memory_space<vmem>>, vector<16xf32>,
      tpu.vector_store %arg17[%swap3A_613], %add3A_607 {strides = array<i32>} : memref<112xf32, #tpu.memory_space<vmem>>, vector<16xf32>,
      %sub3A_615 = arith.subf %add3A_606, %sub3A_604 : vector<16xf32>
      %sub3A_616 = arith.subf %add3A_607, %sub3A_605 : vector<16xf32>
      %mul3A_617 = arith.mulf %sub3A_615, %sub3A_616 : vector<16xf32>
      %mul3A_618 = arith.constant 0.333333343 : f32
      %mul3A_619 = vector.broadcast %mul3A_618 : f32 to vector<16xf32>
      %mul3A_620 = arith.mulf %mul3A_617, %mul3A_619 : vector<16xf32>
      %swap3A_621 = arith.constant 0 : index
      %swap3A_622 = tpu.vector_load %arg18[%swap3A_621] {strides = array<i32>} : memref<112xf32, #tpu.memory_space<vmem>>, vector<16xf32>,
      tpu.vector_store %arg18[%swap3A_621], %mul3A_620 {strides = array<i32>} : memref<112xf32, #tpu.memory_space<vmem>>, vector<16xf32>,
      %add3A_623 = arith.constant 64 : i32
      %add3A_624 = vector.broadcast %add3A_623 : i32 to vector<16xi32>
      %add3A_625 = arith.addi %mul3A_177, %add3A_624 : vector<16xi32>
      %gather3A_626 = tpu.vector_load_idx %arg7[%add3A_625] : memref<448xf32, #tpu.memory_space<vmem>>[vector<16xi32>], vector<16xf32>,
      %mul3A_627 = arith.constant 5.120000e+02 : f32
      %mul3A_628 = vector.broadcast %mul3A_627 : f32 to vector<16xf32>
      %mul3A_629 = arith.mulf %gather3A_626, %mul3A_628 : vector<16xf32>
      %add3A_630 = arith.constant 1 : i32
      %add3A_631 = vector.broadcast %add3A_630 : i32 to vector<16xi32>
      %add3A_632 = arith.addi %add3A_625, %add3A_631 : vector<16xi32>
      %gather3A_633 = tpu.vector_load_idx %arg7[%add3A_632] : memref<448xf32, #tpu.memory_space<vmem>>[vector<16xi32>], vector<16xf32>,
      %mul3A_634 = arith.constant 5.120000e+02 : f32
      %mul3A_635 = vector.broadcast %mul3A_634 : f32 to vector<16xf32>
      %mul3A_636 = arith.mulf %gather3A_633, %mul3A_635 : vector<16xf32>
      %add3A_637 = arith.constant 2 : i32
      %add3A_638 = vector.broadcast %add3A_637 : i32 to vector<16xi32>
      %add3A_639 = arith.addi %add3A_625, %add3A_638 : vector<16xi32>
      %gather3A_640 = tpu.vector_load_idx %arg7[%add3A_639] : memref<448xf32, #tpu.memory_space<vmem>>[vector<16xi32>], vector<16xf32>,
      %mul3A_641 = arith.constant 2.560000e+02 : f32
      %mul3A_642 = vector.broadcast %mul3A_641 : f32 to vector<16xf32>
      %mul3A_643 = arith.mulf %gather3A_640, %mul3A_642 : vector<16xf32>
      %add3A_644 = arith.constant 3 : i32
      %add3A_645 = vector.broadcast %add3A_644 : i32 to vector<16xi32>
      %add3A_646 = arith.addi %add3A_625, %add3A_645 : vector<16xi32>
      %gather3A_647 = tpu.vector_load_idx %arg7[%add3A_646] : memref<448xf32, #tpu.memory_space<vmem>>[vector<16xi32>], vector<16xf32>,
      %mul3A_648 = arith.constant 2.560000e+02 : f32
      %mul3A_649 = vector.broadcast %mul3A_648 : f32 to vector<16xf32>
      %mul3A_650 = arith.mulf %gather3A_647, %mul3A_649 : vector<16xf32>
      %sub3A_651 = arith.subf %mul3A_629, %mul3A_643 : vector<16xf32>
      %sub3A_652 = arith.subf %mul3A_636, %mul3A_650 : vector<16xf32>
      %add3A_653 = arith.addf %mul3A_629, %mul3A_643 : vector<16xf32>
      %add3A_654 = arith.addf %mul3A_636, %mul3A_650 : vector<16xf32>
      %swap3A_655 = arith.constant 16 : index
      %swap3A_656 = tpu.vector_load %arg14[%swap3A_655] {strides = array<i32>} : memref<112xf32, #tpu.memory_space<vmem>>, vector<16xf32>,
      tpu.vector_store %arg14[%swap3A_655], %sub3A_651 {strides = array<i32>} : memref<112xf32, #tpu.memory_space<vmem>>, vector<16xf32>,
      %swap3A_657 = arith.constant 16 : index
      %swap3A_658 = tpu.vector_load %arg15[%swap3A_657] {strides = array<i32>} : memref<112xf32, #tpu.memory_space<vmem>>, vector<16xf32>,
      tpu.vector_store %arg15[%swap3A_657], %sub3A_652 {strides = array<i32>} : memref<112xf32, #tpu.memory_space<vmem>>, vector<16xf32>,
      %swap3A_659 = arith.constant 16 : index
      %swap3A_660 = tpu.vector_load %arg16[%swap3A_659] {strides = array<i32>} : memref<112xf32, #tpu.memory_space<vmem>>, vector<16xf32>,
      tpu.vector_store %arg16[%swap3A_659], %add3A_653 {strides = array<i32>} : memref<112xf32, #tpu.memory_space<vmem>>, vector<16xf32>,
      %swap3A_661 = arith.constant 16 : index
      %swap3A_662 = tpu.vector_load %arg17[%swap3A_661] {strides = array<i32>} : memref<112xf32, #tpu.memory_space<vmem>>, vector<16xf32>,
      tpu.vector_store %arg17[%swap3A_661], %add3A_654 {strides = array<i32>} : memref<112xf32, #tpu.memory_space<vmem>>, vector<16xf32>,
      %sub3A_663 = arith.subf %add3A_653, %sub3A_651 : vector<16xf32>
      %sub3A_664 = arith.subf %add3A_654, %sub3A_652 : vector<16xf32>
      %mul3A_665 = arith.mulf %sub3A_663, %sub3A_664 : vector<16xf32>
      %mul3A_666 = arith.constant 0.333333343 : f32
      %mul3A_667 = vector.broadcast %mul3A_666 : f32 to vector<16xf32>
      %mul3A_668 = arith.mulf %mul3A_665, %mul3A_667 : vector<16xf32>
      %swap3A_669 = arith.constant 16 : index
      %swap3A_670 = tpu.vector_load %arg18[%swap3A_669] {strides = array<i32>} : memref<112xf32, #tpu.memory_space<vmem>>, vector<16xf32>,
      tpu.vector_store %arg18[%swap3A_669], %mul3A_668 {strides = array<i32>} : memref<112xf32, #tpu.memory_space<vmem>>, vector<16xf32>,
      %add3A_671 = arith.constant 128 : i32
      %add3A_672 = vector.broadcast %add3A_671 : i32 to vector<16xi32>
      %add3A_673 = arith.addi %mul3A_177, %add3A_672 : vector<16xi32>
      %gather3A_674 = tpu.vector_load_idx %arg7[%add3A_673] : memref<448xf32, #tpu.memory_space<vmem>>[vector<16xi32>], vector<16xf32>,
      %mul3A_675 = arith.constant 5.120000e+02 : f32
      %mul3A_676 = vector.broadcast %mul3A_675 : f32 to vector<16xf32>
      %mul3A_677 = arith.mulf %gather3A_674, %mul3A_676 : vector<16xf32>
      %add3A_678 = arith.constant 1 : i32
      %add3A_679 = vector.broadcast %add3A_678 : i32 to vector<16xi32>
      %add3A_680 = arith.addi %add3A_673, %add3A_679 : vector<16xi32>
      %gather3A_681 = tpu.vector_load_idx %arg7[%add3A_680] : memref<448xf32, #tpu.memory_space<vmem>>[vector<16xi32>], vector<16xf32>,
      %mul3A_682 = arith.constant 5.120000e+02 : f32
      %mul3A_683 = vector.broadcast %mul3A_682 : f32 to vector<16xf32>
      %mul3A_684 = arith.mulf %gather3A_681, %mul3A_683 : vector<16xf32>
      %add3A_685 = arith.constant 2 : i32
      %add3A_686 = vector.broadcast %add3A_685 : i32 to vector<16xi32>
      %add3A_687 = arith.addi %add3A_673, %add3A_686 : vector<16xi32>
      %gather3A_688 = tpu.vector_load_idx %arg7[%add3A_687] : memref<448xf32, #tpu.memory_space<vmem>>[vector<16xi32>], vector<16xf32>,
      %mul3A_689 = arith.constant 2.560000e+02 : f32
      %mul3A_690 = vector.broadcast %mul3A_689 : f32 to vector<16xf32>
      %mul3A_691 = arith.mulf %gather3A_688, %mul3A_690 : vector<16xf32>
      %add3A_692 = arith.constant 3 : i32
      %add3A_693 = vector.broadcast %add3A_692 : i32 to vector<16xi32>
      %add3A_694 = arith.addi %add3A_673, %add3A_693 : vector<16xi32>
      %gather3A_695 = tpu.vector_load_idx %arg7[%add3A_694] : memref<448xf32, #tpu.memory_space<vmem>>[vector<16xi32>], vector<16xf32>,
      %mul3A_696 = arith.constant 2.560000e+02 : f32
      %mul3A_697 = vector.broadcast %mul3A_696 : f32 to vector<16xf32>
      %mul3A_698 = arith.mulf %gather3A_695, %mul3A_697 : vector<16xf32>
      %sub3A_699 = arith.subf %mul3A_677, %mul3A_691 : vector<16xf32>
      %sub3A_700 = arith.subf %mul3A_684, %mul3A_698 : vector<16xf32>
      %add3A_701 = arith.addf %mul3A_677, %mul3A_691 : vector<16xf32>
      %add3A_702 = arith.addf %mul3A_684, %mul3A_698 : vector<16xf32>
      %swap3A_703 = arith.constant 32 : index
      %swap3A_704 = tpu.vector_load %arg14[%swap3A_703] {strides = array<i32>} : memref<112xf32, #tpu.memory_space<vmem>>, vector<16xf32>,
      tpu.vector_store %arg14[%swap3A_703], %sub3A_699 {strides = array<i32>} : memref<112xf32, #tpu.memory_space<vmem>>, vector<16xf32>,
      %swap3A_705 = arith.constant 32 : index
      %swap3A_706 = tpu.vector_load %arg15[%swap3A_705] {strides = array<i32>} : memref<112xf32, #tpu.memory_space<vmem>>, vector<16xf32>,
      tpu.vector_store %arg15[%swap3A_705], %sub3A_700 {strides = array<i32>} : memref<112xf32, #tpu.memory_space<vmem>>, vector<16xf32>,
      %swap3A_707 = arith.constant 32 : index
      %swap3A_708 = tpu.vector_load %arg16[%swap3A_707] {strides = array<i32>} : memref<112xf32, #tpu.memory_space<vmem>>, vector<16xf32>,
      tpu.vector_store %arg16[%swap3A_707], %add3A_701 {strides = array<i32>} : memref<112xf32, #tpu.memory_space<vmem>>, vector<16xf32>,
      %swap3A_709 = arith.constant 32 : index
      %swap3A_710 = tpu.vector_load %arg17[%swap3A_709] {strides = array<i32>} : memref<112xf32, #tpu.memory_space<vmem>>, vector<16xf32>,
      tpu.vector_store %arg17[%swap3A_709], %add3A_702 {strides = array<i32>} : memref<112xf32, #tpu.memory_space<vmem>>, vector<16xf32>,
      %sub3A_711 = arith.subf %add3A_701, %sub3A_699 : vector<16xf32>
      %sub3A_712 = arith.subf %add3A_702, %sub3A_700 : vector<16xf32>
      %mul3A_713 = arith.mulf %sub3A_711, %sub3A_712 : vector<16xf32>
      %mul3A_714 = arith.constant 0.333333343 : f32
      %mul3A_715 = vector.broadcast %mul3A_714 : f32 to vector<16xf32>
      %mul3A_716 = arith.mulf %mul3A_713, %mul3A_715 : vector<16xf32>
      %swap3A_717 = arith.constant 32 : index
      %swap3A_718 = tpu.vector_load %arg18[%swap3A_717] {strides = array<i32>} : memref<112xf32, #tpu.memory_space<vmem>>, vector<16xf32>,
      tpu.vector_store %arg18[%swap3A_717], %mul3A_716 {strides = array<i32>} : memref<112xf32, #tpu.memory_space<vmem>>, vector<16xf32>,
      %add3A_719 = arith.constant 192 : i32
      %add3A_720 = vector.broadcast %add3A_719 : i32 to vector<16xi32>
      %add3A_721 = arith.addi %mul3A_177, %add3A_720 : vector<16xi32>
      %gather3A_722 = tpu.vector_load_idx %arg7[%add3A_721] : memref<448xf32, #tpu.memory_space<vmem>>[vector<16xi32>], vector<16xf32>,
      %mul3A_723 = arith.constant 5.120000e+02 : f32
      %mul3A_724 = vector.broadcast %mul3A_723 : f32 to vector<16xf32>
      %mul3A_725 = arith.mulf %gather3A_722, %mul3A_724 : vector<16xf32>
      %add3A_726 = arith.constant 1 : i32
      %add3A_727 = vector.broadcast %add3A_726 : i32 to vector<16xi32>
      %add3A_728 = arith.addi %add3A_721, %add3A_727 : vector<16xi32>
      %gather3A_729 = tpu.vector_load_idx %arg7[%add3A_728] : memref<448xf32, #tpu.memory_space<vmem>>[vector<16xi32>], vector<16xf32>,
      %mul3A_730 = arith.constant 5.120000e+02 : f32
      %mul3A_731 = vector.broadcast %mul3A_730 : f32 to vector<16xf32>
      %mul3A_732 = arith.mulf %gather3A_729, %mul3A_731 : vector<16xf32>
      %add3A_733 = arith.constant 2 : i32
      %add3A_734 = vector.broadcast %add3A_733 : i32 to vector<16xi32>
      %add3A_735 = arith.addi %add3A_721, %add3A_734 : vector<16xi32>
      %gather3A_736 = tpu.vector_load_idx %arg7[%add3A_735] : memref<448xf32, #tpu.memory_space<vmem>>[vector<16xi32>], vector<16xf32>,
      %mul3A_737 = arith.constant 2.560000e+02 : f32
      %mul3A_738 = vector.broadcast %mul3A_737 : f32 to vector<16xf32>
      %mul3A_739 = arith.mulf %gather3A_736, %mul3A_738 : vector<16xf32>
      %add3A_740 = arith.constant 3 : i32
      %add3A_741 = vector.broadcast %add3A_740 : i32 to vector<16xi32>
      %add3A_742 = arith.addi %add3A_721, %add3A_741 : vector<16xi32>
      %gather3A_743 = tpu.vector_load_idx %arg7[%add3A_742] : memref<448xf32, #tpu.memory_space<vmem>>[vector<16xi32>], vector<16xf32>,
      %mul3A_744 = arith.constant 2.560000e+02 : f32
      %mul3A_745 = vector.broadcast %mul3A_744 : f32 to vector<16xf32>
      %mul3A_746 = arith.mulf %gather3A_743, %mul3A_745 : vector<16xf32>
      %sub3A_747 = arith.subf %mul3A_725, %mul3A_739 : vector<16xf32>
      %sub3A_748 = arith.subf %mul3A_732, %mul3A_746 : vector<16xf32>
      %add3A_749 = arith.addf %mul3A_725, %mul3A_739 : vector<16xf32>
      %add3A_750 = arith.addf %mul3A_732, %mul3A_746 : vector<16xf32>
      %swap3A_751 = arith.constant 48 : index
      %swap3A_752 = tpu.vector_load %arg14[%swap3A_751] {strides = array<i32>} : memref<112xf32, #tpu.memory_space<vmem>>, vector<16xf32>,
      tpu.vector_store %arg14[%swap3A_751], %sub3A_747 {strides = array<i32>} : memref<112xf32, #tpu.memory_space<vmem>>, vector<16xf32>,
      %swap3A_753 = arith.constant 48 : index
      %swap3A_754 = tpu.vector_load %arg15[%swap3A_753] {strides = array<i32>} : memref<112xf32, #tpu.memory_space<vmem>>, vector<16xf32>,
      tpu.vector_store %arg15[%swap3A_753], %sub3A_748 {strides = array<i32>} : memref<112xf32, #tpu.memory_space<vmem>>, vector<16xf32>,
      %swap3A_755 = arith.constant 48 : index
      %swap3A_756 = tpu.vector_load %arg16[%swap3A_755] {strides = array<i32>} : memref<112xf32, #tpu.memory_space<vmem>>, vector<16xf32>,
      tpu.vector_store %arg16[%swap3A_755], %add3A_749 {strides = array<i32>} : memref<112xf32, #tpu.memory_space<vmem>>, vector<16xf32>,
      %swap3A_757 = arith.constant 48 : index
      %swap3A_758 = tpu.vector_load %arg17[%swap3A_757] {strides = array<i32>} : memref<112xf32, #tpu.memory_space<vmem>>, vector<16xf32>,
      tpu.vector_store %arg17[%swap3A_757], %add3A_750 {strides = array<i32>} : memref<112xf32, #tpu.memory_space<vmem>>, vector<16xf32>,
      %sub3A_759 = arith.subf %add3A_749, %sub3A_747 : vector<16xf32>
      %sub3A_760 = arith.subf %add3A_750, %sub3A_748 : vector<16xf32>
      %mul3A_761 = arith.mulf %sub3A_759, %sub3A_760 : vector<16xf32>
      %mul3A_762 = arith.constant 0.333333343 : f32
      %mul3A_763 = vector.broadcast %mul3A_762 : f32 to vector<16xf32>
      %mul3A_764 = arith.mulf %mul3A_761, %mul3A_763 : vector<16xf32>
      %swap3A_765 = arith.constant 48 : index
      %swap3A_766 = tpu.vector_load %arg18[%swap3A_765] {strides = array<i32>} : memref<112xf32, #tpu.memory_space<vmem>>, vector<16xf32>,
      tpu.vector_store %arg18[%swap3A_765], %mul3A_764 {strides = array<i32>} : memref<112xf32, #tpu.memory_space<vmem>>, vector<16xf32>,
      %add3A_767 = arith.constant 256 : i32
      %add3A_768 = vector.broadcast %add3A_767 : i32 to vector<16xi32>
      %add3A_769 = arith.addi %mul3A_177, %add3A_768 : vector<16xi32>
      %gather3A_770 = tpu.vector_load_idx %arg7[%add3A_769] : memref<448xf32, #tpu.memory_space<vmem>>[vector<16xi32>], vector<16xf32>,
      %mul3A_771 = arith.constant 5.120000e+02 : f32
      %mul3A_772 = vector.broadcast %mul3A_771 : f32 to vector<16xf32>
      %mul3A_773 = arith.mulf %gather3A_770, %mul3A_772 : vector<16xf32>
      %add3A_774 = arith.constant 1 : i32
      %add3A_775 = vector.broadcast %add3A_774 : i32 to vector<16xi32>
      %add3A_776 = arith.addi %add3A_769, %add3A_775 : vector<16xi32>
      %gather3A_777 = tpu.vector_load_idx %arg7[%add3A_776] : memref<448xf32, #tpu.memory_space<vmem>>[vector<16xi32>], vector<16xf32>,
      %mul3A_778 = arith.constant 5.120000e+02 : f32
      %mul3A_779 = vector.broadcast %mul3A_778 : f32 to vector<16xf32>
      %mul3A_780 = arith.mulf %gather3A_777, %mul3A_779 : vector<16xf32>
      %add3A_781 = arith.constant 2 : i32
      %add3A_782 = vector.broadcast %add3A_781 : i32 to vector<16xi32>
      %add3A_783 = arith.addi %add3A_769, %add3A_782 : vector<16xi32>
      %gather3A_784 = tpu.vector_load_idx %arg7[%add3A_783] : memref<448xf32, #tpu.memory_space<vmem>>[vector<16xi32>], vector<16xf32>,
      %mul3A_785 = arith.constant 2.560000e+02 : f32
      %mul3A_786 = vector.broadcast %mul3A_785 : f32 to vector<16xf32>
      %mul3A_787 = arith.mulf %gather3A_784, %mul3A_786 : vector<16xf32>
      %add3A_788 = arith.constant 3 : i32
      %add3A_789 = vector.broadcast %add3A_788 : i32 to vector<16xi32>
      %add3A_790 = arith.addi %add3A_769, %add3A_789 : vector<16xi32>
      %gather3A_791 = tpu.vector_load_idx %arg7[%add3A_790] : memref<448xf32, #tpu.memory_space<vmem>>[vector<16xi32>], vector<16xf32>,
      %mul3A_792 = arith.constant 2.560000e+02 : f32
      %mul3A_793 = vector.broadcast %mul3A_792 : f32 to vector<16xf32>
      %mul3A_794 = arith.mulf %gather3A_791, %mul3A_793 : vector<16xf32>
      %sub3A_795 = arith.subf %mul3A_773, %mul3A_787 : vector<16xf32>
      %sub3A_796 = arith.subf %mul3A_780, %mul3A_794 : vector<16xf32>
      %add3A_797 = arith.addf %mul3A_773, %mul3A_787 : vector<16xf32>
      %add3A_798 = arith.addf %mul3A_780, %mul3A_794 : vector<16xf32>
      %swap3A_799 = arith.constant 64 : index
      %swap3A_800 = tpu.vector_load %arg14[%swap3A_799] {strides = array<i32>} : memref<112xf32, #tpu.memory_space<vmem>>, vector<16xf32>,
      tpu.vector_store %arg14[%swap3A_799], %sub3A_795 {strides = array<i32>} : memref<112xf32, #tpu.memory_space<vmem>>, vector<16xf32>,
      %swap3A_801 = arith.constant 64 : index
      %swap3A_802 = tpu.vector_load %arg15[%swap3A_801] {strides = array<i32>} : memref<112xf32, #tpu.memory_space<vmem>>, vector<16xf32>,
      tpu.vector_store %arg15[%swap3A_801], %sub3A_796 {strides = array<i32>} : memref<112xf32, #tpu.memory_space<vmem>>, vector<16xf32>,
      %swap3A_803 = arith.constant 64 : index
      %swap3A_804 = tpu.vector_load %arg16[%swap3A_803] {strides = array<i32>} : memref<112xf32, #tpu.memory_space<vmem>>, vector<16xf32>,
      tpu.vector_store %arg16[%swap3A_803], %add3A_797 {strides = array<i32>} : memref<112xf32, #tpu.memory_space<vmem>>, vector<16xf32>,
      %swap3A_805 = arith.constant 64 : index
      %swap3A_806 = tpu.vector_load %arg17[%swap3A_805] {strides = array<i32>} : memref<112xf32, #tpu.memory_space<vmem>>, vector<16xf32>,
      tpu.vector_store %arg17[%swap3A_805], %add3A_798 {strides = array<i32>} : memref<112xf32, #tpu.memory_space<vmem>>, vector<16xf32>,
      %sub3A_807 = arith.subf %add3A_797, %sub3A_795 : vector<16xf32>
      %sub3A_808 = arith.subf %add3A_798, %sub3A_796 : vector<16xf32>
      %mul3A_809 = arith.mulf %sub3A_807, %sub3A_808 : vector<16xf32>
      %mul3A_810 = arith.constant 0.333333343 : f32
      %mul3A_811 = vector.broadcast %mul3A_810 : f32 to vector<16xf32>
      %mul3A_812 = arith.mulf %mul3A_809, %mul3A_811 : vector<16xf32>
      %swap3A_813 = arith.constant 64 : index
      %swap3A_814 = tpu.vector_load %arg18[%swap3A_813] {strides = array<i32>} : memref<112xf32, #tpu.memory_space<vmem>>, vector<16xf32>,
      tpu.vector_store %arg18[%swap3A_813], %mul3A_812 {strides = array<i32>} : memref<112xf32, #tpu.memory_space<vmem>>, vector<16xf32>,
      %add3A_815 = arith.constant 320 : i32
      %add3A_816 = vector.broadcast %add3A_815 : i32 to vector<16xi32>
      %add3A_817 = arith.addi %mul3A_177, %add3A_816 : vector<16xi32>
      %gather3A_818 = tpu.vector_load_idx %arg7[%add3A_817] : memref<448xf32, #tpu.memory_space<vmem>>[vector<16xi32>], vector<16xf32>,
      %mul3A_819 = arith.constant 5.120000e+02 : f32
      %mul3A_820 = vector.broadcast %mul3A_819 : f32 to vector<16xf32>
      %mul3A_821 = arith.mulf %gather3A_818, %mul3A_820 : vector<16xf32>
      %add3A_822 = arith.constant 1 : i32
      %add3A_823 = vector.broadcast %add3A_822 : i32 to vector<16xi32>
      %add3A_824 = arith.addi %add3A_817, %add3A_823 : vector<16xi32>
      %gather3A_825 = tpu.vector_load_idx %arg7[%add3A_824] : memref<448xf32, #tpu.memory_space<vmem>>[vector<16xi32>], vector<16xf32>,
      %mul3A_826 = arith.constant 5.120000e+02 : f32
      %mul3A_827 = vector.broadcast %mul3A_826 : f32 to vector<16xf32>
      %mul3A_828 = arith.mulf %gather3A_825, %mul3A_827 : vector<16xf32>
      %add3A_829 = arith.constant 2 : i32
      %add3A_830 = vector.broadcast %add3A_829 : i32 to vector<16xi32>
      %add3A_831 = arith.addi %add3A_817, %add3A_830 : vector<16xi32>
      %gather3A_832 = tpu.vector_load_idx %arg7[%add3A_831] : memref<448xf32, #tpu.memory_space<vmem>>[vector<16xi32>], vector<16xf32>,
      %mul3A_833 = arith.constant 2.560000e+02 : f32
      %mul3A_834 = vector.broadcast %mul3A_833 : f32 to vector<16xf32>
      %mul3A_835 = arith.mulf %gather3A_832, %mul3A_834 : vector<16xf32>
      %add3A_836 = arith.constant 3 : i32
      %add3A_837 = vector.broadcast %add3A_836 : i32 to vector<16xi32>
      %add3A_838 = arith.addi %add3A_817, %add3A_837 : vector<16xi32>
      %gather3A_839 = tpu.vector_load_idx %arg7[%add3A_838] : memref<448xf32, #tpu.memory_space<vmem>>[vector<16xi32>], vector<16xf32>,
      %mul3A_840 = arith.constant 2.560000e+02 : f32
      %mul3A_841 = vector.broadcast %mul3A_840 : f32 to vector<16xf32>
      %mul3A_842 = arith.mulf %gather3A_839, %mul3A_841 : vector<16xf32>
      %sub3A_843 = arith.subf %mul3A_821, %mul3A_835 : vector<16xf32>
      %sub3A_844 = arith.subf %mul3A_828, %mul3A_842 : vector<16xf32>
      %add3A_845 = arith.addf %mul3A_821, %mul3A_835 : vector<16xf32>
      %add3A_846 = arith.addf %mul3A_828, %mul3A_842 : vector<16xf32>
      %swap3A_847 = arith.constant 80 : index
      %swap3A_848 = tpu.vector_load %arg14[%swap3A_847] {strides = array<i32>} : memref<112xf32, #tpu.memory_space<vmem>>, vector<16xf32>,
      tpu.vector_store %arg14[%swap3A_847], %sub3A_843 {strides = array<i32>} : memref<112xf32, #tpu.memory_space<vmem>>, vector<16xf32>,
      %swap3A_849 = arith.constant 80 : index
      %swap3A_850 = tpu.vector_load %arg15[%swap3A_849] {strides = array<i32>} : memref<112xf32, #tpu.memory_space<vmem>>, vector<16xf32>,
      tpu.vector_store %arg15[%swap3A_849], %sub3A_844 {strides = array<i32>} : memref<112xf32, #tpu.memory_space<vmem>>, vector<16xf32>,
      %swap3A_851 = arith.constant 80 : index
      %swap3A_852 = tpu.vector_load %arg16[%swap3A_851] {strides = array<i32>} : memref<112xf32, #tpu.memory_space<vmem>>, vector<16xf32>,
      tpu.vector_store %arg16[%swap3A_851], %add3A_845 {strides = array<i32>} : memref<112xf32, #tpu.memory_space<vmem>>, vector<16xf32>,
      %swap3A_853 = arith.constant 80 : index
      %swap3A_854 = tpu.vector_load %arg17[%swap3A_853] {strides = array<i32>} : memref<112xf32, #tpu.memory_space<vmem>>, vector<16xf32>,
      tpu.vector_store %arg17[%swap3A_853], %add3A_846 {strides = array<i32>} : memref<112xf32, #tpu.memory_space<vmem>>, vector<16xf32>,
      %sub3A_855 = arith.subf %add3A_845, %sub3A_843 : vector<16xf32>
      %sub3A_856 = arith.subf %add3A_846, %sub3A_844 : vector<16xf32>
      %mul3A_857 = arith.mulf %sub3A_855, %sub3A_856 : vector<16xf32>
      %mul3A_858 = arith.constant 0.333333343 : f32
      %mul3A_859 = vector.broadcast %mul3A_858 : f32 to vector<16xf32>
      %mul3A_860 = arith.mulf %mul3A_857, %mul3A_859 : vector<16xf32>
      %swap3A_861 = arith.constant 80 : index
      %swap3A_862 = tpu.vector_load %arg18[%swap3A_861] {strides = array<i32>} : memref<112xf32, #tpu.memory_space<vmem>>, vector<16xf32>,
      tpu.vector_store %arg18[%swap3A_861], %mul3A_860 {strides = array<i32>} : memref<112xf32, #tpu.memory_space<vmem>>, vector<16xf32>,
      %add3A_863 = arith.constant 384 : i32
      %add3A_864 = vector.broadcast %add3A_863 : i32 to vector<16xi32>
      %add3A_865 = arith.addi %mul3A_177, %add3A_864 : vector<16xi32>
      %gather3A_866 = tpu.vector_load_idx %arg7[%add3A_865] : memref<448xf32, #tpu.memory_space<vmem>>[vector<16xi32>], vector<16xf32>,
      %mul3A_867 = arith.constant 5.120000e+02 : f32
      %mul3A_868 = vector.broadcast %mul3A_867 : f32 to vector<16xf32>
      %mul3A_869 = arith.mulf %gather3A_866, %mul3A_868 : vector<16xf32>
      %add3A_870 = arith.constant 1 : i32
      %add3A_871 = vector.broadcast %add3A_870 : i32 to vector<16xi32>
      %add3A_872 = arith.addi %add3A_865, %add3A_871 : vector<16xi32>
      %gather3A_873 = tpu.vector_load_idx %arg7[%add3A_872] : memref<448xf32, #tpu.memory_space<vmem>>[vector<16xi32>], vector<16xf32>,
      %mul3A_874 = arith.constant 5.120000e+02 : f32
      %mul3A_875 = vector.broadcast %mul3A_874 : f32 to vector<16xf32>
      %mul3A_876 = arith.mulf %gather3A_873, %mul3A_875 : vector<16xf32>
      %add3A_877 = arith.constant 2 : i32
      %add3A_878 = vector.broadcast %add3A_877 : i32 to vector<16xi32>
      %add3A_879 = arith.addi %add3A_865, %add3A_878 : vector<16xi32>
      %gather3A_880 = tpu.vector_load_idx %arg7[%add3A_879] : memref<448xf32, #tpu.memory_space<vmem>>[vector<16xi32>], vector<16xf32>,
      %mul3A_881 = arith.constant 2.560000e+02 : f32
      %mul3A_882 = vector.broadcast %mul3A_881 : f32 to vector<16xf32>
      %mul3A_883 = arith.mulf %gather3A_880, %mul3A_882 : vector<16xf32>
      %add3A_884 = arith.constant 3 : i32
      %add3A_885 = vector.broadcast %add3A_884 : i32 to vector<16xi32>
      %add3A_886 = arith.addi %add3A_865, %add3A_885 : vector<16xi32>
      %gather3A_887 = tpu.vector_load_idx %arg7[%add3A_886] : memref<448xf32, #tpu.memory_space<vmem>>[vector<16xi32>], vector<16xf32>,
      %mul3A_888 = arith.constant 2.560000e+02 : f32
      %mul3A_889 = vector.broadcast %mul3A_888 : f32 to vector<16xf32>
      %mul3A_890 = arith.mulf %gather3A_887, %mul3A_889 : vector<16xf32>
      %sub3A_891 = arith.subf %mul3A_869, %mul3A_883 : vector<16xf32>
      %sub3A_892 = arith.subf %mul3A_876, %mul3A_890 : vector<16xf32>
      %add3A_893 = arith.addf %mul3A_869, %mul3A_883 : vector<16xf32>
      %add3A_894 = arith.addf %mul3A_876, %mul3A_890 : vector<16xf32>
      %swap3A_895 = arith.constant 96 : index
      %swap3A_896 = tpu.vector_load %arg14[%swap3A_895] {strides = array<i32>} : memref<112xf32, #tpu.memory_space<vmem>>, vector<16xf32>,
      tpu.vector_store %arg14[%swap3A_895], %sub3A_891 {strides = array<i32>} : memref<112xf32, #tpu.memory_space<vmem>>, vector<16xf32>,
      %swap3A_897 = arith.constant 96 : index
      %swap3A_898 = tpu.vector_load %arg15[%swap3A_897] {strides = array<i32>} : memref<112xf32, #tpu.memory_space<vmem>>, vector<16xf32>,
      tpu.vector_store %arg15[%swap3A_897], %sub3A_892 {strides = array<i32>} : memref<112xf32, #tpu.memory_space<vmem>>, vector<16xf32>,
      %swap3A_899 = arith.constant 96 : index
      %swap3A_900 = tpu.vector_load %arg16[%swap3A_899] {strides = array<i32>} : memref<112xf32, #tpu.memory_space<vmem>>, vector<16xf32>,
      tpu.vector_store %arg16[%swap3A_899], %add3A_893 {strides = array<i32>} : memref<112xf32, #tpu.memory_space<vmem>>, vector<16xf32>,
      %swap3A_901 = arith.constant 96 : index
      %swap3A_902 = tpu.vector_load %arg17[%swap3A_901] {strides = array<i32>} : memref<112xf32, #tpu.memory_space<vmem>>, vector<16xf32>,
      tpu.vector_store %arg17[%swap3A_901], %add3A_894 {strides = array<i32>} : memref<112xf32, #tpu.memory_space<vmem>>, vector<16xf32>,
      %sub3A_903 = arith.subf %add3A_893, %sub3A_891 : vector<16xf32>
      %sub3A_904 = arith.subf %add3A_894, %sub3A_892 : vector<16xf32>
      %mul3A_905 = arith.mulf %sub3A_903, %sub3A_904 : vector<16xf32>
      %mul3A_906 = arith.constant 0.333333343 : f32
      %mul3A_907 = vector.broadcast %mul3A_906 : f32 to vector<16xf32>
      %mul3A_908 = arith.mulf %mul3A_905, %mul3A_907 : vector<16xf32>
      %swap3A_909 = arith.constant 96 : index
      %swap3A_910 = tpu.vector_load %arg18[%swap3A_909] {strides = array<i32>} : memref<112xf32, #tpu.memory_space<vmem>>, vector<16xf32>,
      tpu.vector_store %arg18[%swap3A_909], %mul3A_908 {strides = array<i32>} : memref<112xf32, #tpu.memory_space<vmem>>, vector<16xf32>,
      %parallel_loop3A_911 = arith.constant 0 : i32
      %parallel_loop3A_912 = arith.constant 96 : i32
      %parallel_loop3A_913 = arith.constant 1 : i32
      scf.for %parallel_loop3A_1006 = %parallel_loop3A_911 to %parallel_loop3A_912 step %parallel_loop3A_913  : i32 {
        %parallel_loop3A_1007 = vector.broadcast %parallel_loop3A_1006 : i32 to vector<16xi32>
        %parallel_loop3A_1008 = arith.constant 0 : i32
        %parallel_loop3A_1009 = vector.broadcast %parallel_loop3A_1008 : i32 to vector<16xi32>
        %parallel_loop3A_1010 = arith.addi %mul3A_177, %parallel_loop3A_1009 : vector<16xi32>
        %parallel_loop3A_1011 = tpu.vector_load_idx %arg6[%parallel_loop3A_1007, %parallel_loop3A_1010] : memref<96x256xf32, #tpu.memory_space<vmem>>[vector<16xi32>, vector<16xi32>], vector<16xf32>,
        %parallel_loop3A_1012 = arith.constant 1 : i32
        %parallel_loop3A_1013 = vector.broadcast %parallel_loop3A_1012 : i32 to vector<16xi32>
        %parallel_loop3A_1014 = arith.addi %parallel_loop3A_1010, %parallel_loop3A_1013 : vector<16xi32>
        %parallel_loop3A_1015 = tpu.vector_load_idx %arg6[%parallel_loop3A_1007, %parallel_loop3A_1014] : memref<96x256xf32, #tpu.memory_space<vmem>>[vector<16xi32>, vector<16xi32>], vector<16xf32>,
        %parallel_loop3A_1016 = arith.constant 2 : i32
        %parallel_loop3A_1017 = vector.broadcast %parallel_loop3A_1016 : i32 to vector<16xi32>
        %parallel_loop3A_1018 = arith.addi %parallel_loop3A_1010, %parallel_loop3A_1017 : vector<16xi32>
        %parallel_loop3A_1019 = tpu.vector_load_idx %arg6[%parallel_loop3A_1007, %parallel_loop3A_1018] : memref<96x256xf32, #tpu.memory_space<vmem>>[vector<16xi32>, vector<16xi32>], vector<16xf32>,
        %parallel_loop3A_1020 = arith.constant 5.000000e-01 : f32
        %parallel_loop3A_1021 = vector.broadcast %parallel_loop3A_1020 : f32 to vector<16xf32>
        %parallel_loop3A_1022 = arith.mulf %parallel_loop3A_1019, %parallel_loop3A_1021 : vector<16xf32>
        %parallel_loop3A_1023 = arith.constant 3 : i32
        %parallel_loop3A_1024 = vector.broadcast %parallel_loop3A_1023 : i32 to vector<16xi32>
        %parallel_loop3A_1025 = arith.addi %parallel_loop3A_1010, %parallel_loop3A_1024 : vector<16xi32>
        %parallel_loop3A_1026 = tpu.vector_load_idx %arg6[%parallel_loop3A_1007, %parallel_loop3A_1025] : memref<96x256xf32, #tpu.memory_space<vmem>>[vector<16xi32>, vector<16xi32>], vector<16xf32>,
        %parallel_loop3A_1027 = arith.constant 5.000000e-01 : f32
        %parallel_loop3A_1028 = vector.broadcast %parallel_loop3A_1027 : f32 to vector<16xf32>
        %parallel_loop3A_1029 = arith.mulf %parallel_loop3A_1026, %parallel_loop3A_1028 : vector<16xf32>
        %parallel_loop3A_1030 = arith.constant 64 : i32
        %parallel_loop3A_1031 = arith.muli %parallel_loop3A_1006, %parallel_loop3A_1030 : i32
        %parallel_loop3A_1032 = arith.constant 0 : i32
        %parallel_loop3A_1033 = arith.addi %parallel_loop3A_1031, %parallel_loop3A_1032 : i32
        %parallel_loop3A_1034 = arith.subf %parallel_loop3A_1011, %parallel_loop3A_1022 : vector<16xf32>
        %parallel_loop3A_1035 = arith.index_cast %parallel_loop3A_1033 : i32 to index
        %parallel_loop3A_1036 = tpu.vector_load %arg10[%parallel_loop3A_1035] {strides = array<i32>} : memref<6144xf32, #tpu.memory_space<vmem>>, vector<16xf32>,
        tpu.vector_store %arg10[%parallel_loop3A_1035], %parallel_loop3A_1034 {strides = array<i32>} : memref<6144xf32, #tpu.memory_space<vmem>>, vector<16xf32>,
        %parallel_loop3A_1037 = arith.subf %parallel_loop3A_1015, %parallel_loop3A_1029 : vector<16xf32>
        %parallel_loop3A_1038 = arith.index_cast %parallel_loop3A_1033 : i32 to index
        %parallel_loop3A_1039 = tpu.vector_load %arg11[%parallel_loop3A_1038] {strides = array<i32>} : memref<6144xf32, #tpu.memory_space<vmem>>, vector<16xf32>,
        tpu.vector_store %arg11[%parallel_loop3A_1038], %parallel_loop3A_1037 {strides = array<i32>} : memref<6144xf32, #tpu.memory_space<vmem>>, vector<16xf32>,
        %parallel_loop3A_1040 = arith.addf %parallel_loop3A_1011, %parallel_loop3A_1022 : vector<16xf32>
        %parallel_loop3A_1041 = arith.index_cast %parallel_loop3A_1033 : i32 to index
        %parallel_loop3A_1042 = tpu.vector_load %arg12[%parallel_loop3A_1041] {strides = array<i32>} : memref<6144xf32, #tpu.memory_space<vmem>>, vector<16xf32>,
        tpu.vector_store %arg12[%parallel_loop3A_1041], %parallel_loop3A_1040 {strides = array<i32>} : memref<6144xf32, #tpu.memory_space<vmem>>, vector<16xf32>,
        %parallel_loop3A_1043 = arith.addf %parallel_loop3A_1015, %parallel_loop3A_1029 : vector<16xf32>
        %parallel_loop3A_1044 = arith.index_cast %parallel_loop3A_1033 : i32 to index
        %parallel_loop3A_1045 = tpu.vector_load %arg13[%parallel_loop3A_1044] {strides = array<i32>} : memref<6144xf32, #tpu.memory_space<vmem>>, vector<16xf32>,
        tpu.vector_store %arg13[%parallel_loop3A_1044], %parallel_loop3A_1043 {strides = array<i32>} : memref<6144xf32, #tpu.memory_space<vmem>>, vector<16xf32>,
        %parallel_loop3A_1046 = arith.constant 0.000000e+00 : f32
        %parallel_loop3A_1047 = vector.broadcast %parallel_loop3A_1046 : f32 to vector<16xf32>
        %parallel_loop3A_1048 = arith.index_cast %parallel_loop3A_1033 : i32 to index
        %parallel_loop3A_1049 = tpu.vector_load %arg19[%parallel_loop3A_1048] {strides = array<i32>} : memref<6144xf32, #tpu.memory_space<vmem>>, vector<16xf32>,
        tpu.vector_store %arg19[%parallel_loop3A_1048], %parallel_loop3A_1047 {strides = array<i32>} : memref<6144xf32, #tpu.memory_space<vmem>>, vector<16xf32>,
        %parallel_loop3A_1050 = arith.constant 64 : i32
        %parallel_loop3A_1051 = vector.broadcast %parallel_loop3A_1050 : i32 to vector<16xi32>
        %parallel_loop3A_1052 = arith.addi %mul3A_177, %parallel_loop3A_1051 : vector<16xi32>
        %parallel_loop3A_1053 = tpu.vector_load_idx %arg6[%parallel_loop3A_1007, %parallel_loop3A_1052] : memref<96x256xf32, #tpu.memory_space<vmem>>[vector<16xi32>, vector<16xi32>], vector<16xf32>,
        %parallel_loop3A_1054 = arith.constant 1 : i32
        %parallel_loop3A_1055 = vector.broadcast %parallel_loop3A_1054 : i32 to vector<16xi32>
        %parallel_loop3A_1056 = arith.addi %parallel_loop3A_1052, %parallel_loop3A_1055 : vector<16xi32>
        %parallel_loop3A_1057 = tpu.vector_load_idx %arg6[%parallel_loop3A_1007, %parallel_loop3A_1056] : memref<96x256xf32, #tpu.memory_space<vmem>>[vector<16xi32>, vector<16xi32>], vector<16xf32>,
        %parallel_loop3A_1058 = arith.constant 2 : i32
        %parallel_loop3A_1059 = vector.broadcast %parallel_loop3A_1058 : i32 to vector<16xi32>
        %parallel_loop3A_1060 = arith.addi %parallel_loop3A_1052, %parallel_loop3A_1059 : vector<16xi32>
        %parallel_loop3A_1061 = tpu.vector_load_idx %arg6[%parallel_loop3A_1007, %parallel_loop3A_1060] : memref<96x256xf32, #tpu.memory_space<vmem>>[vector<16xi32>, vector<16xi32>], vector<16xf32>,
        %parallel_loop3A_1062 = arith.constant 5.000000e-01 : f32
        %parallel_loop3A_1063 = vector.broadcast %parallel_loop3A_1062 : f32 to vector<16xf32>
        %parallel_loop3A_1064 = arith.mulf %parallel_loop3A_1061, %parallel_loop3A_1063 : vector<16xf32>
        %parallel_loop3A_1065 = arith.constant 3 : i32
        %parallel_loop3A_1066 = vector.broadcast %parallel_loop3A_1065 : i32 to vector<16xi32>
        %parallel_loop3A_1067 = arith.addi %parallel_loop3A_1052, %parallel_loop3A_1066 : vector<16xi32>
        %parallel_loop3A_1068 = tpu.vector_load_idx %arg6[%parallel_loop3A_1007, %parallel_loop3A_1067] : memref<96x256xf32, #tpu.memory_space<vmem>>[vector<16xi32>, vector<16xi32>], vector<16xf32>,
        %parallel_loop3A_1069 = arith.constant 5.000000e-01 : f32
        %parallel_loop3A_1070 = vector.broadcast %parallel_loop3A_1069 : f32 to vector<16xf32>
        %parallel_loop3A_1071 = arith.mulf %parallel_loop3A_1068, %parallel_loop3A_1070 : vector<16xf32>
        %parallel_loop3A_1072 = arith.constant 64 : i32
        %parallel_loop3A_1073 = arith.muli %parallel_loop3A_1006, %parallel_loop3A_1072 : i32
        %parallel_loop3A_1074 = arith.constant 16 : i32
        %parallel_loop3A_1075 = arith.addi %parallel_loop3A_1073, %parallel_loop3A_1074 : i32
        %parallel_loop3A_1076 = arith.subf %parallel_loop3A_1053, %parallel_loop3A_1064 : vector<16xf32>
        %parallel_loop3A_1077 = arith.index_cast %parallel_loop3A_1075 : i32 to index
        %parallel_loop3A_1078 = tpu.vector_load %arg10[%parallel_loop3A_1077] {strides = array<i32>} : memref<6144xf32, #tpu.memory_space<vmem>>, vector<16xf32>,
        tpu.vector_store %arg10[%parallel_loop3A_1077], %parallel_loop3A_1076 {strides = array<i32>} : memref<6144xf32, #tpu.memory_space<vmem>>, vector<16xf32>,
        %parallel_loop3A_1079 = arith.subf %parallel_loop3A_1057, %parallel_loop3A_1071 : vector<16xf32>
        %parallel_loop3A_1080 = arith.index_cast %parallel_loop3A_1075 : i32 to index
        %parallel_loop3A_1081 = tpu.vector_load %arg11[%parallel_loop3A_1080] {strides = array<i32>} : memref<6144xf32, #tpu.memory_space<vmem>>, vector<16xf32>,
        tpu.vector_store %arg11[%parallel_loop3A_1080], %parallel_loop3A_1079 {strides = array<i32>} : memref<6144xf32, #tpu.memory_space<vmem>>, vector<16xf32>,
        %parallel_loop3A_1082 = arith.addf %parallel_loop3A_1053, %parallel_loop3A_1064 : vector<16xf32>
        %parallel_loop3A_1083 = arith.index_cast %parallel_loop3A_1075 : i32 to index
        %parallel_loop3A_1084 = tpu.vector_load %arg12[%parallel_loop3A_1083] {strides = array<i32>} : memref<6144xf32, #tpu.memory_space<vmem>>, vector<16xf32>,
        tpu.vector_store %arg12[%parallel_loop3A_1083], %parallel_loop3A_1082 {strides = array<i32>} : memref<6144xf32, #tpu.memory_space<vmem>>, vector<16xf32>,
        %parallel_loop3A_1085 = arith.addf %parallel_loop3A_1057, %parallel_loop3A_1071 : vector<16xf32>
        %parallel_loop3A_1086 = arith.index_cast %parallel_loop3A_1075 : i32 to index
        %parallel_loop3A_1087 = tpu.vector_load %arg13[%parallel_loop3A_1086] {strides = array<i32>} : memref<6144xf32, #tpu.memory_space<vmem>>, vector<16xf32>,
        tpu.vector_store %arg13[%parallel_loop3A_1086], %parallel_loop3A_1085 {strides = array<i32>} : memref<6144xf32, #tpu.memory_space<vmem>>, vector<16xf32>,
        %parallel_loop3A_1088 = arith.constant 0.000000e+00 : f32
        %parallel_loop3A_1089 = vector.broadcast %parallel_loop3A_1088 : f32 to vector<16xf32>
        %parallel_loop3A_1090 = arith.index_cast %parallel_loop3A_1075 : i32 to index
        %parallel_loop3A_1091 = tpu.vector_load %arg19[%parallel_loop3A_1090] {strides = array<i32>} : memref<6144xf32, #tpu.memory_space<vmem>>, vector<16xf32>,
        tpu.vector_store %arg19[%parallel_loop3A_1090], %parallel_loop3A_1089 {strides = array<i32>} : memref<6144xf32, #tpu.memory_space<vmem>>, vector<16xf32>,
        %parallel_loop3A_1092 = arith.constant 128 : i32
        %parallel_loop3A_1093 = vector.broadcast %parallel_loop3A_1092 : i32 to vector<16xi32>
        %parallel_loop3A_1094 = arith.addi %mul3A_177, %parallel_loop3A_1093 : vector<16xi32>
        %parallel_loop3A_1095 = tpu.vector_load_idx %arg6[%parallel_loop3A_1007, %parallel_loop3A_1094] : memref<96x256xf32, #tpu.memory_space<vmem>>[vector<16xi32>, vector<16xi32>], vector<16xf32>,
        %parallel_loop3A_1096 = arith.constant 1 : i32
        %parallel_loop3A_1097 = vector.broadcast %parallel_loop3A_1096 : i32 to vector<16xi32>
        %parallel_loop3A_1098 = arith.addi %parallel_loop3A_1094, %parallel_loop3A_1097 : vector<16xi32>
        %parallel_loop3A_1099 = tpu.vector_load_idx %arg6[%parallel_loop3A_1007, %parallel_loop3A_1098] : memref<96x256xf32, #tpu.memory_space<vmem>>[vector<16xi32>, vector<16xi32>], vector<16xf32>,
        %parallel_loop3A_1100 = arith.constant 2 : i32
        %parallel_loop3A_1101 = vector.broadcast %parallel_loop3A_1100 : i32 to vector<16xi32>
        %parallel_loop3A_1102 = arith.addi %parallel_loop3A_1094, %parallel_loop3A_1101 : vector<16xi32>
        %parallel_loop3A_1103 = tpu.vector_load_idx %arg6[%parallel_loop3A_1007, %parallel_loop3A_1102] : memref<96x256xf32, #tpu.memory_space<vmem>>[vector<16xi32>, vector<16xi32>], vector<16xf32>,
        %parallel_loop3A_1104 = arith.constant 5.000000e-01 : f32
        %parallel_loop3A_1105 = vector.broadcast %parallel_loop3A_1104 : f32 to vector<16xf32>
        %parallel_loop3A_1106 = arith.mulf %parallel_loop3A_1103, %parallel_loop3A_1105 : vector<16xf32>
        %parallel_loop3A_1107 = arith.constant 3 : i32
        %parallel_loop3A_1108 = vector.broadcast %parallel_loop3A_1107 : i32 to vector<16xi32>
        %parallel_loop3A_1109 = arith.addi %parallel_loop3A_1094, %parallel_loop3A_1108 : vector<16xi32>
        %parallel_loop3A_1110 = tpu.vector_load_idx %arg6[%parallel_loop3A_1007, %parallel_loop3A_1109] : memref<96x256xf32, #tpu.memory_space<vmem>>[vector<16xi32>, vector<16xi32>], vector<16xf32>,
        %parallel_loop3A_1111 = arith.constant 5.000000e-01 : f32
        %parallel_loop3A_1112 = vector.broadcast %parallel_loop3A_1111 : f32 to vector<16xf32>
        %parallel_loop3A_1113 = arith.mulf %parallel_loop3A_1110, %parallel_loop3A_1112 : vector<16xf32>
        %parallel_loop3A_1114 = arith.constant 64 : i32
        %parallel_loop3A_1115 = arith.muli %parallel_loop3A_1006, %parallel_loop3A_1114 : i32
        %parallel_loop3A_1116 = arith.constant 32 : i32
        %parallel_loop3A_1117 = arith.addi %parallel_loop3A_1115, %parallel_loop3A_1116 : i32
        %parallel_loop3A_1118 = arith.subf %parallel_loop3A_1095, %parallel_loop3A_1106 : vector<16xf32>
        %parallel_loop3A_1119 = arith.index_cast %parallel_loop3A_1117 : i32 to index
        %parallel_loop3A_1120 = tpu.vector_load %arg10[%parallel_loop3A_1119] {strides = array<i32>} : memref<6144xf32, #tpu.memory_space<vmem>>, vector<16xf32>,
        tpu.vector_store %arg10[%parallel_loop3A_1119], %parallel_loop3A_1118 {strides = array<i32>} : memref<6144xf32, #tpu.memory_space<vmem>>, vector<16xf32>,
        %parallel_loop3A_1121 = arith.subf %parallel_loop3A_1099, %parallel_loop3A_1113 : vector<16xf32>
        %parallel_loop3A_1122 = arith.index_cast %parallel_loop3A_1117 : i32 to index
        %parallel_loop3A_1123 = tpu.vector_load %arg11[%parallel_loop3A_1122] {strides = array<i32>} : memref<6144xf32, #tpu.memory_space<vmem>>, vector<16xf32>,
        tpu.vector_store %arg11[%parallel_loop3A_1122], %parallel_loop3A_1121 {strides = array<i32>} : memref<6144xf32, #tpu.memory_space<vmem>>, vector<16xf32>,
        %parallel_loop3A_1124 = arith.addf %parallel_loop3A_1095, %parallel_loop3A_1106 : vector<16xf32>
        %parallel_loop3A_1125 = arith.index_cast %parallel_loop3A_1117 : i32 to index
        %parallel_loop3A_1126 = tpu.vector_load %arg12[%parallel_loop3A_1125] {strides = array<i32>} : memref<6144xf32, #tpu.memory_space<vmem>>, vector<16xf32>,
        tpu.vector_store %arg12[%parallel_loop3A_1125], %parallel_loop3A_1124 {strides = array<i32>} : memref<6144xf32, #tpu.memory_space<vmem>>, vector<16xf32>,
        %parallel_loop3A_1127 = arith.addf %parallel_loop3A_1099, %parallel_loop3A_1113 : vector<16xf32>
        %parallel_loop3A_1128 = arith.index_cast %parallel_loop3A_1117 : i32 to index
        %parallel_loop3A_1129 = tpu.vector_load %arg13[%parallel_loop3A_1128] {strides = array<i32>} : memref<6144xf32, #tpu.memory_space<vmem>>, vector<16xf32>,
        tpu.vector_store %arg13[%parallel_loop3A_1128], %parallel_loop3A_1127 {strides = array<i32>} : memref<6144xf32, #tpu.memory_space<vmem>>, vector<16xf32>,
        %parallel_loop3A_1130 = arith.constant 0.000000e+00 : f32
        %parallel_loop3A_1131 = vector.broadcast %parallel_loop3A_1130 : f32 to vector<16xf32>
        %parallel_loop3A_1132 = arith.index_cast %parallel_loop3A_1117 : i32 to index
        %parallel_loop3A_1133 = tpu.vector_load %arg19[%parallel_loop3A_1132] {strides = array<i32>} : memref<6144xf32, #tpu.memory_space<vmem>>, vector<16xf32>,
        tpu.vector_store %arg19[%parallel_loop3A_1132], %parallel_loop3A_1131 {strides = array<i32>} : memref<6144xf32, #tpu.memory_space<vmem>>, vector<16xf32>,
        %parallel_loop3A_1134 = arith.constant 192 : i32
        %parallel_loop3A_1135 = vector.broadcast %parallel_loop3A_1134 : i32 to vector<16xi32>
        %parallel_loop3A_1136 = arith.addi %mul3A_177, %parallel_loop3A_1135 : vector<16xi32>
        %parallel_loop3A_1137 = tpu.vector_load_idx %arg6[%parallel_loop3A_1007, %parallel_loop3A_1136] : memref<96x256xf32, #tpu.memory_space<vmem>>[vector<16xi32>, vector<16xi32>], vector<16xf32>,
        %parallel_loop3A_1138 = arith.constant 1 : i32
        %parallel_loop3A_1139 = vector.broadcast %parallel_loop3A_1138 : i32 to vector<16xi32>
        %parallel_loop3A_1140 = arith.addi %parallel_loop3A_1136, %parallel_loop3A_1139 : vector<16xi32>
        %parallel_loop3A_1141 = tpu.vector_load_idx %arg6[%parallel_loop3A_1007, %parallel_loop3A_1140] : memref<96x256xf32, #tpu.memory_space<vmem>>[vector<16xi32>, vector<16xi32>], vector<16xf32>,
        %parallel_loop3A_1142 = arith.constant 2 : i32
        %parallel_loop3A_1143 = vector.broadcast %parallel_loop3A_1142 : i32 to vector<16xi32>
        %parallel_loop3A_1144 = arith.addi %parallel_loop3A_1136, %parallel_loop3A_1143 : vector<16xi32>
        %parallel_loop3A_1145 = tpu.vector_load_idx %arg6[%parallel_loop3A_1007, %parallel_loop3A_1144] : memref<96x256xf32, #tpu.memory_space<vmem>>[vector<16xi32>, vector<16xi32>], vector<16xf32>,
        %parallel_loop3A_1146 = arith.constant 5.000000e-01 : f32
        %parallel_loop3A_1147 = vector.broadcast %parallel_loop3A_1146 : f32 to vector<16xf32>
        %parallel_loop3A_1148 = arith.mulf %parallel_loop3A_1145, %parallel_loop3A_1147 : vector<16xf32>
        %parallel_loop3A_1149 = arith.constant 3 : i32
        %parallel_loop3A_1150 = vector.broadcast %parallel_loop3A_1149 : i32 to vector<16xi32>
        %parallel_loop3A_1151 = arith.addi %parallel_loop3A_1136, %parallel_loop3A_1150 : vector<16xi32>
        %parallel_loop3A_1152 = tpu.vector_load_idx %arg6[%parallel_loop3A_1007, %parallel_loop3A_1151] : memref<96x256xf32, #tpu.memory_space<vmem>>[vector<16xi32>, vector<16xi32>], vector<16xf32>,
        %parallel_loop3A_1153 = arith.constant 5.000000e-01 : f32
        %parallel_loop3A_1154 = vector.broadcast %parallel_loop3A_1153 : f32 to vector<16xf32>
        %parallel_loop3A_1155 = arith.mulf %parallel_loop3A_1152, %parallel_loop3A_1154 : vector<16xf32>
        %parallel_loop3A_1156 = arith.constant 64 : i32
        %parallel_loop3A_1157 = arith.muli %parallel_loop3A_1006, %parallel_loop3A_1156 : i32
        %parallel_loop3A_1158 = arith.constant 48 : i32
        %parallel_loop3A_1159 = arith.addi %parallel_loop3A_1157, %parallel_loop3A_1158 : i32
        %parallel_loop3A_1160 = arith.subf %parallel_loop3A_1137, %parallel_loop3A_1148 : vector<16xf32>
        %parallel_loop3A_1161 = arith.index_cast %parallel_loop3A_1159 : i32 to index
        %parallel_loop3A_1162 = tpu.vector_load %arg10[%parallel_loop3A_1161] {strides = array<i32>} : memref<6144xf32, #tpu.memory_space<vmem>>, vector<16xf32>,
        tpu.vector_store %arg10[%parallel_loop3A_1161], %parallel_loop3A_1160 {strides = array<i32>} : memref<6144xf32, #tpu.memory_space<vmem>>, vector<16xf32>,
        %parallel_loop3A_1163 = arith.subf %parallel_loop3A_1141, %parallel_loop3A_1155 : vector<16xf32>
        %parallel_loop3A_1164 = arith.index_cast %parallel_loop3A_1159 : i32 to index
        %parallel_loop3A_1165 = tpu.vector_load %arg11[%parallel_loop3A_1164] {strides = array<i32>} : memref<6144xf32, #tpu.memory_space<vmem>>, vector<16xf32>,
        tpu.vector_store %arg11[%parallel_loop3A_1164], %parallel_loop3A_1163 {strides = array<i32>} : memref<6144xf32, #tpu.memory_space<vmem>>, vector<16xf32>,
        %parallel_loop3A_1166 = arith.addf %parallel_loop3A_1137, %parallel_loop3A_1148 : vector<16xf32>
        %parallel_loop3A_1167 = arith.index_cast %parallel_loop3A_1159 : i32 to index
        %parallel_loop3A_1168 = tpu.vector_load %arg12[%parallel_loop3A_1167] {strides = array<i32>} : memref<6144xf32, #tpu.memory_space<vmem>>, vector<16xf32>,
        tpu.vector_store %arg12[%parallel_loop3A_1167], %parallel_loop3A_1166 {strides = array<i32>} : memref<6144xf32, #tpu.memory_space<vmem>>, vector<16xf32>,
        %parallel_loop3A_1169 = arith.addf %parallel_loop3A_1141, %parallel_loop3A_1155 : vector<16xf32>
        %parallel_loop3A_1170 = arith.index_cast %parallel_loop3A_1159 : i32 to index
        %parallel_loop3A_1171 = tpu.vector_load %arg13[%parallel_loop3A_1170] {strides = array<i32>} : memref<6144xf32, #tpu.memory_space<vmem>>, vector<16xf32>,
        tpu.vector_store %arg13[%parallel_loop3A_1170], %parallel_loop3A_1169 {strides = array<i32>} : memref<6144xf32, #tpu.memory_space<vmem>>, vector<16xf32>,
        %parallel_loop3A_1172 = arith.constant 0.000000e+00 : f32
        %parallel_loop3A_1173 = vector.broadcast %parallel_loop3A_1172 : f32 to vector<16xf32>
        %parallel_loop3A_1174 = arith.index_cast %parallel_loop3A_1159 : i32 to index
        %parallel_loop3A_1175 = tpu.vector_load %arg19[%parallel_loop3A_1174] {strides = array<i32>} : memref<6144xf32, #tpu.memory_space<vmem>>, vector<16xf32>,
        tpu.vector_store %arg19[%parallel_loop3A_1174], %parallel_loop3A_1173 {strides = array<i32>} : memref<6144xf32, #tpu.memory_space<vmem>>, vector<16xf32>,
      } {sc.loop_unroll_factor = 2 : i64, sc.parallel_access}
      %scan3A = arith.constant 0 : i32
      %scan3A_914 = arith.constant 0 : i32
      %scan3A_915 = arith.constant 25 : i32
      %scan3A_916 = arith.addi %scan3A_914, %scan3A_915 : i32
      %scan3A_917 = arith.constant 1 : i32
      scf.for %scan3A_1006 = %scan3A_914 to %scan3A_916 step %scan3A_917  : i32 {
        %mul3A_1007 = arith.constant 4 : i32
        %mul3A_1008 = arith.muli %scan3A_1006, %mul3A_1007 : i32
        %add3A_1009 = arith.constant 0 : i32
        %add3A_1010 = arith.addi %mul3A_1008, %add3A_1009 : i32
        %broadcast_in_dim3A_1011 = vector.broadcast %add3A_1010 : i32 to vector<16xi32>
        %gather3A_1012 = tpu.vector_load_idx %arg14[%broadcast_in_dim3A_1011] : memref<112xf32, #tpu.memory_space<vmem>>[vector<16xi32>], vector<16xf32>,
        %gather3A_1013 = tpu.vector_load_idx %arg15[%broadcast_in_dim3A_1011] : memref<112xf32, #tpu.memory_space<vmem>>[vector<16xi32>], vector<16xf32>,
        %gather3A_1014 = tpu.vector_load_idx %arg16[%broadcast_in_dim3A_1011] : memref<112xf32, #tpu.memory_space<vmem>>[vector<16xi32>], vector<16xf32>,
        %gather3A_1015 = tpu.vector_load_idx %arg17[%broadcast_in_dim3A_1011] : memref<112xf32, #tpu.memory_space<vmem>>[vector<16xi32>], vector<16xf32>,
        %gather3A_1016 = tpu.vector_load_idx %arg18[%broadcast_in_dim3A_1011] : memref<112xf32, #tpu.memory_space<vmem>>[vector<16xi32>], vector<16xf32>,
        %add3A_1017 = arith.constant 1 : i32
        %add3A_1018 = arith.addi %mul3A_1008, %add3A_1017 : i32
        %broadcast_in_dim3A_1019 = vector.broadcast %add3A_1018 : i32 to vector<16xi32>
        %gather3A_1020 = tpu.vector_load_idx %arg14[%broadcast_in_dim3A_1019] : memref<112xf32, #tpu.memory_space<vmem>>[vector<16xi32>], vector<16xf32>,
        %gather3A_1021 = tpu.vector_load_idx %arg15[%broadcast_in_dim3A_1019] : memref<112xf32, #tpu.memory_space<vmem>>[vector<16xi32>], vector<16xf32>,
        %gather3A_1022 = tpu.vector_load_idx %arg16[%broadcast_in_dim3A_1019] : memref<112xf32, #tpu.memory_space<vmem>>[vector<16xi32>], vector<16xf32>,
        %gather3A_1023 = tpu.vector_load_idx %arg17[%broadcast_in_dim3A_1019] : memref<112xf32, #tpu.memory_space<vmem>>[vector<16xi32>], vector<16xf32>,
        %gather3A_1024 = tpu.vector_load_idx %arg18[%broadcast_in_dim3A_1019] : memref<112xf32, #tpu.memory_space<vmem>>[vector<16xi32>], vector<16xf32>,
        %add3A_1025 = arith.constant 2 : i32
        %add3A_1026 = arith.addi %mul3A_1008, %add3A_1025 : i32
        %broadcast_in_dim3A_1027 = vector.broadcast %add3A_1026 : i32 to vector<16xi32>
        %gather3A_1028 = tpu.vector_load_idx %arg14[%broadcast_in_dim3A_1027] : memref<112xf32, #tpu.memory_space<vmem>>[vector<16xi32>], vector<16xf32>,
        %gather3A_1029 = tpu.vector_load_idx %arg15[%broadcast_in_dim3A_1027] : memref<112xf32, #tpu.memory_space<vmem>>[vector<16xi32>], vector<16xf32>,
        %gather3A_1030 = tpu.vector_load_idx %arg16[%broadcast_in_dim3A_1027] : memref<112xf32, #tpu.memory_space<vmem>>[vector<16xi32>], vector<16xf32>,
        %gather3A_1031 = tpu.vector_load_idx %arg17[%broadcast_in_dim3A_1027] : memref<112xf32, #tpu.memory_space<vmem>>[vector<16xi32>], vector<16xf32>,
        %gather3A_1032 = tpu.vector_load_idx %arg18[%broadcast_in_dim3A_1027] : memref<112xf32, #tpu.memory_space<vmem>>[vector<16xi32>], vector<16xf32>,
        %add3A_1033 = arith.constant 3 : i32
        %add3A_1034 = arith.addi %mul3A_1008, %add3A_1033 : i32
        %broadcast_in_dim3A_1035 = vector.broadcast %add3A_1034 : i32 to vector<16xi32>
        %gather3A_1036 = tpu.vector_load_idx %arg14[%broadcast_in_dim3A_1035] : memref<112xf32, #tpu.memory_space<vmem>>[vector<16xi32>], vector<16xf32>,
        %gather3A_1037 = tpu.vector_load_idx %arg15[%broadcast_in_dim3A_1035] : memref<112xf32, #tpu.memory_space<vmem>>[vector<16xi32>], vector<16xf32>,
        %gather3A_1038 = tpu.vector_load_idx %arg16[%broadcast_in_dim3A_1035] : memref<112xf32, #tpu.memory_space<vmem>>[vector<16xi32>], vector<16xf32>,
        %gather3A_1039 = tpu.vector_load_idx %arg17[%broadcast_in_dim3A_1035] : memref<112xf32, #tpu.memory_space<vmem>>[vector<16xi32>], vector<16xf32>,
        %gather3A_1040 = tpu.vector_load_idx %arg18[%broadcast_in_dim3A_1035] : memref<112xf32, #tpu.memory_space<vmem>>[vector<16xi32>], vector<16xf32>,
        %broadcast_in_dim3A_1041 = arith.constant 0 : i32
        %broadcast_in_dim3A_1042 = vector.broadcast %broadcast_in_dim3A_1041 : i32 to vector<16xi32>
        %mul3A_1043 = arith.constant 6.000000e+00 : f32
        %mul3A_1044 = arith.mulf %mul3A_262, %mul3A_1043 : f32
        %lt3A_1045 = vector.broadcast %mul3A_1044 : f32 to vector<16xf32>
        %lt3A_1046 = arith.cmpf olt, %gather3A_1016, %lt3A_1045 : vector<16xf32>
        %mul3A_1047 = arith.constant 6.000000e+00 : f32
        %mul3A_1048 = vector.broadcast %mul3A_1047 : f32 to vector<16xf32>
        %mul3A_1049 = arith.mulf %gather3A_1016, %mul3A_1048 : vector<16xf32>
        %gt3A_1050 = vector.broadcast %mul3A_265 : f32 to vector<16xf32>
        %gt3A_1051 = arith.cmpf ogt, %mul3A_1049, %gt3A_1050 : vector<16xf32>
        %and3A_1052 = arith.andi %lt3A_1046, %gt3A_1051 : vector<16xi1>
        %jit3A_1053 = arith.constant 1 : i32
        %jit3A_1054 = arith.constant 0 : i32
        %broadcast_in_dim3A_1055 = vector.broadcast %jit3A_1053 : i32 to vector<16xi32>
        %broadcast_in_dim3A_1056 = vector.broadcast %jit3A_1054 : i32 to vector<16xi32>
        %select_n3A_1057 = arith.select %and3A_1052, %broadcast_in_dim3A_1055, %broadcast_in_dim3A_1056 : vector<16xi1>, vector<16xi32>
        %or3A_1058 = arith.ori %broadcast_in_dim3A_1042, %select_n3A_1057 : vector<16xi32>
        %mul3A_1059 = arith.constant 6.000000e+00 : f32
        %mul3A_1060 = arith.mulf %mul3A_262, %mul3A_1059 : f32
        %lt3A_1061 = vector.broadcast %mul3A_1060 : f32 to vector<16xf32>
        %lt3A_1062 = arith.cmpf olt, %gather3A_1024, %lt3A_1061 : vector<16xf32>
        %mul3A_1063 = arith.constant 6.000000e+00 : f32
        %mul3A_1064 = vector.broadcast %mul3A_1063 : f32 to vector<16xf32>
        %mul3A_1065 = arith.mulf %gather3A_1024, %mul3A_1064 : vector<16xf32>
        %gt3A_1066 = vector.broadcast %mul3A_265 : f32 to vector<16xf32>
        %gt3A_1067 = arith.cmpf ogt, %mul3A_1065, %gt3A_1066 : vector<16xf32>
        %and3A_1068 = arith.andi %lt3A_1062, %gt3A_1067 : vector<16xi1>
        %jit3A_1069 = arith.constant 1 : i32
        %jit3A_1070 = arith.constant 0 : i32
        %broadcast_in_dim3A_1071 = vector.broadcast %jit3A_1069 : i32 to vector<16xi32>
        %broadcast_in_dim3A_1072 = vector.broadcast %jit3A_1070 : i32 to vector<16xi32>
        %select_n3A_1073 = arith.select %and3A_1068, %broadcast_in_dim3A_1071, %broadcast_in_dim3A_1072 : vector<16xi1>, vector<16xi32>
        %or3A_1074 = arith.ori %or3A_1058, %select_n3A_1073 : vector<16xi32>
        %mul3A_1075 = arith.constant 6.000000e+00 : f32
        %mul3A_1076 = arith.mulf %mul3A_262, %mul3A_1075 : f32
        %lt3A_1077 = vector.broadcast %mul3A_1076 : f32 to vector<16xf32>
        %lt3A_1078 = arith.cmpf olt, %gather3A_1032, %lt3A_1077 : vector<16xf32>
        %mul3A_1079 = arith.constant 6.000000e+00 : f32
        %mul3A_1080 = vector.broadcast %mul3A_1079 : f32 to vector<16xf32>
        %mul3A_1081 = arith.mulf %gather3A_1032, %mul3A_1080 : vector<16xf32>
        %gt3A_1082 = vector.broadcast %mul3A_265 : f32 to vector<16xf32>
        %gt3A_1083 = arith.cmpf ogt, %mul3A_1081, %gt3A_1082 : vector<16xf32>
        %and3A_1084 = arith.andi %lt3A_1078, %gt3A_1083 : vector<16xi1>
        %jit3A_1085 = arith.constant 1 : i32
        %jit3A_1086 = arith.constant 0 : i32
        %broadcast_in_dim3A_1087 = vector.broadcast %jit3A_1085 : i32 to vector<16xi32>
        %broadcast_in_dim3A_1088 = vector.broadcast %jit3A_1086 : i32 to vector<16xi32>
        %select_n3A_1089 = arith.select %and3A_1084, %broadcast_in_dim3A_1087, %broadcast_in_dim3A_1088 : vector<16xi1>, vector<16xi32>
        %or3A_1090 = arith.ori %or3A_1074, %select_n3A_1089 : vector<16xi32>
        %mul3A_1091 = arith.constant 6.000000e+00 : f32
        %mul3A_1092 = arith.mulf %mul3A_262, %mul3A_1091 : f32
        %lt3A_1093 = vector.broadcast %mul3A_1092 : f32 to vector<16xf32>
        %lt3A_1094 = arith.cmpf olt, %gather3A_1040, %lt3A_1093 : vector<16xf32>
        %mul3A_1095 = arith.constant 6.000000e+00 : f32
        %mul3A_1096 = vector.broadcast %mul3A_1095 : f32 to vector<16xf32>
        %mul3A_1097 = arith.mulf %gather3A_1040, %mul3A_1096 : vector<16xf32>
        %gt3A_1098 = vector.broadcast %mul3A_265 : f32 to vector<16xf32>
        %gt3A_1099 = arith.cmpf ogt, %mul3A_1097, %gt3A_1098 : vector<16xf32>
        %and3A_1100 = arith.andi %lt3A_1094, %gt3A_1099 : vector<16xi1>
        %jit3A_1101 = arith.constant 1 : i32
        %jit3A_1102 = arith.constant 0 : i32
        %broadcast_in_dim3A_1103 = vector.broadcast %jit3A_1101 : i32 to vector<16xi32>
        %broadcast_in_dim3A_1104 = vector.broadcast %jit3A_1102 : i32 to vector<16xi32>
        %select_n3A_1105 = arith.select %and3A_1100, %broadcast_in_dim3A_1103, %broadcast_in_dim3A_1104 : vector<16xi1>, vector<16xi32>
        %or3A_1106 = arith.ori %or3A_1090, %select_n3A_1105 : vector<16xi32>
        %reduce_max3A_1107 = arith.constant true
        %reduce_max3A_1108 = vector.broadcast %reduce_max3A_1107 : i1 to vector<16xi1>
        %reduce_max3A_1109 = arith.constant -2147483648 : i32
        %reduce_max3A_1110 = vector.broadcast %reduce_max3A_1109 : i32 to vector<16xi32>
        %reduce_max3A_1111 = arith.xori %or3A_1106, %reduce_max3A_1110 : vector<16xi32>
        %reduce_max3A_1112 = tpu.scan <max>, %reduce_max3A_1111 masked %reduce_max3A_1108 : vector<16xi32>, vector<16xi1> -> vector<16xi32>
        %reduce_max3A_1113 = arith.xori %reduce_max3A_1112, %reduce_max3A_1110 : vector<16xi32>
        %reduce_max3A_1114 = vector.extract %reduce_max3A_1113[15] : i32 from vector<16xi32>
        %gt3A_1115 = arith.constant 0 : i32
        %gt3A_1116 = arith.cmpi sgt, %reduce_max3A_1114, %gt3A_1115 : i32
        %convert_element_type3A_1117 = arith.extui %gt3A_1116 : i1 to i32
        %cond3A_1118 = arith.constant 0 : i32
        %cond3A_1119 = arith.cmpi ne, %convert_element_type3A_1117, %cond3A_1118 : i32
        scf.if %cond3A_1119 {
          %parallel_loop3A_1120 = arith.constant 0 : i32
          %parallel_loop3A_1121 = arith.constant 384 : i32
          %parallel_loop3A_1122 = arith.constant 1 : i32
          scf.for %parallel_loop3A_1123 = %parallel_loop3A_1120 to %parallel_loop3A_1121 step %parallel_loop3A_1122  : i32 {
            %parallel_loop3A_1124 = arith.constant 16 : i32
            %parallel_loop3A_1125 = arith.muli %parallel_loop3A_1123, %parallel_loop3A_1124 : i32
            %parallel_loop3A_1126 = arith.index_cast %parallel_loop3A_1125 : i32 to index
            %parallel_loop3A_1127 = tpu.vector_load %arg10[%parallel_loop3A_1126] {strides = array<i32>} : memref<6144xf32, #tpu.memory_space<vmem>>, vector<16xf32>,
            %parallel_loop3A_1128 = arith.index_cast %parallel_loop3A_1125 : i32 to index
            %parallel_loop3A_1129 = tpu.vector_load %arg11[%parallel_loop3A_1128] {strides = array<i32>} : memref<6144xf32, #tpu.memory_space<vmem>>, vector<16xf32>,
            %parallel_loop3A_1130 = arith.index_cast %parallel_loop3A_1125 : i32 to index
            %parallel_loop3A_1131 = tpu.vector_load %arg12[%parallel_loop3A_1130] {strides = array<i32>} : memref<6144xf32, #tpu.memory_space<vmem>>, vector<16xf32>,
            %parallel_loop3A_1132 = arith.index_cast %parallel_loop3A_1125 : i32 to index
            %parallel_loop3A_1133 = tpu.vector_load %arg13[%parallel_loop3A_1132] {strides = array<i32>} : memref<6144xf32, #tpu.memory_space<vmem>>, vector<16xf32>,
            %parallel_loop3A_1134 = arith.index_cast %parallel_loop3A_1125 : i32 to index
            %parallel_loop3A_1135 = tpu.vector_load %arg19[%parallel_loop3A_1134] {strides = array<i32>} : memref<6144xf32, #tpu.memory_space<vmem>>, vector<16xf32>,
            %parallel_loop3A_1136 = arith.minimumf %gather3A_1014, %parallel_loop3A_1131 : vector<16xf32>
            %parallel_loop3A_1137 = arith.maximumf %gather3A_1012, %parallel_loop3A_1127 : vector<16xf32>
            %parallel_loop3A_1138 = arith.subf %parallel_loop3A_1136, %parallel_loop3A_1137 : vector<16xf32>
            %parallel_loop3A_1139 = arith.constant 0.000000e+00 : f32
            %parallel_loop3A_1140 = vector.broadcast %parallel_loop3A_1139 : f32 to vector<16xf32>
            %parallel_loop3A_1141 = arith.maximumf %parallel_loop3A_1138, %parallel_loop3A_1140 : vector<16xf32>
            %parallel_loop3A_1142 = arith.minimumf %gather3A_1015, %parallel_loop3A_1133 : vector<16xf32>
            %parallel_loop3A_1143 = arith.maximumf %gather3A_1013, %parallel_loop3A_1129 : vector<16xf32>
            %parallel_loop3A_1144 = arith.subf %parallel_loop3A_1142, %parallel_loop3A_1143 : vector<16xf32>
            %parallel_loop3A_1145 = arith.constant 0.000000e+00 : f32
            %parallel_loop3A_1146 = vector.broadcast %parallel_loop3A_1145 : f32 to vector<16xf32>
            %parallel_loop3A_1147 = arith.maximumf %parallel_loop3A_1144, %parallel_loop3A_1146 : vector<16xf32>
            %parallel_loop3A_1148 = arith.mulf %parallel_loop3A_1141, %parallel_loop3A_1147 : vector<16xf32>
            %parallel_loop3A_1149 = arith.subf %parallel_loop3A_1148, %gather3A_1016 : vector<16xf32>
            %parallel_loop3A_1150 = arith.maximumf %parallel_loop3A_1135, %parallel_loop3A_1149 : vector<16xf32>
            %parallel_loop3A_1151 = arith.minimumf %gather3A_1022, %parallel_loop3A_1131 : vector<16xf32>
            %parallel_loop3A_1152 = arith.maximumf %gather3A_1020, %parallel_loop3A_1127 : vector<16xf32>
            %parallel_loop3A_1153 = arith.subf %parallel_loop3A_1151, %parallel_loop3A_1152 : vector<16xf32>
            %parallel_loop3A_1154 = arith.constant 0.000000e+00 : f32
            %parallel_loop3A_1155 = vector.broadcast %parallel_loop3A_1154 : f32 to vector<16xf32>
            %parallel_loop3A_1156 = arith.maximumf %parallel_loop3A_1153, %parallel_loop3A_1155 : vector<16xf32>
            %parallel_loop3A_1157 = arith.minimumf %gather3A_1023, %parallel_loop3A_1133 : vector<16xf32>
            %parallel_loop3A_1158 = arith.maximumf %gather3A_1021, %parallel_loop3A_1129 : vector<16xf32>
            %parallel_loop3A_1159 = arith.subf %parallel_loop3A_1157, %parallel_loop3A_1158 : vector<16xf32>
            %parallel_loop3A_1160 = arith.constant 0.000000e+00 : f32
            %parallel_loop3A_1161 = vector.broadcast %parallel_loop3A_1160 : f32 to vector<16xf32>
            %parallel_loop3A_1162 = arith.maximumf %parallel_loop3A_1159, %parallel_loop3A_1161 : vector<16xf32>
            %parallel_loop3A_1163 = arith.mulf %parallel_loop3A_1156, %parallel_loop3A_1162 : vector<16xf32>
            %parallel_loop3A_1164 = arith.subf %parallel_loop3A_1163, %gather3A_1024 : vector<16xf32>
            %parallel_loop3A_1165 = arith.maximumf %parallel_loop3A_1150, %parallel_loop3A_1164 : vector<16xf32>
            %parallel_loop3A_1166 = arith.minimumf %gather3A_1030, %parallel_loop3A_1131 : vector<16xf32>
            %parallel_loop3A_1167 = arith.maximumf %gather3A_1028, %parallel_loop3A_1127 : vector<16xf32>
            %parallel_loop3A_1168 = arith.subf %parallel_loop3A_1166, %parallel_loop3A_1167 : vector<16xf32>
            %parallel_loop3A_1169 = arith.constant 0.000000e+00 : f32
            %parallel_loop3A_1170 = vector.broadcast %parallel_loop3A_1169 : f32 to vector<16xf32>
            %parallel_loop3A_1171 = arith.maximumf %parallel_loop3A_1168, %parallel_loop3A_1170 : vector<16xf32>
            %parallel_loop3A_1172 = arith.minimumf %gather3A_1031, %parallel_loop3A_1133 : vector<16xf32>
            %parallel_loop3A_1173 = arith.maximumf %gather3A_1029, %parallel_loop3A_1129 : vector<16xf32>
            %parallel_loop3A_1174 = arith.subf %parallel_loop3A_1172, %parallel_loop3A_1173 : vector<16xf32>
            %parallel_loop3A_1175 = arith.constant 0.000000e+00 : f32
            %parallel_loop3A_1176 = vector.broadcast %parallel_loop3A_1175 : f32 to vector<16xf32>
            %parallel_loop3A_1177 = arith.maximumf %parallel_loop3A_1174, %parallel_loop3A_1176 : vector<16xf32>
            %parallel_loop3A_1178 = arith.mulf %parallel_loop3A_1171, %parallel_loop3A_1177 : vector<16xf32>
            %parallel_loop3A_1179 = arith.subf %parallel_loop3A_1178, %gather3A_1032 : vector<16xf32>
            %parallel_loop3A_1180 = arith.maximumf %parallel_loop3A_1165, %parallel_loop3A_1179 : vector<16xf32>
            %parallel_loop3A_1181 = arith.minimumf %gather3A_1038, %parallel_loop3A_1131 : vector<16xf32>
            %parallel_loop3A_1182 = arith.maximumf %gather3A_1036, %parallel_loop3A_1127 : vector<16xf32>
            %parallel_loop3A_1183 = arith.subf %parallel_loop3A_1181, %parallel_loop3A_1182 : vector<16xf32>
            %parallel_loop3A_1184 = arith.constant 0.000000e+00 : f32
            %parallel_loop3A_1185 = vector.broadcast %parallel_loop3A_1184 : f32 to vector<16xf32>
            %parallel_loop3A_1186 = arith.maximumf %parallel_loop3A_1183, %parallel_loop3A_1185 : vector<16xf32>
            %parallel_loop3A_1187 = arith.minimumf %gather3A_1039, %parallel_loop3A_1133 : vector<16xf32>
            %parallel_loop3A_1188 = arith.maximumf %gather3A_1037, %parallel_loop3A_1129 : vector<16xf32>
            %parallel_loop3A_1189 = arith.subf %parallel_loop3A_1187, %parallel_loop3A_1188 : vector<16xf32>
            %parallel_loop3A_1190 = arith.constant 0.000000e+00 : f32
            %parallel_loop3A_1191 = vector.broadcast %parallel_loop3A_1190 : f32 to vector<16xf32>
            %parallel_loop3A_1192 = arith.maximumf %parallel_loop3A_1189, %parallel_loop3A_1191 : vector<16xf32>
            %parallel_loop3A_1193 = arith.mulf %parallel_loop3A_1186, %parallel_loop3A_1192 : vector<16xf32>
            %parallel_loop3A_1194 = arith.subf %parallel_loop3A_1193, %gather3A_1040 : vector<16xf32>
            %parallel_loop3A_1195 = arith.maximumf %parallel_loop3A_1180, %parallel_loop3A_1194 : vector<16xf32>
            %parallel_loop3A_1196 = arith.index_cast %parallel_loop3A_1125 : i32 to index
            %parallel_loop3A_1197 = tpu.vector_load %arg19[%parallel_loop3A_1196] {strides = array<i32>} : memref<6144xf32, #tpu.memory_space<vmem>>, vector<16xf32>,
            tpu.vector_store %arg19[%parallel_loop3A_1196], %parallel_loop3A_1195 {strides = array<i32>} : memref<6144xf32, #tpu.memory_space<vmem>>, vector<16xf32>,
          } {sc.loop_unroll_factor = 4 : i64, sc.parallel_access}
        } else {
        }
      }
      %scan3A_918 = arith.constant 25 : i32
      %parallel_loop3A_919 = arith.constant 0 : i32
      %parallel_loop3A_920 = arith.constant 96 : i32
      %parallel_loop3A_921 = arith.constant 1 : i32
      scf.for %parallel_loop3A_1006 = %parallel_loop3A_919 to %parallel_loop3A_920 step %parallel_loop3A_921  : i32 {
        %parallel_loop3A_1007 = arith.constant 64 : i32
        %parallel_loop3A_1008 = arith.muli %parallel_loop3A_1006, %parallel_loop3A_1007 : i32
        %parallel_loop3A_1009 = arith.constant 0 : i32
        %parallel_loop3A_1010 = arith.addi %parallel_loop3A_1008, %parallel_loop3A_1009 : i32
        %parallel_loop3A_1011 = arith.index_cast %parallel_loop3A_1010 : i32 to index
        %parallel_loop3A_1012 = tpu.vector_load %arg12[%parallel_loop3A_1011] {strides = array<i32>} : memref<6144xf32, #tpu.memory_space<vmem>>, vector<16xf32>,
        %parallel_loop3A_1013 = arith.index_cast %parallel_loop3A_1010 : i32 to index
        %parallel_loop3A_1014 = tpu.vector_load %arg10[%parallel_loop3A_1013] {strides = array<i32>} : memref<6144xf32, #tpu.memory_space<vmem>>, vector<16xf32>,
        %parallel_loop3A_1015 = arith.subf %parallel_loop3A_1012, %parallel_loop3A_1014 : vector<16xf32>
        %parallel_loop3A_1016 = arith.index_cast %parallel_loop3A_1010 : i32 to index
        %parallel_loop3A_1017 = tpu.vector_load %arg13[%parallel_loop3A_1016] {strides = array<i32>} : memref<6144xf32, #tpu.memory_space<vmem>>, vector<16xf32>,
        %parallel_loop3A_1018 = arith.index_cast %parallel_loop3A_1010 : i32 to index
        %parallel_loop3A_1019 = tpu.vector_load %arg11[%parallel_loop3A_1018] {strides = array<i32>} : memref<6144xf32, #tpu.memory_space<vmem>>, vector<16xf32>,
        %parallel_loop3A_1020 = arith.subf %parallel_loop3A_1017, %parallel_loop3A_1019 : vector<16xf32>
        %parallel_loop3A_1021 = arith.mulf %parallel_loop3A_1015, %parallel_loop3A_1020 : vector<16xf32>
        %parallel_loop3A_1022 = arith.constant 0.333333343 : f32
        %parallel_loop3A_1023 = vector.broadcast %parallel_loop3A_1022 : f32 to vector<16xf32>
        %parallel_loop3A_1024 = arith.mulf %parallel_loop3A_1021, %parallel_loop3A_1023 : vector<16xf32>
        %parallel_loop3A_1025 = arith.index_cast %parallel_loop3A_1010 : i32 to index
        %parallel_loop3A_1026 = tpu.vector_load %arg19[%parallel_loop3A_1025] {strides = array<i32>} : memref<6144xf32, #tpu.memory_space<vmem>>, vector<16xf32>,
        %parallel_loop3A_1027 = arith.cmpf ogt, %parallel_loop3A_1026, %parallel_loop3A_1024 : vector<16xf32>
        %parallel_loop3A_1028 = arith.index_cast %parallel_loop3A_1006 : i32 to index
        %parallel_loop3A_1029 = arith.constant 0 : index
        %parallel_loop3A_1030 = tpu.vector_load %arg8[%parallel_loop3A_1028, %parallel_loop3A_1029] {strides = array<i32>} : memref<96x64xf32, #tpu.memory_space<vmem>>, vector<16xf32>,
        %parallel_loop3A_1031 = arith.constant 0.000000e+00 : f32
        %parallel_loop3A_1032 = vector.broadcast %parallel_loop3A_1031 : f32 to vector<16xf32>
        %parallel_loop3A_1033 = arith.select %parallel_loop3A_1027, %parallel_loop3A_1032, %parallel_loop3A_1030 : vector<16xi1>, vector<16xf32>
        %parallel_loop3A_1034 = arith.index_cast %parallel_loop3A_1006 : i32 to index
        %parallel_loop3A_1035 = arith.constant 0 : index
        %parallel_loop3A_1036 = tpu.vector_load %arg9[%parallel_loop3A_1034, %parallel_loop3A_1035] {strides = array<i32>} : memref<96x64xf32, #tpu.memory_space<vmem>>, vector<16xf32>,
        tpu.vector_store %arg9[%parallel_loop3A_1034, %parallel_loop3A_1035], %parallel_loop3A_1033 {strides = array<i32>} : memref<96x64xf32, #tpu.memory_space<vmem>>, vector<16xf32>,
        %parallel_loop3A_1037 = arith.constant 64 : i32
        %parallel_loop3A_1038 = arith.muli %parallel_loop3A_1006, %parallel_loop3A_1037 : i32
        %parallel_loop3A_1039 = arith.constant 16 : i32
        %parallel_loop3A_1040 = arith.addi %parallel_loop3A_1038, %parallel_loop3A_1039 : i32
        %parallel_loop3A_1041 = arith.index_cast %parallel_loop3A_1040 : i32 to index
        %parallel_loop3A_1042 = tpu.vector_load %arg12[%parallel_loop3A_1041] {strides = array<i32>} : memref<6144xf32, #tpu.memory_space<vmem>>, vector<16xf32>,
        %parallel_loop3A_1043 = arith.index_cast %parallel_loop3A_1040 : i32 to index
        %parallel_loop3A_1044 = tpu.vector_load %arg10[%parallel_loop3A_1043] {strides = array<i32>} : memref<6144xf32, #tpu.memory_space<vmem>>, vector<16xf32>,
        %parallel_loop3A_1045 = arith.subf %parallel_loop3A_1042, %parallel_loop3A_1044 : vector<16xf32>
        %parallel_loop3A_1046 = arith.index_cast %parallel_loop3A_1040 : i32 to index
        %parallel_loop3A_1047 = tpu.vector_load %arg13[%parallel_loop3A_1046] {strides = array<i32>} : memref<6144xf32, #tpu.memory_space<vmem>>, vector<16xf32>,
        %parallel_loop3A_1048 = arith.index_cast %parallel_loop3A_1040 : i32 to index
        %parallel_loop3A_1049 = tpu.vector_load %arg11[%parallel_loop3A_1048] {strides = array<i32>} : memref<6144xf32, #tpu.memory_space<vmem>>, vector<16xf32>,
        %parallel_loop3A_1050 = arith.subf %parallel_loop3A_1047, %parallel_loop3A_1049 : vector<16xf32>
        %parallel_loop3A_1051 = arith.mulf %parallel_loop3A_1045, %parallel_loop3A_1050 : vector<16xf32>
        %parallel_loop3A_1052 = arith.constant 0.333333343 : f32
        %parallel_loop3A_1053 = vector.broadcast %parallel_loop3A_1052 : f32 to vector<16xf32>
        %parallel_loop3A_1054 = arith.mulf %parallel_loop3A_1051, %parallel_loop3A_1053 : vector<16xf32>
        %parallel_loop3A_1055 = arith.index_cast %parallel_loop3A_1040 : i32 to index
        %parallel_loop3A_1056 = tpu.vector_load %arg19[%parallel_loop3A_1055] {strides = array<i32>} : memref<6144xf32, #tpu.memory_space<vmem>>, vector<16xf32>,
        %parallel_loop3A_1057 = arith.cmpf ogt, %parallel_loop3A_1056, %parallel_loop3A_1054 : vector<16xf32>
        %parallel_loop3A_1058 = arith.index_cast %parallel_loop3A_1006 : i32 to index
        %parallel_loop3A_1059 = arith.constant 16 : index
        %parallel_loop3A_1060 = tpu.vector_load %arg8[%parallel_loop3A_1058, %parallel_loop3A_1059] {strides = array<i32>} : memref<96x64xf32, #tpu.memory_space<vmem>>, vector<16xf32>,
        %parallel_loop3A_1061 = arith.constant 0.000000e+00 : f32
        %parallel_loop3A_1062 = vector.broadcast %parallel_loop3A_1061 : f32 to vector<16xf32>
        %parallel_loop3A_1063 = arith.select %parallel_loop3A_1057, %parallel_loop3A_1062, %parallel_loop3A_1060 : vector<16xi1>, vector<16xf32>
        %parallel_loop3A_1064 = arith.index_cast %parallel_loop3A_1006 : i32 to index
        %parallel_loop3A_1065 = arith.constant 16 : index
        %parallel_loop3A_1066 = tpu.vector_load %arg9[%parallel_loop3A_1064, %parallel_loop3A_1065] {strides = array<i32>} : memref<96x64xf32, #tpu.memory_space<vmem>>, vector<16xf32>,
        tpu.vector_store %arg9[%parallel_loop3A_1064, %parallel_loop3A_1065], %parallel_loop3A_1063 {strides = array<i32>} : memref<96x64xf32, #tpu.memory_space<vmem>>, vector<16xf32>,
        %parallel_loop3A_1067 = arith.constant 64 : i32
        %parallel_loop3A_1068 = arith.muli %parallel_loop3A_1006, %parallel_loop3A_1067 : i32
        %parallel_loop3A_1069 = arith.constant 32 : i32
        %parallel_loop3A_1070 = arith.addi %parallel_loop3A_1068, %parallel_loop3A_1069 : i32
        %parallel_loop3A_1071 = arith.index_cast %parallel_loop3A_1070 : i32 to index
        %parallel_loop3A_1072 = tpu.vector_load %arg12[%parallel_loop3A_1071] {strides = array<i32>} : memref<6144xf32, #tpu.memory_space<vmem>>, vector<16xf32>,
        %parallel_loop3A_1073 = arith.index_cast %parallel_loop3A_1070 : i32 to index
        %parallel_loop3A_1074 = tpu.vector_load %arg10[%parallel_loop3A_1073] {strides = array<i32>} : memref<6144xf32, #tpu.memory_space<vmem>>, vector<16xf32>,
        %parallel_loop3A_1075 = arith.subf %parallel_loop3A_1072, %parallel_loop3A_1074 : vector<16xf32>
        %parallel_loop3A_1076 = arith.index_cast %parallel_loop3A_1070 : i32 to index
        %parallel_loop3A_1077 = tpu.vector_load %arg13[%parallel_loop3A_1076] {strides = array<i32>} : memref<6144xf32, #tpu.memory_space<vmem>>, vector<16xf32>,
        %parallel_loop3A_1078 = arith.index_cast %parallel_loop3A_1070 : i32 to index
        %parallel_loop3A_1079 = tpu.vector_load %arg11[%parallel_loop3A_1078] {strides = array<i32>} : memref<6144xf32, #tpu.memory_space<vmem>>, vector<16xf32>,
        %parallel_loop3A_1080 = arith.subf %parallel_loop3A_1077, %parallel_loop3A_1079 : vector<16xf32>
        %parallel_loop3A_1081 = arith.mulf %parallel_loop3A_1075, %parallel_loop3A_1080 : vector<16xf32>
        %parallel_loop3A_1082 = arith.constant 0.333333343 : f32
        %parallel_loop3A_1083 = vector.broadcast %parallel_loop3A_1082 : f32 to vector<16xf32>
        %parallel_loop3A_1084 = arith.mulf %parallel_loop3A_1081, %parallel_loop3A_1083 : vector<16xf32>
        %parallel_loop3A_1085 = arith.index_cast %parallel_loop3A_1070 : i32 to index
        %parallel_loop3A_1086 = tpu.vector_load %arg19[%parallel_loop3A_1085] {strides = array<i32>} : memref<6144xf32, #tpu.memory_space<vmem>>, vector<16xf32>,
        %parallel_loop3A_1087 = arith.cmpf ogt, %parallel_loop3A_1086, %parallel_loop3A_1084 : vector<16xf32>
        %parallel_loop3A_1088 = arith.index_cast %parallel_loop3A_1006 : i32 to index
        %parallel_loop3A_1089 = arith.constant 32 : index
        %parallel_loop3A_1090 = tpu.vector_load %arg8[%parallel_loop3A_1088, %parallel_loop3A_1089] {strides = array<i32>} : memref<96x64xf32, #tpu.memory_space<vmem>>, vector<16xf32>,
        %parallel_loop3A_1091 = arith.constant 0.000000e+00 : f32
        %parallel_loop3A_1092 = vector.broadcast %parallel_loop3A_1091 : f32 to vector<16xf32>
        %parallel_loop3A_1093 = arith.select %parallel_loop3A_1087, %parallel_loop3A_1092, %parallel_loop3A_1090 : vector<16xi1>, vector<16xf32>
        %parallel_loop3A_1094 = arith.index_cast %parallel_loop3A_1006 : i32 to index
        %parallel_loop3A_1095 = arith.constant 32 : index
        %parallel_loop3A_1096 = tpu.vector_load %arg9[%parallel_loop3A_1094, %parallel_loop3A_1095] {strides = array<i32>} : memref<96x64xf32, #tpu.memory_space<vmem>>, vector<16xf32>,
        tpu.vector_store %arg9[%parallel_loop3A_1094, %parallel_loop3A_1095], %parallel_loop3A_1093 {strides = array<i32>} : memref<96x64xf32, #tpu.memory_space<vmem>>, vector<16xf32>,
        %parallel_loop3A_1097 = arith.constant 64 : i32
        %parallel_loop3A_1098 = arith.muli %parallel_loop3A_1006, %parallel_loop3A_1097 : i32
        %parallel_loop3A_1099 = arith.constant 48 : i32
        %parallel_loop3A_1100 = arith.addi %parallel_loop3A_1098, %parallel_loop3A_1099 : i32
        %parallel_loop3A_1101 = arith.index_cast %parallel_loop3A_1100 : i32 to index
        %parallel_loop3A_1102 = tpu.vector_load %arg12[%parallel_loop3A_1101] {strides = array<i32>} : memref<6144xf32, #tpu.memory_space<vmem>>, vector<16xf32>,
        %parallel_loop3A_1103 = arith.index_cast %parallel_loop3A_1100 : i32 to index
        %parallel_loop3A_1104 = tpu.vector_load %arg10[%parallel_loop3A_1103] {strides = array<i32>} : memref<6144xf32, #tpu.memory_space<vmem>>, vector<16xf32>,
        %parallel_loop3A_1105 = arith.subf %parallel_loop3A_1102, %parallel_loop3A_1104 : vector<16xf32>
        %parallel_loop3A_1106 = arith.index_cast %parallel_loop3A_1100 : i32 to index
        %parallel_loop3A_1107 = tpu.vector_load %arg13[%parallel_loop3A_1106] {strides = array<i32>} : memref<6144xf32, #tpu.memory_space<vmem>>, vector<16xf32>,
        %parallel_loop3A_1108 = arith.index_cast %parallel_loop3A_1100 : i32 to index
        %parallel_loop3A_1109 = tpu.vector_load %arg11[%parallel_loop3A_1108] {strides = array<i32>} : memref<6144xf32, #tpu.memory_space<vmem>>, vector<16xf32>,
        %parallel_loop3A_1110 = arith.subf %parallel_loop3A_1107, %parallel_loop3A_1109 : vector<16xf32>
        %parallel_loop3A_1111 = arith.mulf %parallel_loop3A_1105, %parallel_loop3A_1110 : vector<16xf32>
        %parallel_loop3A_1112 = arith.constant 0.333333343 : f32
        %parallel_loop3A_1113 = vector.broadcast %parallel_loop3A_1112 : f32 to vector<16xf32>
        %parallel_loop3A_1114 = arith.mulf %parallel_loop3A_1111, %parallel_loop3A_1113 : vector<16xf32>
        %parallel_loop3A_1115 = arith.index_cast %parallel_loop3A_1100 : i32 to index
        %parallel_loop3A_1116 = tpu.vector_load %arg19[%parallel_loop3A_1115] {strides = array<i32>} : memref<6144xf32, #tpu.memory_space<vmem>>, vector<16xf32>,
        %parallel_loop3A_1117 = arith.cmpf ogt, %parallel_loop3A_1116, %parallel_loop3A_1114 : vector<16xf32>
        %parallel_loop3A_1118 = arith.index_cast %parallel_loop3A_1006 : i32 to index
        %parallel_loop3A_1119 = arith.constant 48 : index
        %parallel_loop3A_1120 = tpu.vector_load %arg8[%parallel_loop3A_1118, %parallel_loop3A_1119] {strides = array<i32>} : memref<96x64xf32, #tpu.memory_space<vmem>>, vector<16xf32>,
        %parallel_loop3A_1121 = arith.constant 0.000000e+00 : f32
        %parallel_loop3A_1122 = vector.broadcast %parallel_loop3A_1121 : f32 to vector<16xf32>
        %parallel_loop3A_1123 = arith.select %parallel_loop3A_1117, %parallel_loop3A_1122, %parallel_loop3A_1120 : vector<16xi1>, vector<16xf32>
        %parallel_loop3A_1124 = arith.index_cast %parallel_loop3A_1006 : i32 to index
        %parallel_loop3A_1125 = arith.constant 48 : index
        %parallel_loop3A_1126 = tpu.vector_load %arg9[%parallel_loop3A_1124, %parallel_loop3A_1125] {strides = array<i32>} : memref<96x64xf32, #tpu.memory_space<vmem>>, vector<16xf32>,
        tpu.vector_store %arg9[%parallel_loop3A_1124, %parallel_loop3A_1125], %parallel_loop3A_1123 {strides = array<i32>} : memref<96x64xf32, #tpu.memory_space<vmem>>, vector<16xf32>,
      } {sc.loop_unroll_factor = 2 : i64, sc.parallel_access}
      %mul3A_922 = arith.constant 3 : i32
      %mul3A_923 = arith.muli %select_n3A, %mul3A_922 : i32
      %add3A_924 = arith.constant 0 : i32
      %add3A_925 = arith.addi %mul3A_923, %add3A_924 : i32
      %dma_start3A_926 = arith.constant 0 : i32
      %dma_start3A_927 = arith.constant 0 : i32
      %dma_start3A_928 = tpu.memref_slice %arg9[%dma_start3A_926, %dma_start3A_927] : memref<96x64xf32, #tpu.memory_space<vmem>> -> memref<32x64xf32, #tpu.memory_space<vmem>>
      %dma_start3A_929 = arith.constant 0 : i32
      %dma_start3A_930 = tpu.memref_slice %arg5[%add3A_925, %mul3A_32, %dma_start3A_929] : memref<48x64x64xf32, #tpu.memory_space<hbm>> -> memref<1x32x64xf32, #tpu.memory_space<hbm>>
      %dma_start3A_931 = tpu.memref_squeeze %dma_start3A_930 : memref<1x32x64xf32, #tpu.memory_space<hbm>> -> memref<32x64xf32, #tpu.memory_space<hbm>>
      %dma_start3A_932 = arith.constant 0 : i32
      %dma_start3A_933 = tpu.memref_slice %arg5[%add3A_925, %mul3A_32, %dma_start3A_932] : memref<48x64x64xf32, #tpu.memory_space<hbm>> -> memref<1x32x64xf32, #tpu.memory_space<hbm>>
      %dma_start3A_934 = tpu.memref_squeeze %dma_start3A_933 : memref<1x32x64xf32, #tpu.memory_space<hbm>> -> memref<32x64xf32, #tpu.memory_space<hbm>>
      %dma_start3A_935 = arith.constant 0 : i32
      %dma_start3A_936 = arith.constant 0 : i32
      %dma_start3A_937 = tpu.memref_slice %arg9[%dma_start3A_935, %dma_start3A_936] : memref<96x64xf32, #tpu.memory_space<vmem>> -> memref<32x64xf32, #tpu.memory_space<vmem>>
      tpu.enqueue_dma source(%dma_start3A_937 : memref<32x64xf32, #tpu.memory_space<vmem>>) target(%dma_start3A_934 : memref<32x64xf32, #tpu.memory_space<hbm>>) target_semaphore(%arg20 : memref<!tpu.dma_semaphore, #tpu.memory_space<semaphore_mem>>)
      %mul3A_938 = arith.constant 3 : i32
      %mul3A_939 = arith.muli %select_n3A, %mul3A_938 : i32
      %add3A_940 = arith.constant 1 : i32
      %add3A_941 = arith.addi %mul3A_939, %add3A_940 : i32
      %dma_start3A_942 = arith.constant 32 : i32
      %dma_start3A_943 = arith.constant 0 : i32
      %dma_start3A_944 = tpu.memref_slice %arg9[%dma_start3A_942, %dma_start3A_943] : memref<96x64xf32, #tpu.memory_space<vmem>> -> memref<32x64xf32, #tpu.memory_space<vmem>>
      %dma_start3A_945 = arith.constant 0 : i32
      %dma_start3A_946 = tpu.memref_slice %arg5[%add3A_941, %mul3A_32, %dma_start3A_945] : memref<48x64x64xf32, #tpu.memory_space<hbm>> -> memref<1x32x64xf32, #tpu.memory_space<hbm>>
      %dma_start3A_947 = tpu.memref_squeeze %dma_start3A_946 : memref<1x32x64xf32, #tpu.memory_space<hbm>> -> memref<32x64xf32, #tpu.memory_space<hbm>>
      %dma_start3A_948 = arith.constant 0 : i32
      %dma_start3A_949 = tpu.memref_slice %arg5[%add3A_941, %mul3A_32, %dma_start3A_948] : memref<48x64x64xf32, #tpu.memory_space<hbm>> -> memref<1x32x64xf32, #tpu.memory_space<hbm>>
      %dma_start3A_950 = tpu.memref_squeeze %dma_start3A_949 : memref<1x32x64xf32, #tpu.memory_space<hbm>> -> memref<32x64xf32, #tpu.memory_space<hbm>>
      %dma_start3A_951 = arith.constant 32 : i32
      %dma_start3A_952 = arith.constant 0 : i32
      %dma_start3A_953 = tpu.memref_slice %arg9[%dma_start3A_951, %dma_start3A_952] : memref<96x64xf32, #tpu.memory_space<vmem>> -> memref<32x64xf32, #tpu.memory_space<vmem>>
      tpu.enqueue_dma source(%dma_start3A_953 : memref<32x64xf32, #tpu.memory_space<vmem>>) target(%dma_start3A_950 : memref<32x64xf32, #tpu.memory_space<hbm>>) target_semaphore(%arg20 : memref<!tpu.dma_semaphore, #tpu.memory_space<semaphore_mem>>)
      %mul3A_954 = arith.constant 3 : i32
      %mul3A_955 = arith.muli %select_n3A, %mul3A_954 : i32
      %add3A_956 = arith.constant 2 : i32
      %add3A_957 = arith.addi %mul3A_955, %add3A_956 : i32
      %dma_start3A_958 = arith.constant 64 : i32
      %dma_start3A_959 = arith.constant 0 : i32
      %dma_start3A_960 = tpu.memref_slice %arg9[%dma_start3A_958, %dma_start3A_959] : memref<96x64xf32, #tpu.memory_space<vmem>> -> memref<32x64xf32, #tpu.memory_space<vmem>>
      %dma_start3A_961 = arith.constant 0 : i32
      %dma_start3A_962 = tpu.memref_slice %arg5[%add3A_957, %mul3A_32, %dma_start3A_961] : memref<48x64x64xf32, #tpu.memory_space<hbm>> -> memref<1x32x64xf32, #tpu.memory_space<hbm>>
      %dma_start3A_963 = tpu.memref_squeeze %dma_start3A_962 : memref<1x32x64xf32, #tpu.memory_space<hbm>> -> memref<32x64xf32, #tpu.memory_space<hbm>>
      %dma_start3A_964 = arith.constant 0 : i32
      %dma_start3A_965 = tpu.memref_slice %arg5[%add3A_957, %mul3A_32, %dma_start3A_964] : memref<48x64x64xf32, #tpu.memory_space<hbm>> -> memref<1x32x64xf32, #tpu.memory_space<hbm>>
      %dma_start3A_966 = tpu.memref_squeeze %dma_start3A_965 : memref<1x32x64xf32, #tpu.memory_space<hbm>> -> memref<32x64xf32, #tpu.memory_space<hbm>>
      %dma_start3A_967 = arith.constant 64 : i32
      %dma_start3A_968 = arith.constant 0 : i32
      %dma_start3A_969 = tpu.memref_slice %arg9[%dma_start3A_967, %dma_start3A_968] : memref<96x64xf32, #tpu.memory_space<vmem>> -> memref<32x64xf32, #tpu.memory_space<vmem>>
      tpu.enqueue_dma source(%dma_start3A_969 : memref<32x64xf32, #tpu.memory_space<vmem>>) target(%dma_start3A_966 : memref<32x64xf32, #tpu.memory_space<hbm>>) target_semaphore(%arg20 : memref<!tpu.dma_semaphore, #tpu.memory_space<semaphore_mem>>)
      %dma_wait3A_970 = arith.constant 0 : i32
      %dma_wait3A_971 = arith.constant 0 : i32
      %dma_wait3A_972 = tpu.memref_slice %arg9[%dma_wait3A_970, %dma_wait3A_971] : memref<96x64xf32, #tpu.memory_space<vmem>> -> memref<32x64xf32, #tpu.memory_space<vmem>>
      %dma_wait3A_973 = arith.constant 0 : i32
      %dma_wait3A_974 = tpu.memref_slice %arg5[%add3A_925, %mul3A_32, %dma_wait3A_973] : memref<48x64x64xf32, #tpu.memory_space<hbm>> -> memref<1x32x64xf32, #tpu.memory_space<hbm>>
      %dma_wait3A_975 = tpu.memref_squeeze %dma_wait3A_974 : memref<1x32x64xf32, #tpu.memory_space<hbm>> -> memref<32x64xf32, #tpu.memory_space<hbm>>
      %dma_wait3A_976 = arith.constant 0 : i32
      %dma_wait3A_977 = tpu.memref_slice %arg5[%add3A_925, %mul3A_32, %dma_wait3A_976] : memref<48x64x64xf32, #tpu.memory_space<hbm>> -> memref<1x32x64xf32, #tpu.memory_space<hbm>>
      %dma_wait3A_978 = tpu.memref_squeeze %dma_wait3A_977 : memref<1x32x64xf32, #tpu.memory_space<hbm>> -> memref<32x64xf32, #tpu.memory_space<hbm>>
      %dma_wait3A_979 = arith.constant 0 : i32
      %dma_wait3A_980 = arith.constant 0 : i32
      %dma_wait3A_981 = tpu.memref_slice %arg9[%dma_wait3A_979, %dma_wait3A_980] : memref<96x64xf32, #tpu.memory_space<vmem>> -> memref<32x64xf32, #tpu.memory_space<vmem>>
      tpu.wait_dma2 semaphore(%arg20 : memref<!tpu.dma_semaphore, #tpu.memory_space<semaphore_mem>>) src(%dma_wait3A_981 : memref<32x64xf32, #tpu.memory_space<vmem>>) dst(%dma_wait3A_978 : memref<32x64xf32, #tpu.memory_space<hbm>>)
      %dma_wait3A_982 = arith.constant 32 : i32
      %dma_wait3A_983 = arith.constant 0 : i32
      %dma_wait3A_984 = tpu.memref_slice %arg9[%dma_wait3A_982, %dma_wait3A_983] : memref<96x64xf32, #tpu.memory_space<vmem>> -> memref<32x64xf32, #tpu.memory_space<vmem>>
      %dma_wait3A_985 = arith.constant 0 : i32
      %dma_wait3A_986 = tpu.memref_slice %arg5[%add3A_941, %mul3A_32, %dma_wait3A_985] : memref<48x64x64xf32, #tpu.memory_space<hbm>> -> memref<1x32x64xf32, #tpu.memory_space<hbm>>
      %dma_wait3A_987 = tpu.memref_squeeze %dma_wait3A_986 : memref<1x32x64xf32, #tpu.memory_space<hbm>> -> memref<32x64xf32, #tpu.memory_space<hbm>>
      %dma_wait3A_988 = arith.constant 0 : i32
      %dma_wait3A_989 = tpu.memref_slice %arg5[%add3A_941, %mul3A_32, %dma_wait3A_988] : memref<48x64x64xf32, #tpu.memory_space<hbm>> -> memref<1x32x64xf32, #tpu.memory_space<hbm>>
      %dma_wait3A_990 = tpu.memref_squeeze %dma_wait3A_989 : memref<1x32x64xf32, #tpu.memory_space<hbm>> -> memref<32x64xf32, #tpu.memory_space<hbm>>
      %dma_wait3A_991 = arith.constant 32 : i32
      %dma_wait3A_992 = arith.constant 0 : i32
      %dma_wait3A_993 = tpu.memref_slice %arg9[%dma_wait3A_991, %dma_wait3A_992] : memref<96x64xf32, #tpu.memory_space<vmem>> -> memref<32x64xf32, #tpu.memory_space<vmem>>
      tpu.wait_dma2 semaphore(%arg20 : memref<!tpu.dma_semaphore, #tpu.memory_space<semaphore_mem>>) src(%dma_wait3A_993 : memref<32x64xf32, #tpu.memory_space<vmem>>) dst(%dma_wait3A_990 : memref<32x64xf32, #tpu.memory_space<hbm>>)
      %dma_wait3A_994 = arith.constant 64 : i32
      %dma_wait3A_995 = arith.constant 0 : i32
      %dma_wait3A_996 = tpu.memref_slice %arg9[%dma_wait3A_994, %dma_wait3A_995] : memref<96x64xf32, #tpu.memory_space<vmem>> -> memref<32x64xf32, #tpu.memory_space<vmem>>
      %dma_wait3A_997 = arith.constant 0 : i32
      %dma_wait3A_998 = tpu.memref_slice %arg5[%add3A_957, %mul3A_32, %dma_wait3A_997] : memref<48x64x64xf32, #tpu.memory_space<hbm>> -> memref<1x32x64xf32, #tpu.memory_space<hbm>>
      %dma_wait3A_999 = tpu.memref_squeeze %dma_wait3A_998 : memref<1x32x64xf32, #tpu.memory_space<hbm>> -> memref<32x64xf32, #tpu.memory_space<hbm>>
      %dma_wait3A_1000 = arith.constant 0 : i32
      %dma_wait3A_1001 = tpu.memref_slice %arg5[%add3A_957, %mul3A_32, %dma_wait3A_1000] : memref<48x64x64xf32, #tpu.memory_space<hbm>> -> memref<1x32x64xf32, #tpu.memory_space<hbm>>
      %dma_wait3A_1002 = tpu.memref_squeeze %dma_wait3A_1001 : memref<1x32x64xf32, #tpu.memory_space<hbm>> -> memref<32x64xf32, #tpu.memory_space<hbm>>
      %dma_wait3A_1003 = arith.constant 64 : i32
      %dma_wait3A_1004 = arith.constant 0 : i32
      %dma_wait3A_1005 = tpu.memref_slice %arg9[%dma_wait3A_1003, %dma_wait3A_1004] : memref<96x64xf32, #tpu.memory_space<vmem>> -> memref<32x64xf32, #tpu.memory_space<vmem>>
      tpu.wait_dma2 semaphore(%arg20 : memref<!tpu.dma_semaphore, #tpu.memory_space<semaphore_mem>>) src(%dma_wait3A_1005 : memref<32x64xf32, #tpu.memory_space<vmem>>) dst(%dma_wait3A_1002 : memref<32x64xf32, #tpu.memory_space<hbm>>)
    } else {
    }
    return
  }
}

</mosaic_0001>

<sc_bundles>
// kernel: kernel.3.cloned.1.call-start
scs
__scs_entry_jumppad:
0x0: {  	(pc) =	sbr.rel $0x88, $3  }
0x1: {  	(tag) =	ssettag $0x0;
	lr =	simm.s32 $0x1  }
0x2: {  	[smem:$0x3F9E] =	sst lr;
	_ =	strace $0xD0000000  }
0x3: {  	_ = 	snop  }
0x4: {  	_ = 	snop  }
0x5: {  	_ = 	snop  }
0x6: {  	_ = 	snop  }
0x7: {  	_ = 	snop  }
__scs_overlays_trampoline_lowered:
0x8: {  	[smem:$0x3FAD] =	sst s0  }
0x9: {  	[smem:$0x3FAE] =	sst s1  }
0xa: {  	[smem:$0x3FAF] =	sst s2  }
0xb: {  	[smem:$0x3FB0] =	sst s3  }
0xc: {  	[smem:$0x3FB1] =	sst s4  }
0xd: {  	[smem:$0x3FB2] =	sst s5  }
0xe: {  	[smem:$0x3FB3] =	sst s6  }
0xf: {  	[smem:$0x3FB4] =	sst s7  }
0x10: {  	[smem:$0x3FB5] =	sst s8  }
0x11: {  	[smem:$0x3FB6] =	sst s9;
	s0 =	simm.s32 @!p0 $0x0  }
0x12: {  	s1 =	sld [smem:$0x3F9C];
	s0 =	simm.s32 @p0 $0x1  }
0x13: {  	[smem:$0x3FB7] =	sst s0;
	s0 =	simm.s32 @!p1 $0x0  }
0x14: {  	s2 =	sld [smem:$0x3F9B];
	s0 =	simm.s32 @p1 $0x1  }
0x15: {  	[smem:$0x3FB8] =	sst s0;
	s0 =	simm.s32 @!p2 $0x0  }
0x16: {  	s3 =	sld [smem:$0x3FDB];
	s0 =	simm.s32 @p2 $0x1  }
0x17: {  	s4 =	simm.s32 $0x1BF5;
	[smem:$0x3FBA] =	sst s0  }
0x18: {  	s0 =	sld [smem:$0x3F9D];
	_ =	swait.ge [sflag:s4], $0x0  }
0x19: {  	s7 =	sld [smem:$0x3F9E]  }
0x1a: {  	s8 =	sadd.s32 $0xFFFFE003, lr  }
0x1b: {  	s9 =	sadd.s32 $0xFFFFFEF7, lr;
	s5 =	simm.s32 $0xFFFFFFFF;
	p2 =	slt.u32 s8, $0xFFFFF086  }
0x1c: {  	p1 =	slt.u32 s9, $0xF7A;
	s5 =	simm.s32 @!p2 $0x0  }
0x1d: {  	s5 =	simm.s32 @p1 $0x1;
	p0 =	seq.s32 s7, s2  }
0x1e: {  	s7 =	smul.u32 @!p0 $0xF7A, s2;
	p2 =	seq.s32 @!p0 s5, $0x0  }
0x1f: {  	s9 =	smul.u32 $0xF7A, s1;
	s8 =	simm.s32 @!p0 $0x1BF5;
	p2 =	por !p2, p0  }
0x20: {  	[sflag:s8] =	ssyncset.s32 @!p0 $0xFFFFF086;
	s6 =	sadd.s32 @!p0 s3, s7;
	s7 =	simm.s32 @!p0 $0x108  }
0x21: {  	s3 =	sadd.s32 s3, s9;
	s6 =	sadd.s32 @!p0 $0x88, s6;
	s7 =	simm.s32 @p2 $0x1082  }
0x22: {  	[simem:s7], [sflag:s8] =	dma.local @!p0 [hbm:s6], $0xF7A  }
0x23: {  	s9 =	sor.u32 $0xD0000000, s2;
	s6 =	simm.s32 $0x108;
	_ =	swait.ge @!p0 [sflag:s8], $0x0  }
0x24: {  	s3 =	sadd.s32 $0x88, s3;
	s6 =	simm.s32 @!p1 $0x1082;
	[sflag:s4] =	ssyncset.s32 $0xFFFFF086  }
0x25: {  	[simem:s6], [sflag:s4] =	dma.local [hbm:s3], $0xF7A  }
0x26: {  	[smem:$0x3F9E] =	sst s1;
	(tag) =	ssettag s2;
	_ =	strace s9  }
0x27: {  	s1 =	sld [smem:$0x3FAE]  }
0x28: {  	s2 =	sld [smem:$0x3FAF]  }
0x29: {  	s4 =	sld [smem:$0x3FB1]  }
0x2a: {  	p0 =	seq.s32 s5, $0x0;
	s5 =	sld [smem:$0x3FB2]  }
0x2b: {  	s6 =	sld [smem:$0x3FB3]  }
0x2c: {  	s7 =	sld [smem:$0x3FB4]  }
0x2d: {  	s3 =	simm.s32 $0x108;
	s8 =	sld [smem:$0x3FB5]  }
0x2e: {  	s3 =	simm.s32 @!p0 $0x1082;
	s9 =	sld [smem:$0x3FB6]  }
0x2f: {  	lr =	sadd.s32 s0, s3;
	s0 =	sld [smem:$0x3FAD]  }
0x30: {  	s3 =	sld [smem:$0x3FB0]  }
0x31: {  	[smem:$0x3FB9] =	sst s10  }
0x32: {  	s10 =	sld [smem:$0x3FB7];
	_ =	sdelay $0x3  }
0x33: {  	p0 =	seq.s32 s10, $0x1;
	s10 =	sld [smem:$0x3FB9];
	_ =	sdelay $0x3  }
0x34: {  	[smem:$0x3FB9] =	sst s10  }
0x35: {  	s10 =	sld [smem:$0x3FB8];
	_ =	sdelay $0x3  }
0x36: {  	p1 =	seq.s32 s10, $0x1;
	s10 =	sld [smem:$0x3FB9];
	_ =	sdelay $0x3  }
0x37: {  	[smem:$0x3FB9] =	sst s10  }
0x38: {  	s10 =	sld [smem:$0x3FBA]  }
0x39: {  	_ = 	snop;
	(pc) =	sbr.ind lr, $3  }
0x3a: {  	_ = 	snop  }
0x3b: {  	_ = 	snop  }
0x3c: {  	p2 =	seq.s32 s10, $0x1;
	s10 =	sld [smem:$0x3FB9]  }
0x3d: {  	_ =	shalt  }
0x3e: {  	_ =	shalt  }
0x3f: {  	_ =	shalt  }
0x40: {  	_ =	shalt  }
0x41: {  	_ =	shalt  }
0x42: {  	_ =	shalt  }
0x43: {  	_ =	shalt  }
0x44: {  	_ =	shalt  }
0x45: {  	_ =	shalt  }
0x46: {  	_ =	shalt  }
0x47: {  	_ =	shalt  }
0x48: {  	_ =	shalt  }
0x49: {  	_ =	shalt  }
0x4a: {  	_ =	shalt  }
0x4b: {  	_ =	shalt  }
0x4c: {  	_ =	shalt  }
0x4d: {  	_ =	shalt  }
0x4e: {  	_ =	shalt  }
0x4f: {  	_ =	shalt  }
0x50: {  	_ =	shalt  }
0x51: {  	_ =	shalt  }
0x52: {  	_ =	shalt  }
0x53: {  	_ =	shalt  }
0x54: {  	_ =	shalt  }
0x55: {  	_ =	shalt  }
0x56: {  	_ =	shalt  }
0x57: {  	_ =	shalt  }
0x58: {  	_ =	shalt  }
0x59: {  	_ =	shalt  }
0x5a: {  	_ =	shalt  }
0x5b: {  	_ =	shalt  }
0x5c: {  	_ =	shalt  }
0x5d: {  	_ =	shalt  }
0x5e: {  	_ =	shalt  }
0x5f: {  	_ =	shalt  }
0x60: {  	_ =	shalt  }
0x61: {  	_ =	shalt  }
0x62: {  	_ =	shalt  }
0x63: {  	_ =	shalt  }
0x64: {  	_ =	shalt  }
0x65: {  	_ =	shalt  }
0x66: {  	_ =	shalt  }
0x67: {  	_ =	shalt  }
0x68: {  	_ =	shalt  }
0x69: {  	_ =	shalt  }
0x6a: {  	_ =	shalt  }
0x6b: {  	_ =	shalt  }
0x6c: {  	_ =	shalt  }
0x6d: {  	_ =	shalt  }
0x6e: {  	_ =	shalt  }
0x6f: {  	_ =	shalt  }
0x70: {  	_ =	shalt  }
0x71: {  	_ =	shalt  }
0x72: {  	_ =	shalt  }
0x73: {  	_ =	shalt  }
0x74: {  	_ =	shalt  }
0x75: {  	_ =	shalt  }
0x76: {  	_ =	shalt  }
0x77: {  	_ =	shalt  }
0x78: {  	_ =	shalt  }
0x79: {  	_ =	shalt  }
0x7a: {  	_ =	shalt  }
0x7b: {  	_ =	shalt  }
0x7c: {  	_ =	shalt  }
0x7d: {  	_ =	shalt  }
0x7e: {  	_ =	shalt  }
0x7f: {  	_ =	shalt  }
0x80: {  	_ =	shalt  }
0x81: {  	_ =	shalt  }
0x82: {  	_ =	shalt  }
0x83: {  	_ =	shalt  }
0x84: {  	_ =	shalt  }
0x85: {  	_ =	shalt  }
0x86: {  	_ =	shalt  }
0x87: {  	_ =	shalt  }
.Lfunc_end0:
.L_simem_size_0:
called_computation_lowered:
.L_overlay_start_0:
0x88: {  	s2 =	sld [smem:$0x3FD9]  }
0x89: {  	s3 =	sld [smem:$0x3FFE];
	_ =	sdelay $0x1  }
0x8a: {  	s1 =	srdreg.scid  }
0x8b: {  	s0 =	sand.u32 $0x1, s1  }
0x8c: {  	s17 =	sshll.u32 s0, $0xA;
	s2 =	sadd.s32 s3, s2  }
0x8d: {  	s2 =	sadd.s32 s2, s17  }
0x8e: {  	[smem:$0x3FC5] =	sst s2  }
0x8f: {  	_ = 	snop  }
0x90: {  	s2 =	sld [smem:$0x3FC7]  }
0x91: {  	s18 =	sld [smem:$0x3FD0];
	(tm) =	ssettm $0x1  }
0x92: {  	s4 =	sld [smem:$0x3FFB];
	_ =	sdelay $0x3  }
0x93: {  	_ =	strace s4  }
0x94: {  	s4 =	sld [smem:$0x3FFC];
	_ =	sdelay $0x3  }
0x95: {  	_ =	strace s4  }
0x96: {  	s4 =	sld [smem:$0x3FFD];
	_ =	sdelay $0x3  }
0x97: {  	_ =	strace s4  }
0x98: {  	_ =	strace $0x8FFFFFFF  }
0x99: {  	s19 =	sld [smem:$0x3FDB];
	_ =	sdelay $0x1  }
0x9a: {  	s5 =	simm.s32 $_scs_section_size  }
0x9b: {  	s6 =	simm.s32 $_size__tile_overlayer_lowered;
	s7 =	simm.s32 $_tile_overlayer_lowered  }
0x9c: {  	s22 =	simm.s32 $0x1BFF;
	s21 =	sshll.u32 s7, $0x1;
	s4 =	sadd.s32 s5, s19  }
0x9d: {  	s8 =	simm.s32 $0x0;
	s20 =	sshll.u32 s6, $0x1;
	s6 =	sadd.s32 s21, s4  }
0x9e: {  	[timem:s8], [sflag:s22] =	dma.local [hbm:s6], s20  }
0x9f: {  	_ =	swait.ge [sflag:s22], s20  }
0xa0: {  	s5 =	ssub.s32 $0x0, s20;
	[sflag:s22] =	ssyncset.done $0x0  }
0xa1: {  	[sflag:s22] =	ssyncadd.s32 s5;
	_ =	sdelay $0x1  }
0xa2: {  	s23 =	simm.s32 $0x1B8B  }
0xa3: {  	_ =	swait.ge [sflag:s23], $0x1  }
0xa4: {  	[sflag:s23] =	ssyncset.done $0x0  }
0xa5: {  	s25 =	simm.s32 $0x1B8E;
	s24 =	sld [smem:$0x3FFE];
	[sflag:s23] =	ssyncadd.s32 $0xFFFFFFFF  }
0xa6: {  	s26 =	simm.s32 $execute0_lowered;
	[smem:$0x3FD2] =	sst s25  }
0xa7: {  	s6 =	sshll.u32 s26, $0x1;
	_ =	strace $0x80000046;
	[dreg:$0x1] =	wrdreg $0xFFFFFFFF  }
0xa8: {  	s28 =	simm.s32 $_size_execute0_lowered;
	s4 =	sadd.s32 s4, s6;
	[dreg:$0x0] =	wrdreg $0x0  }
0xa9: {  	s6 =	sshll.u32 s28, $0x1;
	[dreg:$0x2] =	wrdreg s4  }
0xaa: {  	[dreg:$0x3] =	wrdreg s6  }
0xab: {  	[dreg:$0x4] =	wrdreg $0xC0  }
0xac: {  	_ =	task [dreg:s8], $0x5FFFF  }
0xad: {  	[dreg:$0x1] =	wrdreg $0xFFFFFFFF  }
0xae: {  	[dreg:$0x0] =	wrdreg $0x60  }
0xaf: {  	[dreg:$0x2] =	wrdreg s24  }
0xb0: {  	[dreg:$0x3] =	wrdreg s2  }
0xb1: {  	[dreg:$0x4] =	wrdreg s18  }
0xb2: {  	[dreg:$0x5] =	wrdreg $0x9  }
0xb3: {  	_ =	task.clear_ibuf [dreg:s8], $0x6FFFF;
	_ =	strace $0x90000046  }
0xb4: {  	s29 =	simm.s32 $0x9;
	_ =	strace $0x80000048  }
0xb5: {  	_ =	swait.ge [sflag:s29], $0x1  }
0xb6: {  	[sflag:s29] =	ssyncadd.s32 $0xFFFFFFFF  }
0xb7: {  	_ =	strace $0x90000048  }
0xb8: {  	_ =	sfence  }
0xb9: {  	s30 =	sld [smem:$0x0];
	_ =	sdelay $0x2  }
0xba: {  	s31 =	sshll.u32 s1, $0xD;
	s1 =	sshrl.u32 s1, $0x2  }
0xbb: {  	s3 =	sand.u32 $0x4000, s31;
	s1 =	sadd.s32 s1, s30  }
0xbc: {  	s0 =	sor.u32 s3, s0;
	s1 =	sshll.u32 s1, $0x11  }
0xbd: {  	s0 =	sor.u32 s1, s0  }
0xbe: {  	s0 =	sadd.s32 $0x8F2B, s0  }
0xbf: {  	[sflag:s0] =	ssyncadd.remote.s32 $0x1  }
0xc0: {  	_ =	sfence.sel $0xFFFF  }
0xc1: {  	[dreg:$0x0] =	wrdreg $0xFFFFFFFF;
	(pc) =	sbr.abs _section_cstart, $3  }
0xc2: {  	[dreg:$0x1] =	wrdreg $0xFFFFFFFF  }
0xc3: {  	_ =	task.clear_ibuf [dreg:s8], $0x2FFFF;
	_ =	strace $0x9FFFFFFF  }
0xc4: {  	(tm) =	ssettm $0x7FFFFFFF  }
0xc5: {  	_ =	shalt  }
tec
execute0_lowered:
.L_overlay_start_1:
0x0: {  	(tag) =	ssettag $0x1  }
0x1: {  	s0 =	srdreg.scid;
	s5 =	rddreg [dreg:$0x0]  }
0x2: {  	s6 =	stileid.u32;
	s1 =	rddreg [dreg:$0x1];
	s3 =	simm.s32 $0x1  }
0x3: {  	s19 =	rddreg [dreg:$0x2];
	s2 =	simm.s32 $0x0;
	s4 =	sand.u32 $0x1, s0  }
0x4: {  	v0 =	vlaneseq.u32;
	s31 =	simm.s32 $0x4000;
	s28 =	simm.s32 $0x12380;
	s0 =	sor.u32 s4, s6  }
0x5: {  	s29 =	simm.s32 $0x12400;
	v23 =	vmul.u32 $0x4, v0;
	p1 =	seq.s32 s4, $0x1;
	p0 =	seq.s32 s0, $0x0  }
0x6: {  	s30 =	simm.s32 $0x0;
	[smem:$0x7FF] =	sst s2;
	p0 =	por !p0, !p1  }
0x7: {  	s9 =	sadd.s32 $0x600, s5;
	_ =	strace $0x80000047;
	v11 =	vor.u32 $0x80, v23;
	[tilespmem:$0x1FF20] =	vst v23;
	p0 =	por !p0, !p0  }
0x8: {  	s20 =	ssub.s32 $0x2, s4;
	s22 =	sshll.u32 s4, $0xD;
	v24 =	vor.u32 $0x2, v23;
	[tilespmem:$0x1FEA0] =	vst v11;
	s3 =	simm.s32 @!p0 $0x0  }
0x9: {  	s4 =	sshll.u32 s4, $0xC;
	s21 =	sshrl.u32 s20, $0x1;
	v25 =	vor.u32 $0x3, v23;
	[tilespmem:$0x1FF30] =	vst v24;
	s6 =	ssub.s32 s6, s3  }
0xa: {  	v26 =	vor.u32 $0x42, v23;
	[tilespmem:$0x1FF40] =	vst v25;
	s3 =	sshll.u32 s6, $0x9;
	s7 =	sshll.u32 s6, $0x7;
	s10 =	smul.u32 $0x3, s6  }
0xb: {  	v0 =	vor.u32 $0x82, v23;
	[tilespmem:$0x1FF50] =	vst v26;
	s11 =	smul.u32 $0xC000, s6;
	s8 =	sand.u32 $0xFFFFF000, s3;
	s7 =	sand.u32 $0x380, s7  }
0xc: {  	v1 =	vor.u32 $0x83, v23;
	[tilespmem:$0x1FF60] =	vst v0;
	s6 =	smul.u32 $0x6000, s6;
	s3 =	simm.s32 $0x1;
	s7 =	sor.u32 s7, s8  }
0xd: {  	v2 =	vor.u32 $0xC2, v23;
	[tilespmem:$0x1FF70] =	vst v1;
	s12 =	sadd.s32 $0x1, s10;
	s11 =	sor.u32 s22, s11;
	s10 =	sadd.s32 $0x2, s10  }
0xe: {  	v3 =	vor.u32 $0xC3, v23;
	[tilespmem:$0x1FF80] =	vst v2;
	s24 =	sor.u32 s4, s6;
	s7 =	sshrl.u32 s7, $0x3;
	s13 =	sshll.u32 s12, $0xE  }
0xf: {  	v5 =	vor.u32 $0x102, v23;
	[tilespmem:$0x1FF90] =	vst v3;
	s11 =	sshrl.u32 s11, $0x3;
	s14 =	sshll.u32 s10, $0xE;
	s25 =	sshll.u32 s12, $0xD  }
0x10: {  	v6 =	vor.u32 $0x103, v23;
	[tilespmem:$0x1FFA0] =	vst v5;
	s26 =	sshll.u32 s10, $0xD;
	s5 =	sadd.s32 s7, s5;
	s7 =	ssub.s32 s20, s21  }
0x11: {  	v7 =	vor.u32 $0x142, v23;
	[tilespmem:$0x1FFB0] =	vst v6;
	s13 =	sor.u32 s22, s13;
	s17 =	sadd.s32 s9, s11;
	s8 =	sor.u32 s22, s14  }
0x12: {  	v8 =	vor.u32 $0x143, v23;
	[tilespmem:$0x1FFC0] =	vst v7;
	s6 =	sor.u32 s4, s25;
	s4 =	sor.u32 s4, s26;
	s22 =	simm.s32 $0x2000  }
0x13: {  	vm0 =	vcmask $0x170C;
	v9 =	vor.u32 $0x182, v23;
	[tilespmem:$0x1FFD0] =	vst v8;
	s25 =	simm.s32 $0x12280;
	s26 =	simm.s32 $0x12300;
	s23 =	sshrl.u32 s13, $0x3  }
0x14: {  	vm1 =	vcmask $0x73C;
	vm2 =	vcmask $0x1B10;
	v10 =	vor.u32 $0x183, v23;
	[tilespmem:$0x1FFE0] =	vst v9;
	s8 =	sshrl.u32 s8, $0x3;
	s13 =	sadd.s32 $0x18600, s5;
	[dreg:$0x4] =	wrdreg s17  }
0x15: {  	vm3 =	vcmask $0xB00;
	v62 =	vimm.s32 $0x0;
	v11 =	vor.u32 $0x81, v23;
	[tilespmem:$0x1FFF0] =	vst v10;
	s5 =	sshrl.u32 s24, $0x3;
	s21 =	smax.u32 s7, $0x1;
	[dreg:$0x6] =	wrdreg s13  }
0x16: {  	v27 =	vimm.f32 $0.0e+00;
	vm0 =	vmor vm1, vm0;
	[tilespmem:$0x1FEB0] =	vst v11;
	v11 =	vor.u32 $0xC0, v23;
	s4 =	sshrl.u32 s4, $0x3;
	s11 =	sadd.s32 s9, s23;
	[dreg:$0xc] =	wrdreg s21  }
0x17: {  	vm1 =	vcmask $0x271C;
	vm2 =	vmor vm3, vm2;
	[tilespmem:$0x1FEC0] =	vst v11;
	v11 =	vor.u32 $0xC1, v23;
	s9 =	sadd.s32 s9, s8;
	s8 =	sadd.s32 s1, s5;
	[dreg:$0x5] =	wrdreg s11  }
.Ltmp0:
0x18: {  	vm3 =	vcmask $0x2B20;
	vm0 =	vmor vm0, vm1;
	[tilespmem:$0x1FED0] =	vst v11;
	v11 =	vor.u32 $0x100, v23;
	s12 =	sadd.s32 s1, s4;
	[dreg:$0x7] =	wrdreg s8;
	(pc) =	sbr.rel .LBB2_1-.Ltmp0, $4  }
0x19: {  	vm1 =	vcmask $0x372C;
	vm2 =	vmor vm2, vm3;
	[tilespmem:$0x1FEE0] =	vst v11;
	v11 =	vor.u32 $0x101, v23;
	s6 =	sshrl.u32 s6, $0x3;
	s14 =	sadd.s32 s19, s5;
	[dreg:$0x8] =	wrdreg s12  }
0x1a: {  	vm3 =	vcmask $0x3B30;
	vm0 =	vmor vm0, vm1;
	[tilespmem:$0x1FEF0] =	vst v11;
	v11 =	vor.u32 $0x140, v23;
	s24 =	simm.s32 $0x12200;
	s18 =	sadd.s32 s19, s6;
	[dreg:$0x9] =	wrdreg s14  }
0x1b: {  	vm1 =	vmor vm2, vm3;
	v4 =	vor.u32 $0x43, v23;
	[tilespmem:$0x1FF00] =	vst v11;
	v11 =	vor.u32 $0x141, v23;
	s10 =	sadd.s32 s1, s6;
	s20 =	sadd.s32 s19, s4;
	[dreg:$0xa] =	wrdreg s18  }
0x1c: {  	v16 =	vor.u32 $0x1, v23;
	v17 =	vor.u32 $0x40, v23;
	v18 =	vor.u32 $0x41, v23;
	[tilespmem:$0x1FF10] =	vst v11;
	s19 =	simm.s32 $0x6000;
	s23 =	simm.s32 $0x2;
	[dreg:$0xb] =	wrdreg s20  }
.LBB2_4:
0x1d: {  	_ =	swait.ge [sflag:s23], $0x1000  }
0x1e: {  	[sflag:s23] =	ssyncset.done $0x0  }
0x1f: {  	[sflag:s23] =	ssyncadd.s32 $0xFFFFF000  }
0x20: {  	_ =	swait.ge [sflag:s23], $0x1000  }
0x21: {  	[sflag:s23] =	ssyncset.done $0x0  }
0x22: {  	[sflag:s23] =	ssyncadd.s32 $0xFFFFF000  }
0x23: {  	_ =	swait.ge [sflag:s23], $0x1000  }
0x24: {  	s0 =	simm.s32 $0x8200;
	[sflag:s23] =	ssyncset.done $0x0  }
0x25: {  	s1 =	simm.s32 $0x7200;
	s4 =	simm.s32 $0x6200;
	[sflag:s23] =	ssyncadd.s32 $0xFFFFF000  }
.LBB2_17:
0x26: {  	[hbm4b:s14+s2] =	stream.linear.scatter [tilespmem:s4], [sflag:$0x1], $0x1000, $0x38;
	[tilespmem:$0x13C80] =	vst v63  }
0x27: {  	_ = 	snop  }
0x28: {  	[hbm4b:s18+s2] =	stream.linear.scatter [tilespmem:s1], [sflag:$0x1], $0x1000, $0x38;
	[tilespmem:$0x13C80] =	vst v63  }
0x29: {  	_ = 	snop  }
0x2a: {  	[hbm4b:s20+s2] =	stream.linear.scatter [tilespmem:s0], [sflag:$0x1], $0x1000, $0x38;
	[tilespmem:$0x13C80] =	vst v63  }
0x2b: {  	_ =	swait.ge [sflag:s3], $0x1000  }
0x2c: {  	[sflag:s3] =	ssyncset.done $0x0  }
0x2d: {  	[sflag:s3] =	ssyncadd.s32 $0xFFFFF000  }
0x2e: {  	_ =	swait.ge [sflag:s3], $0x1000  }
0x2f: {  	[sflag:s3] =	ssyncset.done $0x0  }
0x30: {  	[sflag:s3] =	ssyncadd.s32 $0xFFFFF000  }
0x31: {  	_ =	swait.ge [sflag:s3], $0x1000  }
0x32: {  	[sflag:s3] =	ssyncset.done $0x0  }
0x33: {  	[sflag:s3] =	ssyncadd.s32 $0xFFFFF000  }
.LBB2_18:
0x34: {  	s30 =	sadd.s32 $0x1, s30  }
0x35: {  	p0 =	sne.s32 s30, s21  }
.Ltmp1:
0x36: {  	_ = 	snop;
	(pc) =	sbr.rel @!p0 .LBB2_19-.Ltmp1, $1  }
0x37: {  	_ =	sdelay $0x3  }
.LBB2_1:
0x38: {  	[tilespmem:s2], [sflag:$0x1] =	stream.linear.gather [hbm4b:s17+s2], $0x2000, $0x38;
	[tilespmem:$0x13C80] =	vst v63  }
0x39: {  	_ = 	snop  }
0x3a: {  	[tilespmem:s22], [sflag:$0x1] =	stream.linear.gather [hbm4b:s11+s2], $0x2000, $0x38;
	[tilespmem:$0x13C80] =	vst v63  }
0x3b: {  	_ = 	snop  }
0x3c: {  	[tilespmem:s31], [sflag:$0x1] =	stream.linear.gather [hbm4b:s9+s2], $0x2000, $0x38;
	[tilespmem:$0x13C80] =	vst v63  }
0x3d: {  	s0 =	simm.s32 $0x80;
	s1 =	simm.s32 $0x400  }
0x3e: {  	[tilespmem:s19], [sflag:$0x1] =	stream.strided.gather [hbm4b:s13+s0], $0x200, s1, s0, $0x38;
	[tilespmem:$0x13C80] =	vst v63  }
0x3f: {  	s5 =	simm.s32 $0x6200  }
0x40: {  	[tilespmem:s5], [sflag:$0x2] =	stream.linear.gather [hbm4b:s8+s2], $0x1000, $0x38;
	[tilespmem:$0x13C80] =	vst v63  }
0x41: {  	s6 =	simm.s32 $0x7200  }
0x42: {  	[tilespmem:s6], [sflag:$0x2] =	stream.linear.gather [hbm4b:s10+s2], $0x1000, $0x38;
	[tilespmem:$0x13C80] =	vst v63  }
0x43: {  	s7 =	simm.s32 $0x8200  }
0x44: {  	[tilespmem:s7], [sflag:$0x2] =	stream.linear.gather [hbm4b:s12+s2], $0x1000, $0x38;
	[tilespmem:$0x13C80] =	vst v63  }
0x45: {  	_ =	swait.ge [sflag:s3], $0x2000  }
0x46: {  	[sflag:s3] =	ssyncset.done $0x0  }
0x47: {  	[sflag:s3] =	ssyncadd.s32 $0xFFFFE000  }
0x48: {  	_ =	swait.ge [sflag:s3], $0x2000  }
0x49: {  	[sflag:s3] =	ssyncset.done $0x0  }
0x4a: {  	[sflag:s3] =	ssyncadd.s32 $0xFFFFE000  }
0x4b: {  	_ =	swait.ge [sflag:s3], $0x2000  }
0x4c: {  	[sflag:s3] =	ssyncset.done $0x0  }
0x4d: {  	[sflag:s3] =	ssyncadd.s32 $0xFFFFE000  }
0x4e: {  	_ =	swait.ge [sflag:s3], $0x200  }
0x4f: {  	s15 =	sand.u32 $0x7800, s2;
	s16 =	sand.u32 $0x300, s2;
	[sflag:s3] =	ssyncset.done $0x0  }
0x50: {  	s0 =	sor.u32 s16, s15;
	[sflag:s3] =	ssyncadd.s32 $0xFFFFFE00  }
0x51: {  	v19 =	vld [tilespmem:s0+$0x0]  }
0x52: {  	v20 =	vld [tilespmem:s0+$0x10]  }
0x53: {  	v21 =	vld [tilespmem:s0+$0x20]  }
0x54: {  	v22 =	vld [tilespmem:s0+$0x30]  }
0x55: {  	v28 =	vimm.f32 $-3.399999950e+38;
	v29 =	vimm.f32 $3.399999950e+38;
	v30 =	vld [tilespmem:s0+$0x40]  }
0x56: {  	v28 =	vmax.f32 v28, v19;
	v19 =	vmin.f32 v29, v19;
	v29 =	vld [tilespmem:s0+$0x50]  }
0x57: {  	v28 =	vmax.f32 v28, v20;
	v19 =	vmin.f32 v19, v20;
	v20 =	vld [tilespmem:s0+$0x60]  }
0x58: {  	v28 =	vmax.f32 v28, v21;
	v19 =	vmin.f32 v19, v21;
	v21 =	vld [tilespmem:s0+$0x70]  }
0x59: {  	v28 =	vmax.f32 v28, v22;
	v19 =	vmin.f32 v19, v22;
	v22 =	vld [tilespmem:s0+$0x400]  }
0x5a: {  	v28 =	vmax.f32 v28, v30;
	v19 =	vmin.f32 v19, v30;
	v30 =	vld [tilespmem:s0+$0x410]  }
0x5b: {  	v28 =	vmax.f32 v28, v29;
	v19 =	vmin.f32 v19, v29;
	v29 =	vld [tilespmem:s0+$0x420]  }
0x5c: {  	v28 =	vmax.f32 v28, v20;
	v19 =	vmin.f32 v19, v20;
	v20 =	vld [tilespmem:s0+$0x430]  }
0x5d: {  	v28 =	vmax.f32 v28, v21;
	v19 =	vmin.f32 v19, v21;
	v21 =	vld [tilespmem:s0+$0x440]  }
0x5e: {  	v28 =	vmax.f32 v28, v22;
	v19 =	vmin.f32 v19, v22;
	v22 =	vld [tilespmem:s0+$0x450]  }
0x5f: {  	v28 =	vmax.f32 v28, v30;
	v19 =	vmin.f32 v19, v30;
	v30 =	vld [tilespmem:s0+$0x460]  }
0x60: {  	v28 =	vmax.f32 v28, v29;
	v19 =	vmin.f32 v19, v29;
	v29 =	vld [tilespmem:s0+$0x470]  }
0x61: {  	v28 =	vmax.f32 v28, v20;
	v19 =	vmin.f32 v19, v20;
	v20 =	vld [tilespmem:s0+$0x80]  }
0x62: {  	v28 =	vmax.f32 v28, v21;
	v19 =	vmin.f32 v19, v21;
	v21 =	vld [tilespmem:s0+$0x90]  }
0x63: {  	v28 =	vmax.f32 v28, v22;
	v19 =	vmin.f32 v19, v22;
	v22 =	vld [tilespmem:s0+$0xA0]  }
0x64: {  	v28 =	vmax.f32 v28, v30;
	v19 =	vmin.f32 v19, v30;
	v30 =	vld [tilespmem:s0+$0xB0]  }
0x65: {  	v28 =	vmax.f32 v28, v29;
	v19 =	vmin.f32 v19, v29;
	v29 =	vld [tilespmem:s0+$0xC0]  }
0x66: {  	v28 =	vmax.f32 v28, v20;
	v19 =	vmin.f32 v19, v20;
	v20 =	vld [tilespmem:s0+$0xD0]  }
0x67: {  	v28 =	vmax.f32 v28, v21;
	v19 =	vmin.f32 v19, v21;
	v21 =	vld [tilespmem:s0+$0xE0]  }
0x68: {  	v28 =	vmax.f32 v28, v22;
	v19 =	vmin.f32 v19, v22;
	v22 =	vld [tilespmem:s0+$0xF0]  }
0x69: {  	v32 =	vld [tilespmem:s0+$0x480];
	v28 =	vmax.f32 v28, v30;
	v19 =	vmin.f32 v19, v30  }
0x6a: {  	v28 =	vmax.f32 v28, v29;
	v19 =	vmin.f32 v19, v29;
	v29 =	vld [tilespmem:s0+$0x490]  }
0x6b: {  	v30 =	vld [tilespmem:s0+$0x4A0];
	v28 =	vmax.f32 v28, v20;
	v19 =	vmin.f32 v19, v20  }
0x6c: {  	v20 =	vmax.f32 v28, v21;
	v19 =	vmin.f32 v19, v21;
	v28 =	vld [tilespmem:s0+$0x4B0]  }
0x6d: {  	v31 =	vld [tilespmem:s0+$0x4C0];
	v20 =	vmax.f32 v20, v22;
	v19 =	vmin.f32 v19, v22  }
0x6e: {  	s4 =	simm.s32 $0x100;
	s1 =	simm.s32 $0x0;
	s5 =	simm.s32 $0x200;
	v20 =	vmax.f32 v20, v32;
	v19 =	vmin.f32 v19, v32;
	v32 =	vld [tilespmem:s0+$0x4D0]  }
.LBB2_2:
0x6f: {  	s6 =	sand.u32 $0x7800, s5;
	s7 =	sand.u32 $0x300, s4;
	s1 =	sadd.s32 $0x2, s1;
	v20 =	vmax.f32 v20, v29;
	v19 =	vmin.f32 v19, v29;
	v21 =	vld [tilespmem:s0+$0x4E0]  }
0x70: {  	p0 =	slt.u32 s1, $0x5E;
	v20 =	vmax.f32 v20, v30;
	v19 =	vmin.f32 v19, v30;
	v22 =	vld [tilespmem:s0+$0x4F0];
	s0 =	sor.u32 s7, s6  }
0x71: {  	v29 =	vld [tilespmem:s0+$0x0];
	v20 =	vmax.f32 v20, v28;
	v19 =	vmin.f32 v19, v28  }
0x72: {  	v28 =	vld [tilespmem:s0+$0x10];
	v20 =	vmax.f32 v20, v31;
	v19 =	vmin.f32 v19, v31  }
0x73: {  	v30 =	vld [tilespmem:s0+$0x20];
	v20 =	vmax.f32 v20, v32;
	v19 =	vmin.f32 v19, v32  }
0x74: {  	v31 =	vld [tilespmem:s0+$0x30];
	v20 =	vmax.f32 v20, v21;
	v19 =	vmin.f32 v19, v21  }
0x75: {  	v21 =	vld [tilespmem:s0+$0x40];
	v20 =	vmax.f32 v20, v22;
	v19 =	vmin.f32 v19, v22  }
0x76: {  	v20 =	vmax.f32 v20, v29;
	v19 =	vmin.f32 v19, v29;
	v22 =	vld [tilespmem:s0+$0x50]  }
0x77: {  	v20 =	vmax.f32 v20, v28;
	v19 =	vmin.f32 v19, v28;
	v28 =	vld [tilespmem:s0+$0x60]  }
0x78: {  	v20 =	vmax.f32 v20, v30;
	v19 =	vmin.f32 v19, v30;
	v29 =	vld [tilespmem:s0+$0x70]  }
0x79: {  	v20 =	vmax.f32 v20, v31;
	v19 =	vmin.f32 v19, v31;
	v30 =	vld [tilespmem:s0+$0x400]  }
0x7a: {  	v20 =	vmax.f32 v20, v21;
	v19 =	vmin.f32 v19, v21;
	v21 =	vld [tilespmem:s0+$0x410]  }
0x7b: {  	v20 =	vmax.f32 v20, v22;
	v19 =	vmin.f32 v19, v22;
	v22 =	vld [tilespmem:s0+$0x420]  }
0x7c: {  	v20 =	vmax.f32 v20, v28;
	v19 =	vmin.f32 v19, v28;
	v28 =	vld [tilespmem:s0+$0x430]  }
0x7d: {  	v20 =	vmax.f32 v20, v29;
	v19 =	vmin.f32 v19, v29;
	v29 =	vld [tilespmem:s0+$0x440]  }
0x7e: {  	v20 =	vmax.f32 v20, v30;
	v19 =	vmin.f32 v19, v30;
	v30 =	vld [tilespmem:s0+$0x450]  }
0x7f: {  	v20 =	vmax.f32 v20, v21;
	v19 =	vmin.f32 v19, v21;
	v21 =	vld [tilespmem:s0+$0x460]  }
0x80: {  	v20 =	vmax.f32 v20, v22;
	v19 =	vmin.f32 v19, v22;
	v22 =	vld [tilespmem:s0+$0x470]  }
0x81: {  	v20 =	vmax.f32 v20, v28;
	v19 =	vmin.f32 v19, v28;
	v28 =	vld [tilespmem:s0+$0x80]  }
0x82: {  	v20 =	vmax.f32 v20, v29;
	v19 =	vmin.f32 v19, v29;
	v29 =	vld [tilespmem:s0+$0x90]  }
0x83: {  	v20 =	vmax.f32 v20, v30;
	v19 =	vmin.f32 v19, v30;
	v30 =	vld [tilespmem:s0+$0xA0]  }
0x84: {  	v20 =	vmax.f32 v20, v21;
	v19 =	vmin.f32 v19, v21;
	v21 =	vld [tilespmem:s0+$0xB0]  }
0x85: {  	v20 =	vmax.f32 v20, v22;
	v19 =	vmin.f32 v19, v22;
	v22 =	vld [tilespmem:s0+$0xC0]  }
0x86: {  	v20 =	vmax.f32 v20, v28;
	v19 =	vmin.f32 v19, v28;
	v28 =	vld [tilespmem:s0+$0xD0]  }
0x87: {  	v20 =	vmax.f32 v20, v29;
	v19 =	vmin.f32 v19, v29;
	v31 =	vld [tilespmem:s0+$0xE0]  }
0x88: {  	v20 =	vmax.f32 v20, v30;
	v19 =	vmin.f32 v19, v30;
	v32 =	vld [tilespmem:s0+$0xF0]  }
0x89: {  	v20 =	vmax.f32 v20, v21;
	v19 =	vmin.f32 v19, v21;
	v21 =	vld [tilespmem:s0+$0x480]  }
.Ltmp2:
0x8a: {  	v20 =	vmax.f32 v20, v22;
	v19 =	vmin.f32 v19, v22;
	v29 =	vld [tilespmem:s0+$0x490];
	(pc) =	sbr.rel @p0 .LBB2_2-.Ltmp2, $4  }
0x8b: {  	v20 =	vmax.f32 v20, v28;
	v19 =	vmin.f32 v19, v28;
	v30 =	vld [tilespmem:s0+$0x4A0]  }
0x8c: {  	v20 =	vmax.f32 v20, v31;
	v19 =	vmin.f32 v19, v31;
	v28 =	vld [tilespmem:s0+$0x4B0]  }
0x8d: {  	v20 =	vmax.f32 v20, v32;
	v19 =	vmin.f32 v19, v32;
	v31 =	vld [tilespmem:s0+$0x4C0]  }
0x8e: {  	s4 =	sadd.s32 $0x100, s4;
	s5 =	sadd.s32 $0x200, s5;
	v20 =	vmax.f32 v20, v21;
	v19 =	vmin.f32 v19, v21;
	v32 =	vld [tilespmem:s0+$0x4D0]  }
0x8f: {  	v20 =	vmax.f32 v20, v29;
	v21 =	vld [tilespmem:s0+$0x4E0]  }
0x90: {  	v22 =	vld [tilespmem:s0+$0x4F0];
	v20 =	vmax.f32 v20, v30  }
0x91: {  	v19 =	vmin.f32 v19, v29;
	v20 =	vmax.f32 v20, v28  }
0x92: {  	v19 =	vmin.f32 v19, v30;
	v20 =	vmax.f32 v20, v31  }
0x93: {  	v19 =	vmin.f32 v19, v28;
	v20 =	vmax.f32 v20, v32  }
0x94: {  	v19 =	vmin.f32 v19, v31;
	v20 =	vmax.f32 v20, v21  }
0x95: {  	v19 =	vmin.f32 v19, v32;
	v20 =	vmax.f32 v20, v22  }
0x96: {  	v19 =	vmin.f32 v19, v21;
	v28 =	vsel vm0, $0xFF7FC99E, v20  }
0x97: {  	v19 =	vmin.f32 v19, v22;
	v20 =	vsel vm1, $0xFF7FC99E, v20;
	(xrf0) =	vmax.scan.msk.f32 $0xffff, v28  }
0x98: {  	(xrf0) =	vmax.scan.msk.f32 $0xffff, v20;
	v20 =	vsel vm0, $0x7F7FC99E, v19  }
0x99: {  	v19 =	vsel vm1, $0x7F7FC99E, v19;
	(xrf0) =	vmin.scan.msk.f32 $0xffff, v20  }
0x9a: {  	(xrf0) =	vmin.scan.msk.f32 $0xffff, v19;
	_ =	sdelay $0x2  }
0x9b: {  	v19, _, _ =	vpop (xrf0)  }
0x9c: {  	v20, _, _ =	vpop (xrf0);
	(v2sf) =	vpush v19, $0xF  }
0x9d: {  	(v2sf) =	vpush v20, $0xF;
	v19, _, _ =	vpop (xrf0)  }
0x9e: {  	(v2sf) =	vpush v19, $0xF;
	v19, _, _ =	vpop (xrf0)  }
0x9f: {  	(v2sf) =	vpush v19, $0xF;
	_ =	sdelay $0x1  }
0xa0: {  	v29 =	vld.idx.msk [tilespmem:v25+s19+$0x0], $0xffff  }
0xa1: {  	v28 =	vld.idx.msk [tilespmem:v24+s19+$0x0], $0xffff  }
0xa2: {  	v20 =	vld.idx.msk [tilespmem:v4+s19+$0x0], $0xffff  }
0xa3: {  	v19 =	vld.idx.msk [tilespmem:v26+s19+$0x0], $0xffff  }
0xa4: {  	v60 =	vld.idx.msk [tilespmem:v2+s19+$0x0], $0xffff  }
0xa5: {  	v33 =	vld.idx.msk [tilespmem:v3+s19+$0x0], $0xffff  }
0xa6: {  	v35 =	vld.idx.msk [tilespmem:v8+s19+$0x0], $0xffff  }
0xa7: {  	v31 =	vld.idx.msk [tilespmem:v1+s19+$0x0], $0xffff;
	v30 =	vmul.f32 $5.120000000e+02, v29;
	v22 =	vmul.f32 $5.120000000e+02, v28  }
0xa8: {  	v21 =	vld.idx.msk [tilespmem:v0+s19+$0x0], $0xffff;
	v20 =	vmul.f32 $5.120000000e+02, v20;
	v19 =	vmul.f32 $5.120000000e+02, v19  }
0xa9: {  	v22 =	vmul.f32 v30, v22;
	v30 =	vld.idx.msk [tilespmem:v6+s19+$0x0], $0xffff  }
0xaa: {  	v19 =	vmul.f32 v20, v19;
	v20 =	vld.idx.msk [tilespmem:v5+s19+$0x0], $0xffff;
	s15 =	spop (v2sf)  }
0xab: {  	s1 =	spop (v2sf)  }
0xac: {  	v32 =	vmul.f32 $5.120000000e+02, v60;
	v33 =	vmul.f32 $5.120000000e+02, v33;
	s16 =	spop (v2sf)  }
0xad: {  	v63 =	vmul.f32 $5.120000000e+02, v35;
	v31 =	vmul.f32 $5.120000000e+02, v31;
	s0 =	smul.f32 s1, s15;
	s4 =	spop (v2sf)  }
0xae: {  	v61 =	vld.idx.msk [tilespmem:v9+s19+$0x0], $0xffff;
	v21 =	vmul.f32 $5.120000000e+02, v21;
	v22 =	vmul.f32 $3.333333430e-01, v22;
	s1 =	smul.f32 s4, s16  }
0xaf: {  	v30 =	vmul.f32 $5.120000000e+02, v30;
	v20 =	vmul.f32 $5.120000000e+02, v20;
	s0 =	smul.f32 $3.333666620e-01, s0  }
0xb0: {  	v34 =	vld.idx.msk [tilespmem:v7+s19+$0x0], $0xffff;
	v21 =	vmul.f32 v31, v21;
	v31 =	vmul.f32 $6.000000000e+00, v22;
	s15 =	smul.f32 $3.332999940e-01, s1  }
0xb1: {  	v32 =	vmul.f32 v33, v32;
	v20 =	vmul.f32 v30, v20  }
0xb2: {  	v21 =	vmul.f32 $3.333333430e-01, v21;
	v19 =	vmul.f32 $3.333333430e-01, v19;
	s16 =	smul.f32 $6.000000000e+00, s0;
	vm3 =	vgt.f32 v31, s15;
	v31 =	vld.idx.msk [tilespmem:v10+s19+$0x0], $0xffff  }
0xb3: {  	v30 =	vmul.f32 $5.120000000e+02, v61;
	v20 =	vmul.f32 $3.333333430e-01, v20  }
0xb4: {  	vm2 =	vlt.f32 v22, s16;
	v22 =	vmul.f32 $6.000000000e+00, v19;
	vm4 =	vlt.f32 v19, s16  }
0xb5: {  	v19 =	vmul.f32 $5.120000000e+02, v34;
	vm8 =	vlt.f32 v21, s16;
	v21 =	vmul.f32 $6.000000000e+00, v21  }
0xb6: {  	vm2 =	vmand vm2, vm3;
	vm5 =	vgt.f32 v22, s15;
	v22 =	vmul.f32 $3.333333430e-01, v32  }
0xb7: {  	v19 =	vmul.f32 v63, v19;
	vm3 =	vmand vm4, vm5;
	v31 =	vmul.f32 $5.120000000e+02, v31  }
0xb8: {  	vm2 =	vmor vm2, vm3;
	vm3 =	vgt.f32 v21, s15;
	v21 =	vmul.f32 $6.000000000e+00, v22  }
0xb9: {  	vm9 =	vlt.f32 v22, s16;
	v19 =	vmul.f32 $3.333333430e-01, v19;
	v22 =	vmul.f32 v31, v30  }
0xba: {  	vm3 =	vmand vm8, vm3;
	vm10 =	vgt.f32 v21, s15;
	v21 =	vmul.f32 $6.000000000e+00, v20  }
0xbb: {  	vm11 =	vlt.f32 v20, s16;
	vm2 =	vmor vm2, vm3;
	v22 =	vmul.f32 $3.333333430e-01, v22  }
0xbc: {  	v20 =	vmul.f32 $6.000000000e+00, v19;
	vm3 =	vmand vm9, vm10;
	vm12 =	vgt.f32 v21, s15  }
0xbd: {  	vm2 =	vmor vm2, vm3;
	vm3 =	vmand vm11, vm12;
	v21 =	vmul.f32 $6.000000000e+00, v22  }
0xbe: {  	vm13 =	vgt.f32 v20, s15;
	vm2 =	vmor vm2, vm3;
	vm3 =	vlt.f32 v19, s16  }
0xbf: {  	vm3 =	vmand vm3, vm13;
	vm14 =	vlt.f32 v22, s16;
	vm15 =	vgt.f32 v21, s15  }
0xc0: {  	vm2 =	vmor vm2, vm3;
	vm3 =	vmand vm14, vm15  }
0xc1: {  	vm2 =	vmor vm2, vm3  }
0xc2: {  	v19 =	vsel vm2, $0x1, v62  }
0xc3: {  	v19 =	vor.u32 $0x80000000, v19  }
0xc4: {  	(xrf0) =	vmax.scan.msk.u32 $0xffff, v19;
	_ =	sdelay $0x5  }
0xc5: {  	v19, _, _ =	vpop (xrf0)  }
0xc6: {  	(v2sf) =	vpush v19, $0xF;
	_ =	sdelay $0xe  }
0xc7: {  	s0 =	spop (v2sf)  }
0xc8: {  	p0 =	sne.s32 s0, $0x80000000  }
.Ltmp3:
0xc9: {  	_ = 	snop;
	(pc) =	sbr.rel @!p0 .LBB2_4-.Ltmp3, $1  }
0xca: {  	_ =	sdelay $0x3  }
0xcb: {  	p0 =	slt.u32 s0, $0x80000001  }
.Ltmp4:
0xcc: {  	_ = 	snop;
	(pc) =	sbr.rel @p0 .LBB2_18-.Ltmp4, $1  }
0xcd: {  	_ =	sdelay $0x3  }
0xce: {  	_ =	swait.ge [sflag:s23], $0x1000  }
0xcf: {  	[sflag:s23] =	ssyncset.done $0x0  }
0xd0: {  	[sflag:s23] =	ssyncadd.s32 $0xFFFFF000  }
0xd1: {  	_ =	swait.ge [sflag:s23], $0x1000  }
0xd2: {  	[sflag:s23] =	ssyncset.done $0x0  }
0xd3: {  	[sflag:s23] =	ssyncadd.s32 $0xFFFFF000  }
0xd4: {  	_ =	swait.ge [sflag:s23], $0x1000  }
0xd5: {  	[sflag:s23] =	ssyncset.done $0x0  }
0xd6: {  	[sflag:s23] =	ssyncadd.s32 $0xFFFFF000  }
0xd7: {  	v19 =	vld.idx.msk [tilespmem:v23+s19+$0x0], $0xffff  }
0xd8: {  	v20 =	vld.idx.msk [tilespmem:v16+s19+$0x0], $0xffff;
	_ =	sdelay $0x3  }
0xd9: {  	v21 =	vmul.f32 $2.560000000e+02, v28;
	v22 =	vmul.f32 $2.560000000e+02, v29  }
0xda: {  	v19 =	vmul.f32 $5.120000000e+02, v19;
	v20 =	vmul.f32 $5.120000000e+02, v20;
	_ =	sdelay $0x1  }
0xdb: {  	v28 =	vsub.f32 v19, v21;
	v29 =	vsub.f32 v20, v22  }
0xdc: {  	v19 =	vadd.f32 v21, v19;
	v20 =	vadd.f32 v22, v20;
	_ =	sdelay $0x1  }
0xdd: {  	v21 =	vsub.f32 v19, v28;
	v22 =	vsub.f32 v20, v29;
	_ =	sdelay $0x1  }
0xde: {  	[tilespmem:$0x12200] =	vst v28;
	v21 =	vmul.f32 v22, v21  }
0xdf: {  	[tilespmem:$0x12280] =	vst v29  }
0xe0: {  	[tilespmem:$0x12300] =	vst v19;
	v19 =	vmul.f32 $3.333333430e-01, v21  }
0xe1: {  	[tilespmem:$0x12380] =	vst v20  }
0xe2: {  	[tilespmem:$0x12400] =	vst v19  }
0xe3: {  	v19 =	vld.idx.msk [tilespmem:v17+s19+$0x0], $0xffff  }
0xe4: {  	v20 =	vld.idx.msk [tilespmem:v18+s19+$0x0], $0xffff  }
0xe5: {  	v21 =	vld.idx.msk [tilespmem:v26+s19+$0x0], $0xffff  }
0xe6: {  	v22 =	vld.idx.msk [tilespmem:v4+s19+$0x0], $0xffff;
	_ =	sdelay $0x3  }
0xe7: {  	v19 =	vmul.f32 $5.120000000e+02, v19;
	v20 =	vmul.f32 $5.120000000e+02, v20  }
0xe8: {  	v21 =	vmul.f32 $2.560000000e+02, v21;
	v22 =	vmul.f32 $2.560000000e+02, v22;
	_ =	sdelay $0x1  }
0xe9: {  	v28 =	vsub.f32 v19, v21;
	v29 =	vsub.f32 v20, v22  }
0xea: {  	v19 =	vadd.f32 v21, v19;
	v20 =	vadd.f32 v22, v20  }
0xeb: {  	v11 =	vld [tilespmem:$0x1FEA0]  }
0xec: {  	v40 =	vld [tilespmem:$0x1FEB0];
	v21 =	vsub.f32 v19, v28;
	v22 =	vsub.f32 v20, v29;
	_ =	sdelay $0x1  }
0xed: {  	[tilespmem:$0x12210] =	vst v28;
	v21 =	vmul.f32 v22, v21  }
0xee: {  	[tilespmem:$0x12290] =	vst v29  }
0xef: {  	[tilespmem:$0x12310] =	vst v19;
	v19 =	vmul.f32 $3.333333430e-01, v21  }
0xf0: {  	[tilespmem:$0x12390] =	vst v20  }
0xf1: {  	[tilespmem:$0x12410] =	vst v19  }
0xf2: {  	v19 =	vld.idx.msk [tilespmem:v11+s19+$0x0], $0xffff  }
0xf3: {  	v20 =	vld.idx.msk [tilespmem:v40+s19+$0x0], $0xffff  }
0xf4: {  	v21 =	vld.idx.msk [tilespmem:v0+s19+$0x0], $0xffff  }
0xf5: {  	v22 =	vld.idx.msk [tilespmem:v1+s19+$0x0], $0xffff;
	_ =	sdelay $0x3  }
0xf6: {  	v19 =	vmul.f32 $5.120000000e+02, v19;
	v20 =	vmul.f32 $5.120000000e+02, v20  }
0xf7: {  	v21 =	vmul.f32 $2.560000000e+02, v21;
	v22 =	vmul.f32 $2.560000000e+02, v22;
	_ =	sdelay $0x1  }
0xf8: {  	v28 =	vsub.f32 v19, v21;
	v29 =	vsub.f32 v20, v22  }
0xf9: {  	v19 =	vadd.f32 v21, v19;
	v20 =	vadd.f32 v22, v20  }
0xfa: {  	v0 =	vld [tilespmem:$0x1FEC0]  }
0xfb: {  	v21 =	vsub.f32 v19, v28;
	v22 =	vsub.f32 v20, v29;
	_ =	sdelay $0x1  }
0xfc: {  	[tilespmem:$0x12220] =	vst v28;
	v21 =	vmul.f32 v22, v21  }
0xfd: {  	[tilespmem:$0x122A0] =	vst v29  }
0xfe: {  	[tilespmem:$0x12320] =	vst v19;
	v19 =	vmul.f32 $3.333333430e-01, v21  }
0xff: {  	[tilespmem:$0x123A0] =	vst v20  }
0x100: {  	[tilespmem:$0x12420] =	vst v19  }
0x101: {  	v19 =	vld.idx.msk [tilespmem:v0+s19+$0x0], $0xffff  }
0x102: {  	v0 =	vld [tilespmem:$0x1FED0];
	_ =	sdelay $0x5  }
0x103: {  	v21 =	vld.idx.msk [tilespmem:v2+s19+$0x0], $0xffff  }
0x104: {  	v22 =	vld.idx.msk [tilespmem:v3+s19+$0x0], $0xffff  }
0x105: {  	v20 =	vld.idx.msk [tilespmem:v0+s19+$0x0], $0xffff;
	_ =	sdelay $0x3  }
0x106: {  	v19 =	vmul.f32 $5.120000000e+02, v19;
	v21 =	vmul.f32 $2.560000000e+02, v21  }
0x107: {  	v22 =	vmul.f32 $2.560000000e+02, v22;
	v20 =	vmul.f32 $5.120000000e+02, v20  }
0x108: {  	v28 =	vsub.f32 v19, v21;
	v19 =	vadd.f32 v21, v19  }
0x109: {  	v29 =	vsub.f32 v20, v22;
	v20 =	vadd.f32 v22, v20  }
0x10a: {  	v0 =	vld [tilespmem:$0x1FEE0]  }
0x10b: {  	v21 =	vsub.f32 v19, v28;
	v22 =	vsub.f32 v20, v29;
	_ =	sdelay $0x1  }
0x10c: {  	[tilespmem:$0x12230] =	vst v28;
	v21 =	vmul.f32 v22, v21  }
0x10d: {  	[tilespmem:$0x12330] =	vst v19  }
0x10e: {  	[tilespmem:$0x122B0] =	vst v29;
	v19 =	vmul.f32 $3.333333430e-01, v21  }
0x10f: {  	[tilespmem:$0x123B0] =	vst v20  }
0x110: {  	[tilespmem:$0x12430] =	vst v19  }
0x111: {  	v19 =	vld.idx.msk [tilespmem:v0+s19+$0x0], $0xffff  }
0x112: {  	v0 =	vld [tilespmem:$0x1FEF0];
	_ =	sdelay $0x5  }
0x113: {  	v21 =	vld.idx.msk [tilespmem:v5+s19+$0x0], $0xffff  }
0x114: {  	v22 =	vld.idx.msk [tilespmem:v6+s19+$0x0], $0xffff  }
0x115: {  	v20 =	vld.idx.msk [tilespmem:v0+s19+$0x0], $0xffff;
	_ =	sdelay $0x3  }
0x116: {  	v19 =	vmul.f32 $5.120000000e+02, v19;
	v21 =	vmul.f32 $2.560000000e+02, v21  }
0x117: {  	v22 =	vmul.f32 $2.560000000e+02, v22;
	v20 =	vmul.f32 $5.120000000e+02, v20  }
0x118: {  	v28 =	vsub.f32 v19, v21;
	v19 =	vadd.f32 v21, v19  }
0x119: {  	v29 =	vsub.f32 v20, v22;
	v20 =	vadd.f32 v22, v20  }
0x11a: {  	v0 =	vld [tilespmem:$0x1FF00]  }
0x11b: {  	v21 =	vsub.f32 v19, v28;
	v22 =	vsub.f32 v20, v29;
	_ =	sdelay $0x1  }
0x11c: {  	[tilespmem:$0x12240] =	vst v28;
	v21 =	vmul.f32 v22, v21  }
0x11d: {  	[tilespmem:$0x12340] =	vst v19  }
0x11e: {  	[tilespmem:$0x122C0] =	vst v29;
	v19 =	vmul.f32 $3.333333430e-01, v21  }
0x11f: {  	[tilespmem:$0x123C0] =	vst v20  }
0x120: {  	[tilespmem:$0x12440] =	vst v19  }
0x121: {  	v19 =	vld.idx.msk [tilespmem:v0+s19+$0x0], $0xffff  }
0x122: {  	v0 =	vld [tilespmem:$0x1FF10];
	_ =	sdelay $0x5  }
0x123: {  	v21 =	vld.idx.msk [tilespmem:v7+s19+$0x0], $0xffff  }
0x124: {  	v22 =	vld.idx.msk [tilespmem:v8+s19+$0x0], $0xffff  }
0x125: {  	v20 =	vld.idx.msk [tilespmem:v0+s19+$0x0], $0xffff;
	_ =	sdelay $0x3  }
0x126: {  	v19 =	vmul.f32 $5.120000000e+02, v19;
	v21 =	vmul.f32 $2.560000000e+02, v21  }
0x127: {  	v22 =	vmul.f32 $2.560000000e+02, v22;
	v20 =	vmul.f32 $5.120000000e+02, v20  }
0x128: {  	v28 =	vsub.f32 v19, v21;
	v19 =	vadd.f32 v21, v19  }
0x129: {  	v29 =	vsub.f32 v20, v22;
	v20 =	vadd.f32 v22, v20;
	_ =	sdelay $0x1  }
0x12a: {  	v21 =	vsub.f32 v19, v28;
	v22 =	vsub.f32 v20, v29;
	_ =	sdelay $0x1  }
0x12b: {  	[tilespmem:$0x12250] =	vst v28;
	v21 =	vmul.f32 v22, v21;
	v22 =	vor.u32 $0x180, v23  }
0x12c: {  	v28 =	vor.u32 $0x181, v23;
	[tilespmem:$0x12350] =	vst v19  }
0x12d: {  	[tilespmem:$0x122D0] =	vst v29;
	v19 =	vmul.f32 $3.333333430e-01, v21  }
0x12e: {  	[tilespmem:$0x123D0] =	vst v20  }
0x12f: {  	[tilespmem:$0x12450] =	vst v19  }
0x130: {  	v19 =	vld.idx.msk [tilespmem:v22+s19+$0x0], $0xffff  }
0x131: {  	v20 =	vld.idx.msk [tilespmem:v28+s19+$0x0], $0xffff  }
0x132: {  	v21 =	vld.idx.msk [tilespmem:v9+s19+$0x0], $0xffff  }
0x133: {  	v22 =	vld.idx.msk [tilespmem:v10+s19+$0x0], $0xffff;
	_ =	sdelay $0x3  }
0x134: {  	v19 =	vmul.f32 $5.120000000e+02, v19;
	v21 =	vmul.f32 $2.560000000e+02, v21  }
0x135: {  	v20 =	vmul.f32 $5.120000000e+02, v20;
	v22 =	vmul.f32 $2.560000000e+02, v22  }
0x136: {  	s0 =	simm.s32 $0x1;
	v28 =	vsub.f32 v19, v21;
	v19 =	vadd.f32 v21, v19  }
0x137: {  	v29 =	vmov s0;
	v21 =	vsub.f32 v20, v22;
	v20 =	vadd.f32 v22, v20  }
0x138: {  	v31 =	vshll.u32 v29, $0x8  }
0x139: {  	v29 =	vshll.u32 v29, $0x7;
	v22 =	vsub.f32 v19, v28;
	v30 =	vsub.f32 v20, v21  }
0x13a: {  	v31 =	vand.u32 $0x7800, v31;
	v29 =	vand.u32 $0x380, v29  }
0x13b: {  	v29 =	vor.u32 v29, v31;
	v22 =	vmul.f32 v30, v22  }
0x13c: {  	s31 =	simm.s32 $0x0;
	[tilespmem:$0x12260] =	vst v28;
	v30 =	vor.u32 v24, v29  }
0x13d: {  	v31 =	vor.u32 v25, v29;
	[tilespmem:$0x122E0] =	vst v21;
	v21 =	vmul.f32 $3.333333430e-01, v22;
	v22 =	vmov s31  }
0x13e: {  	v32 =	vor.u32 v23, v29;
	[tilespmem:$0x12360] =	vst v19;
	v19 =	vshll.u32 v22, $0x8;
	v22 =	vshll.u32 v22, $0x7  }
0x13f: {  	[tilespmem:$0x123E0] =	vst v20;
	v19 =	vand.u32 $0x7800, v19;
	v20 =	vand.u32 $0x300, v22;
	v22 =	vor.u32 v16, v29  }
0x140: {  	[tilespmem:$0x12460] =	vst v21;
	v28 =	vor.u32 v20, v19  }
0x141: {  	v19 =	vld.idx.msk [tilespmem:v30+s31+$0x0], $0xffff;
	v20 =	vor.u32 v24, v28  }
0x142: {  	v21 =	vld.idx.msk [tilespmem:v31+s31+$0x0], $0xffff;
	v30 =	vor.u32 v25, v28  }
0x143: {  	v32 =	vld.idx.msk [tilespmem:v32+s31+$0x0], $0xffff;
	v31 =	vor.u32 v23, v28  }
0x144: {  	v33 =	vor.u32 v16, v28;
	v22 =	vld.idx.msk [tilespmem:v22+s31+$0x0], $0xffff;
	_ =	sdelay $0x1  }
0x145: {  	v19 =	vmul.f32 $5.000000000e-01, v19;
	v20 =	vld.idx.msk [tilespmem:v20+s31+$0x0], $0xffff  }
0x146: {  	v21 =	vmul.f32 $5.000000000e-01, v21;
	v30 =	vld.idx.msk [tilespmem:v30+s31+$0x0], $0xffff  }
0x147: {  	v31 =	vld.idx.msk [tilespmem:v31+s31+$0x0], $0xffff;
	v34 =	vsub.f32 v32, v19  }
0x148: {  	s11 =	simm.s32 $0xC220;
	v33 =	vld.idx.msk [tilespmem:v33+s31+$0x0], $0xffff;
	v35 =	vsub.f32 v22, v21  }
0x149: {  	s12 =	simm.s32 $0xDA20;
	v19 =	vadd.f32 v19, v32;
	[tilespmem:s11+$0x20] =	vst v34  }
0x14a: {  	s13 =	simm.s32 $0xF220;
	v41 =	vor.u32 v26, v29;
	v21 =	vadd.f32 v21, v22;
	[tilespmem:s12+$0x20] =	vst v35;
	v20 =	vmul.f32 $5.000000000e-01, v20  }
0x14b: {  	s21 =	simm.s32 $0x10A20;
	v22 =	vor.u32 v4, v29;
	[tilespmem:s13+$0x20] =	vst v19;
	v19 =	vmul.f32 $5.000000000e-01, v30  }
0x14c: {  	s22 =	simm.s32 $0x124A0;
	v30 =	vor.u32 v17, v29;
	v42 =	vsub.f32 v31, v20;
	[tilespmem:s21+$0x20] =	vst v21  }
0x14d: {  	v21 =	vor.u32 v18, v29;
	v43 =	vsub.f32 v33, v19;
	[tilespmem:s22+$0x20] =	vst v27  }
0x14e: {  	v20 =	vadd.f32 v20, v31;
	v31 =	vor.u32 v26, v28;
	[tilespmem:s11+$0xFFFFFFE0] =	vst v42  }
0x14f: {  	v44 =	vor.u32 v4, v28;
	v19 =	vadd.f32 v19, v33;
	v32 =	vld.idx.msk [tilespmem:v41+s31+$0x0], $0xffff;
	[tilespmem:s12+$0xFFFFFFE0] =	vst v43  }
0x150: {  	v22 =	vld.idx.msk [tilespmem:v22+s31+$0x0], $0xffff;
	[tilespmem:s13+$0xFFFFFFE0] =	vst v20;
	v20 =	vor.u32 v17, v28  }
0x151: {  	v45 =	vld.idx.msk [tilespmem:v30+s31+$0x0], $0xffff;
	[tilespmem:s21+$0xFFFFFFE0] =	vst v19;
	v19 =	vor.u32 v18, v28  }
0x152: {  	v21 =	vld.idx.msk [tilespmem:v21+s31+$0x0], $0xffff;
	[tilespmem:s22+$0xFFFFFFE0] =	vst v27  }
0x153: {  	v35 =	vld.idx.msk [tilespmem:v31+s31+$0x0], $0xffff  }
0x154: {  	v32 =	vmul.f32 $5.000000000e-01, v32;
	v36 =	vld.idx.msk [tilespmem:v44+s31+$0x0], $0xffff  }
0x155: {  	s4 =	simm.s32 $0x40;
	s6 =	simm.s32 $0x3;
	v33 =	vor.u32 $0x402, v23;
	v22 =	vmul.f32 $5.000000000e-01, v22;
	v20 =	vld.idx.msk [tilespmem:v20+s31+$0x0], $0xffff  }
0x156: {  	s5 =	sor.u32 $0x50, s4;
	v49 =	vmov s6;
	v39 =	vor.u32 v33, v29;
	v37 =	vsub.f32 v45, v32;
	v19 =	vld.idx.msk [tilespmem:v19+s31+$0x0], $0xffff  }
0x157: {  	[tilespmem:s5+$0x12480] =	vst v27;
	v31 =	vor.u32 $0x400, v23;
	v34 =	vadd.f32 v32, v45;
	v38 =	vsub.f32 v21, v22  }
0x158: {  	v21 =	vadd.f32 v22, v21;
	v22 =	vor.u32 v31, v29;
	[tilespmem:s5+$0xC200] =	vst v37;
	v35 =	vmul.f32 $5.000000000e-01, v35  }
0x159: {  	v51 =	vshll.u32 v49, $0x8;
	v30 =	vor.u32 $0x403, v23;
	[tilespmem:s5+$0xF200] =	vst v34;
	v36 =	vmul.f32 $5.000000000e-01, v36  }
0x15a: {  	v46 =	vor.u32 v30, v29;
	v32 =	vor.u32 $0x401, v23;
	[tilespmem:s5+$0x10A00] =	vst v21;
	v21 =	vsub.f32 v20, v35  }
0x15b: {  	v40 =	vor.u32 v33, v28;
	v47 =	vor.u32 v32, v29;
	[tilespmem:s5+$0xDA00] =	vst v38;
	v42 =	vsub.f32 v19, v36  }
0x15c: {  	v41 =	vor.u32 v30, v28;
	v43 =	vld.idx.msk [tilespmem:v39+s31+$0x0], $0xffff;
	v39 =	vshll.u32 v49, $0x7;
	v20 =	vadd.f32 v35, v20;
	[tilespmem:s11+$0xFFFFFFF0] =	vst v21  }
0x15d: {  	s1 =	simm.s32 $0x2;
	v52 =	vand.u32 $0x380, v39;
	v19 =	vadd.f32 v36, v19;
	v21 =	vld.idx.msk [tilespmem:v22+s31+$0x0], $0xffff;
	v22 =	vand.u32 $0x7800, v51;
	[tilespmem:s12+$0xFFFFFFF0] =	vst v42  }
0x15e: {  	v48 =	vmov s1;
	v54 =	vor.u32 v31, v28;
	v39 =	vor.u32 v52, v22;
	[tilespmem:s13+$0xFFFFFFF0] =	vst v20  }
0x15f: {  	v53 =	vshll.u32 v48, $0x8;
	v50 =	vld.idx.msk [tilespmem:v46+s31+$0x0], $0xffff;
	v20 =	vshll.u32 v48, $0x7;
	v36 =	vor.u32 v23, v39;
	[tilespmem:s21+$0xFFFFFFF0] =	vst v19  }
0x160: {  	v44 =	vld.idx.msk [tilespmem:v47+s31+$0x0], $0xffff;
	v22 =	vand.u32 $0x7800, v53;
	v48 =	vor.u32 v32, v28;
	v19 =	vand.u32 $0x300, v20;
	[tilespmem:s22+$0xFFFFFFF0] =	vst v27  }
0x161: {  	v20 =	vor.u32 v24, v39;
	v38 =	vor.u32 v19, v22;
	v22 =	vld.idx.msk [tilespmem:v40+s31+$0x0], $0xffff  }
0x162: {  	v19 =	vor.u32 v25, v39;
	v41 =	vld.idx.msk [tilespmem:v41+s31+$0x0], $0xffff  }
0x163: {  	v55 =	vmul.f32 $5.000000000e-01, v43;
	v57 =	vor.u32 v16, v39;
	v42 =	vld.idx.msk [tilespmem:v54+s31+$0x0], $0xffff  }
0x164: {  	v60 =	vor.u32 v24, v38;
	v49 =	vld.idx.msk [tilespmem:v36+s31+$0x0], $0xffff  }
0x165: {  	v45 =	vsub.f32 v21, v55;
	v21 =	vadd.f32 v55, v21;
	v8 =	vld.idx.msk [tilespmem:v48+s31+$0x0], $0xffff  }
0x166: {  	s7 =	sor.u32 $0x60, s4;
	v56 =	vmul.f32 $5.000000000e-01, v50;
	v61 =	vor.u32 v23, v38;
	v20 =	vld.idx.msk [tilespmem:v20+s31+$0x0], $0xffff  }
0x167: {  	[tilespmem:s7+$0xF200] =	vst v21;
	v21 =	vor.u32 v25, v38;
	v19 =	vld.idx.msk [tilespmem:v19+s31+$0x0], $0xffff  }
0x168: {  	v46 =	vsub.f32 v44, v56;
	v43 =	vld.idx.msk [tilespmem:v57+s31+$0x0], $0xffff  }
0x169: {  	[tilespmem:s7+$0x12480] =	vst v27;
	v58 =	vadd.f32 v56, v44;
	v63 =	vor.u32 v16, v38;
	v22 =	vmul.f32 $5.000000000e-01, v22;
	v40 =	vld.idx.msk [tilespmem:v60+s31+$0x0], $0xffff  }
0x16a: {  	v34 =	vor.u32 $0x443, v23;
	[tilespmem:s7+$0xDA00] =	vst v46;
	v41 =	vmul.f32 $5.000000000e-01, v41  }
0x16b: {  	v35 =	vor.u32 $0x441, v23;
	[tilespmem:s7+$0x10A00] =	vst v58;
	v44 =	vld.idx.msk [tilespmem:v61+s31+$0x0], $0xffff;
	v51 =	vsub.f32 v42, v22;
	v20 =	vmul.f32 $5.000000000e-01, v20  }
0x16c: {  	v47 =	vor.u32 v34, v29;
	[tilespmem:s7+$0xC200] =	vst v45;
	v21 =	vld.idx.msk [tilespmem:v21+s31+$0x0], $0xffff;
	v61 =	vsub.f32 v8, v41;
	v19 =	vmul.f32 $5.000000000e-01, v19  }
0x16d: {  	v59 =	vor.u32 v35, v29;
	v36 =	vor.u32 $0x440, v23;
	[tilespmem:s11+$0x0] =	vst v51;
	v52 =	vsub.f32 v49, v20  }
0x16e: {  	s20 =	simm.s32 $0xC2A0;
	v50 =	vor.u32 v36, v29;
	v46 =	vld.idx.msk [tilespmem:v63+s31+$0x0], $0xffff;
	v40 =	vmul.f32 $5.000000000e-01, v40;
	[tilespmem:s12+$0x0] =	vst v61;
	v10 =	vsub.f32 v43, v19  }
0x16f: {  	s1 =	simm.s32 $0xDAA0;
	v37 =	vor.u32 $0x442, v23;
	v20 =	vadd.f32 v20, v49;
	[tilespmem:s20+$0x20] =	vst v52  }
0x170: {  	s0 =	simm.s32 $0xF2A0;
	v29 =	vor.u32 v37, v29;
	v53 =	vsub.f32 v44, v40;
	[tilespmem:s1+$0x20] =	vst v10  }
0x171: {  	v12 =	vor.u32 v26, v39;
	v45 =	vld.idx.msk [tilespmem:v47+s31+$0x0], $0xffff;
	v19 =	vadd.f32 v19, v43;
	v21 =	vmul.f32 $5.000000000e-01, v21;
	[tilespmem:s0+$0x20] =	vst v20  }
0x172: {  	s17 =	simm.s32 $0x10AA0;
	v13 =	vor.u32 v4, v39;
	v9 =	vld.idx.msk [tilespmem:v59+s31+$0x0], $0xffff;
	[tilespmem:s20+$0xFFFFFFE0] =	vst v53  }
0x173: {  	s18 =	simm.s32 $0x12520;
	v14 =	vor.u32 v17, v39;
	v50 =	vld.idx.msk [tilespmem:v50+s31+$0x0], $0xffff;
	v57 =	vsub.f32 v46, v21;
	[tilespmem:s17+$0x20] =	vst v19  }
0x174: {  	v40 =	vadd.f32 v40, v44;
	v19 =	vadd.f32 v22, v42;
	v22 =	vor.u32 v18, v39;
	[tilespmem:s18+$0x20] =	vst v27  }
0x175: {  	v54 =	vor.u32 v37, v28;
	v58 =	vor.u32 v26, v38;
	v20 =	vld.idx.msk [tilespmem:v29+s31+$0x0], $0xffff;
	[tilespmem:s1+$0xFFFFFFE0] =	vst v57  }
0x176: {  	v59 =	vor.u32 v4, v38;
	v21 =	vadd.f32 v21, v46;
	v51 =	vld.idx.msk [tilespmem:v12+s31+$0x0], $0xffff;
	[tilespmem:s0+$0xFFFFFFE0] =	vst v40  }
0x177: {  	s8 =	simm.s32 $0x4;
	v55 =	vor.u32 v31, v38;
	v56 =	vor.u32 v33, v38;
	v45 =	vmul.f32 $5.000000000e-01, v45;
	v43 =	vld.idx.msk [tilespmem:v13+s31+$0x0], $0xffff;
	[tilespmem:s13+$0x0] =	vst v19  }
0x178: {  	v60 =	vor.u32 v17, v38;
	v63 =	vmov s8;
	v41 =	vadd.f32 v41, v8;
	v52 =	vld.idx.msk [tilespmem:v14+s31+$0x0], $0xffff;
	[tilespmem:s17+$0xFFFFFFE0] =	vst v21  }
0x179: {  	v8 =	vshll.u32 v63, $0x8;
	v11 =	vadd.f32 v45, v9;
	v21 =	vor.u32 v18, v38;
	[tilespmem:s18+$0xFFFFFFE0] =	vst v27;
	v22 =	vld.idx.msk [tilespmem:v22+s31+$0x0], $0xffff  }
0x17a: {  	v49 =	vor.u32 v35, v28;
	v48 =	vsub.f32 v9, v45;
	[tilespmem:s21+$0x0] =	vst v41;
	v20 =	vmul.f32 $5.000000000e-01, v20;
	v44 =	vld.idx.msk [tilespmem:v58+s31+$0x0], $0xffff  }
0x17b: {  	v45 =	vshll.u32 v63, $0x7;
	v29 =	vor.u32 v34, v28;
	[tilespmem:s22+$0x0] =	vst v27;
	v42 =	vld.idx.msk [tilespmem:v59+s31+$0x0], $0xffff;
	v10 =	vmul.f32 $5.000000000e-01, v51  }
0x17c: {  	s5 =	sor.u32 $0x70, s4;
	s4 =	simm.s32 $0xC0;
	v61 =	vor.u32 v31, v39;
	v28 =	vor.u32 v36, v28;
	v14 =	vld.idx.msk [tilespmem:v54+s31+$0x0], $0xffff;
	v53 =	vsub.f32 v50, v20  }
0x17d: {  	s6 =	sor.u32 $0x50, s4;
	[tilespmem:s5+$0x10A00] =	vst v11;
	v19 =	vadd.f32 v20, v50;
	v20 =	vld.idx.msk [tilespmem:v60+s31+$0x0], $0xffff;
	v43 =	vmul.f32 $5.000000000e-01, v43;
	v11 =	vsub.f32 v52, v10  }
0x17e: {  	v9 =	vand.u32 $0x7800, v8;
	v13 =	vor.u32 v33, v39;
	[tilespmem:s6+$0x12480] =	vst v27;
	v21 =	vld.idx.msk [tilespmem:v21+s31+$0x0], $0xffff;
	v59 =	vadd.f32 v10, v52  }
0x17f: {  	v63 =	vor.u32 v32, v39;
	v60 =	vor.u32 v30, v39;
	v12 =	vsub.f32 v22, v43;
	[tilespmem:s6+$0xC200] =	vst v11  }
0x180: {  	v45 =	vand.u32 $0x300, v45;
	v29 =	vld.idx.msk [tilespmem:v29+s31+$0x0], $0xffff;
	v22 =	vadd.f32 v43, v22;
	v44 =	vmul.f32 $5.000000000e-01, v44;
	[tilespmem:s6+$0xF200] =	vst v59  }
0x181: {  	v57 =	vor.u32 v30, v38;
	v40 =	vor.u32 v45, v9;
	v28 =	vld.idx.msk [tilespmem:v28+s31+$0x0], $0xffff;
	v42 =	vmul.f32 $5.000000000e-01, v42;
	[tilespmem:s6+$0xDA00] =	vst v12  }
0x182: {  	s14 =	simm.s32 $0x5;
	v41 =	vor.u32 v23, v40;
	v8 =	vld.idx.msk [tilespmem:v49+s31+$0x0], $0xffff;
	[tilespmem:s6+$0x10A00] =	vst v22;
	v22 =	vsub.f32 v20, v44  }
0x183: {  	[tilespmem:s5+$0xDA00] =	vst v48;
	v10 =	vmov s14;
	v14 =	vmul.f32 $5.000000000e-01, v14;
	v9 =	vsub.f32 v21, v42;
	v50 =	vld.idx.msk [tilespmem:v13+s31+$0x0], $0xffff  }
0x184: {  	v20 =	vadd.f32 v44, v20;
	v12 =	vshll.u32 v10, $0x8;
	v11 =	vld.idx.msk [tilespmem:v60+s31+$0x0], $0xffff;
	v13 =	vshll.u32 v10, $0x7;
	[tilespmem:s20+$0xFFFFFFF0] =	vst v22  }
0x185: {  	v21 =	vadd.f32 v42, v21;
	v60 =	vand.u32 $0x7800, v12;
	v22 =	vld.idx.msk [tilespmem:v61+s31+$0x0], $0xffff;
	v61 =	vand.u32 $0x380, v13;
	[tilespmem:s1+$0xFFFFFFF0] =	vst v9  }
0x186: {  	v45 =	vor.u32 v32, v38;
	v29 =	vmul.f32 $5.000000000e-01, v29;
	v59 =	vld.idx.msk [tilespmem:v63+s31+$0x0], $0xffff;
	v43 =	vor.u32 v61, v60;
	[tilespmem:s0+$0xFFFFFFF0] =	vst v20  }
0x187: {  	v51 =	vsub.f32 v28, v14;
	v49 =	vadd.f32 v14, v28;
	v20 =	vor.u32 v23, v43;
	[tilespmem:s17+$0xFFFFFFF0] =	vst v21  }
0x188: {  	v52 =	vsub.f32 v8, v29;
	v44 =	vld.idx.msk [tilespmem:v41+s31+$0x0], $0xffff;
	v60 =	vor.u32 v25, v43;
	[tilespmem:s18+$0xFFFFFFF0] =	vst v27;
	v28 =	vmul.f32 $5.000000000e-01, v50  }
0x189: {  	[tilespmem:s5+$0xC200] =	vst v53;
	v47 =	vadd.f32 v29, v8;
	v21 =	vor.u32 v24, v43;
	v29 =	vmul.f32 $5.000000000e-01, v11;
	v53 =	vld.idx.msk [tilespmem:v56+s31+$0x0], $0xffff  }
0x18a: {  	[tilespmem:s5+$0xF200] =	vst v19;
	s6 =	sor.u32 $0x60, s4;
	v54 =	vor.u32 v16, v43;
	v48 =	vld.idx.msk [tilespmem:v57+s31+$0x0], $0xffff;
	v63 =	vsub.f32 v22, v28  }
0x18b: {  	v58 =	vor.u32 v34, v39;
	[tilespmem:s6+$0x12480] =	vst v27;
	v46 =	vld.idx.msk [tilespmem:v55+s31+$0x0], $0xffff;
	v19 =	vsub.f32 v59, v29  }
0x18c: {  	v41 =	vor.u32 v34, v38;
	v50 =	vld.idx.msk [tilespmem:v20+s31+$0x0], $0xffff;
	v20 =	vadd.f32 v28, v22;
	[tilespmem:s6+$0xC200] =	vst v63  }
0x18d: {  	v1 =	vmov s15;
	v56 =	vld.idx.msk [tilespmem:v60+s31+$0x0], $0xffff;
	[tilespmem:s6+$0xDA00] =	vst v19;
	v19 =	vadd.f32 v29, v59;
	v59 =	vor.u32 v35, v39  }
0x18e: {  	s15 =	simm.s32 $0x6;
	v0 =	vmov s16;
	v42 =	vor.u32 v35, v38;
	v57 =	vor.u32 v24, v40;
	v55 =	vld.idx.msk [tilespmem:v21+s31+$0x0], $0xffff;
	[tilespmem:s6+$0xF200] =	vst v20  }
.LBB2_7:
0x18f: {  	p0 =	slt.u32 s15, $0x5E;
	v20 =	vor.u32 v25, v40;
	v21 =	vld.idx.msk [tilespmem:v54+s31+$0x0], $0xffff;
	v22 =	vmul.f32 $5.000000000e-01, v53;
	[tilespmem:s6+$0x10A00] =	vst v19  }
0x190: {  	v19 =	vor.u32 v16, v40;
	v48 =	vmul.f32 $5.000000000e-01, v48;
	v53 =	vld.idx.msk [tilespmem:v58+s31+$0x0], $0xffff;
	[tilespmem:s11+$0x10] =	vst v51;
	s11 =	smov.u32 s20  }
0x191: {  	v45 =	vld.idx.msk [tilespmem:v45+s31+$0x0], $0xffff;
	v51 =	vsub.f32 v46, v22;
	v22 =	vadd.f32 v22, v46;
	[tilespmem:s12+$0x10] =	vst v52;
	s12 =	smov.u32 s1  }
0x192: {  	v46 =	vld.idx.msk [tilespmem:v59+s31+$0x0], $0xffff;
	[tilespmem:s13+$0x10] =	vst v49;
	s13 =	smov.u32 s0  }
0x193: {  	v52 =	vmul.f32 $5.000000000e-01, v55;
	v49 =	vld.idx.msk [tilespmem:v57+s31+$0x0], $0xffff;
	[tilespmem:s20+$0x0] =	vst v51  }
0x194: {  	v54 =	vor.u32 v36, v39;
	v51 =	vmul.f32 $5.000000000e-01, v56;
	v20 =	vld.idx.msk [tilespmem:v20+s31+$0x0], $0xffff;
	[tilespmem:s21+$0x10] =	vst v47;
	s21 =	smov.u32 s17  }
0x195: {  	v55 =	vor.u32 v37, v38;
	v56 =	vor.u32 v37, v39;
	v47 =	vsub.f32 v50, v52;
	[tilespmem:s22+$0x10] =	vst v27;
	s22 =	smov.u32 s18  }
0x196: {  	v58 =	vor.u32 v36, v38;
	s20 =	sadd.s32 $0x80, s20;
	v57 =	vsub.f32 v21, v51;
	v53 =	vmul.f32 $5.000000000e-01, v53;
	v19 =	vld.idx.msk [tilespmem:v19+s31+$0x0], $0xffff;
	[tilespmem:s5+$0x12480] =	vst v27  }
0x197: {  	s1 =	sadd.s32 $0x80, s1;
	v38 =	vmovc v40;
	v39 =	vmov v43;
	[tilespmem:s20+$0x20] =	vst v47;
	v47 =	vadd.f32 v52, v50;
	v50 =	vsub.f32 v45, v48  }
0x198: {  	s0 =	sadd.s32 $0x80, s0;
	v40 =	vor.u32 v26, v39;
	v43 =	vadd.f32 v48, v45;
	v45 =	vadd.f32 v53, v46;
	[tilespmem:s1+$0x20] =	vst v57  }
0x199: {  	v21 =	vadd.f32 v51, v21;
	s5 =	sor.u32 $0x70, s4;
	v48 =	vmul.f32 $5.000000000e-01, v49;
	[tilespmem:s0+$0x20] =	vst v47;
	v47 =	vor.u32 v4, v39;
	v49 =	vld.idx.msk [tilespmem:v54+s31+$0x0], $0xffff  }
0x19a: {  	s17 =	sadd.s32 $0x80, s17;
	v51 =	vor.u32 v17, v39;
	v46 =	vsub.f32 v46, v53;
	v20 =	vmul.f32 $5.000000000e-01, v20;
	v52 =	vld.idx.msk [tilespmem:v56+s31+$0x0], $0xffff;
	[tilespmem:s5+$0x10A00] =	vst v45  }
0x19b: {  	s18 =	sadd.s32 $0x80, s18;
	v45 =	vsub.f32 v44, v48;
	[tilespmem:s17+$0x20] =	vst v21;
	v21 =	vor.u32 v18, v39  }
0x19c: {  	v53 =	vsub.f32 v19, v20;
	[tilespmem:s18+$0x20] =	vst v27  }
0x19d: {  	v44 =	vadd.f32 v48, v44;
	[tilespmem:s20+$0xFFFFFFE0] =	vst v45;
	v45 =	vor.u32 v26, v38;
	v40 =	vld.idx.msk [tilespmem:v40+s31+$0x0], $0xffff  }
0x19e: {  	v19 =	vadd.f32 v20, v19;
	v20 =	vor.u32 v4, v38;
	[tilespmem:s1+$0xFFFFFFE0] =	vst v53;
	v47 =	vld.idx.msk [tilespmem:v47+s31+$0x0], $0xffff  }
0x19f: {  	[tilespmem:s0+$0xFFFFFFE0] =	vst v44;
	v44 =	vor.u32 v17, v38;
	v48 =	vld.idx.msk [tilespmem:v51+s31+$0x0], $0xffff  }
0x1a0: {  	v51 =	vmov s15;
	v52 =	vmul.f32 $5.000000000e-01, v52;
	[tilespmem:s17+$0xFFFFFFE0] =	vst v19;
	v19 =	vor.u32 v18, v38;
	v21 =	vld.idx.msk [tilespmem:v21+s31+$0x0], $0xffff  }
0x1a1: {  	v53 =	vshll.u32 v51, $0x8;
	[tilespmem:s18+$0xFFFFFFE0] =	vst v27  }
0x1a2: {  	v51 =	vshll.u32 v51, $0x7;
	v56 =	vadd.f32 v52, v49;
	v45 =	vld.idx.msk [tilespmem:v45+s31+$0x0], $0xffff;
	[tilespmem:s12+$0x0] =	vst v50;
	v50 =	vsub.f32 v49, v52  }
0x1a3: {  	v51 =	vand.u32 $0x300, v51;
	v49 =	vand.u32 $0x7800, v53;
	v52 =	vmul.f32 $5.000000000e-01, v40;
	v20 =	vld.idx.msk [tilespmem:v20+s31+$0x0], $0xffff;
	[tilespmem:s13+$0x0] =	vst v22  }
0x1a4: {  	s4 =	sadd.s32 $0x80, s4;
	v40 =	vor.u32 v51, v49;
	v22 =	vld.idx.msk [tilespmem:v44+s31+$0x0], $0xffff;
	v44 =	vmul.f32 $5.000000000e-01, v47;
	[tilespmem:s21+$0x0] =	vst v43  }
0x1a5: {  	s6 =	sor.u32 $0x50, s4;
	v53 =	vor.u32 v23, v40;
	v43 =	vsub.f32 v48, v52;
	v19 =	vld.idx.msk [tilespmem:v19+s31+$0x0], $0xffff;
	[tilespmem:s22+$0x0] =	vst v27  }
0x1a6: {  	v49 =	vor.u32 v33, v39;
	v47 =	vsub.f32 v21, v44;
	[tilespmem:s6+$0x12480] =	vst v27;
	v51 =	vld.idx.msk [tilespmem:v55+s31+$0x0], $0xffff  }
0x1a7: {  	[tilespmem:s6+$0xC200] =	vst v43;
	v43 =	vadd.f32 v52, v48;
	v48 =	vor.u32 v30, v39;
	v41 =	vld.idx.msk [tilespmem:v41+s31+$0x0], $0xffff  }
0x1a8: {  	v21 =	vadd.f32 v44, v21;
	v44 =	vor.u32 v31, v39;
	[tilespmem:s6+$0xDA00] =	vst v47;
	v47 =	vld.idx.msk [tilespmem:v58+s31+$0x0], $0xffff  }
0x1a9: {  	v52 =	vmul.f32 $5.000000000e-01, v45;
	v20 =	vmul.f32 $5.000000000e-01, v20;
	[tilespmem:s6+$0xF200] =	vst v43;
	v43 =	vor.u32 v32, v39;
	v42 =	vld.idx.msk [tilespmem:v42+s31+$0x0], $0xffff  }
0x1aa: {  	v57 =	vor.u32 v30, v38;
	v54 =	vor.u32 v33, v38;
	v55 =	vor.u32 v31, v38;
	[tilespmem:s6+$0x10A00] =	vst v21  }
0x1ab: {  	v45 =	vor.u32 v32, v38;
	s6 =	sadd.s32 $0x1, s15;
	v21 =	vsub.f32 v22, v52;
	v58 =	vsub.f32 v19, v20;
	v59 =	vld.idx.msk [tilespmem:v49+s31+$0x0], $0xffff  }
0x1ac: {  	v22 =	vadd.f32 v52, v22;
	v19 =	vadd.f32 v20, v19;
	v49 =	vmov s6;
	v20 =	vld.idx.msk [tilespmem:v48+s31+$0x0], $0xffff;
	[tilespmem:s5+$0xC200] =	vst v50  }
0x1ad: {  	v48 =	vshll.u32 v49, $0x8;
	v49 =	vshll.u32 v49, $0x7;
	[tilespmem:s20+$0xFFFFFFF0] =	vst v21;
	v21 =	vld.idx.msk [tilespmem:v44+s31+$0x0], $0xffff;
	v44 =	vmul.f32 $5.000000000e-01, v51  }
0x1ae: {  	v41 =	vmul.f32 $5.000000000e-01, v41;
	v48 =	vand.u32 $0x7800, v48;
	v49 =	vand.u32 $0x380, v49;
	[tilespmem:s1+$0xFFFFFFF0] =	vst v58;
	v60 =	vld.idx.msk [tilespmem:v43+s31+$0x0], $0xffff  }
0x1af: {  	v43 =	vor.u32 v49, v48;
	[tilespmem:s0+$0xFFFFFFF0] =	vst v22;
	v51 =	vsub.f32 v47, v44;
	v49 =	vadd.f32 v44, v47  }
0x1b0: {  	v52 =	vsub.f32 v42, v41;
	v22 =	vor.u32 v23, v43;
	v47 =	vadd.f32 v41, v42;
	[tilespmem:s17+$0xFFFFFFF0] =	vst v19  }
0x1b1: {  	v19 =	vor.u32 v24, v43;
	v42 =	vmul.f32 $5.000000000e-01, v59;
	v44 =	vld.idx.msk [tilespmem:v53+s31+$0x0], $0xffff;
	[tilespmem:s18+$0xFFFFFFF0] =	vst v27  }
0x1b2: {  	v61 =	vor.u32 v25, v43;
	v20 =	vmul.f32 $5.000000000e-01, v20;
	v53 =	vld.idx.msk [tilespmem:v54+s31+$0x0], $0xffff;
	[tilespmem:s5+$0xDA00] =	vst v46  }
.Ltmp5:
0x1b3: {  	s6 =	sor.u32 $0x60, s4;
	v54 =	vor.u32 v16, v43;
	v48 =	vld.idx.msk [tilespmem:v57+s31+$0x0], $0xffff;
	v57 =	vsub.f32 v21, v42;
	[tilespmem:s5+$0xF200] =	vst v56;
	(pc) =	sbr.rel @p0 .LBB2_7-.Ltmp5, $4  }
0x1b4: {  	v58 =	vor.u32 v34, v39;
	v56 =	vsub.f32 v60, v20;
	v46 =	vld.idx.msk [tilespmem:v55+s31+$0x0], $0xffff;
	[tilespmem:s6+$0x12480] =	vst v27  }
0x1b5: {  	v41 =	vor.u32 v34, v38;
	v21 =	vadd.f32 v42, v21;
	v50 =	vld.idx.msk [tilespmem:v22+s31+$0x0], $0xffff;
	[tilespmem:s6+$0xC200] =	vst v57  }
0x1b6: {  	v59 =	vor.u32 v35, v39;
	v55 =	vld.idx.msk [tilespmem:v19+s31+$0x0], $0xffff;
	[tilespmem:s6+$0xDA00] =	vst v56;
	v19 =	vadd.f32 v20, v60  }
0x1b7: {  	s15 =	sadd.s32 $0x2, s15;
	v42 =	vor.u32 v35, v38;
	v57 =	vor.u32 v24, v40;
	v56 =	vld.idx.msk [tilespmem:v61+s31+$0x0], $0xffff;
	[tilespmem:s6+$0xF200] =	vst v21  }
0x1b8: {  	_ =	sdelay $0x2  }
0x1b9: {  	[tilespmem:s6+$0x10A00] =	vst v19  }
0x1ba: {  	v19 =	vor.u32 v25, v40;
	v21 =	vld.idx.msk [tilespmem:v54+s31+$0x0], $0xffff;
	[tilespmem:s11+$0x10] =	vst v51  }
0x1bb: {  	v20 =	vmul.f32 $5.000000000e-01, v53;
	v45 =	vld.idx.msk [tilespmem:v45+s31+$0x0], $0xffff;
	v10 =	vor.u32 v36, v39;
	[tilespmem:s5+$0x12480] =	vst v27  }
0x1bc: {  	v11 =	vld.idx.msk [tilespmem:v57+s31+$0x0], $0xffff;
	v13 =	vor.u32 v37, v39;
	[tilespmem:s12+$0x10] =	vst v52  }
0x1bd: {  	v8 =	vor.u32 v16, v40;
	v22 =	vld.idx.msk [tilespmem:v58+s31+$0x0], $0xffff;
	v63 =	vsub.f32 v46, v20;
	[tilespmem:s13+$0x10] =	vst v49  }
0x1be: {  	v49 =	vld.idx.msk [tilespmem:v59+s31+$0x0], $0xffff;
	v9 =	vmul.f32 $5.000000000e-01, v55;
	[tilespmem:s21+$0x10] =	vst v47  }
0x1bf: {  	[tilespmem:s20+$0x0] =	vst v63;
	v12 =	vmul.f32 $5.000000000e-01, v56;
	v19 =	vld.idx.msk [tilespmem:v19+s31+$0x0], $0xffff  }
0x1c0: {  	s11 =	sor.u32 $0x70, s4;
	[tilespmem:s22+$0x10] =	vst v27;
	v14 =	vsub.f32 v50, v9;
	v51 =	vld.idx.msk [tilespmem:v10+s31+$0x0], $0xffff  }
0x1c1: {  	s6 =	sadd.s32 $0x80, s20;
	v54 =	vmul.f32 $5.000000000e-01, v11;
	v39 =	vld.idx.msk [tilespmem:v13+s31+$0x0], $0xffff;
	[tilespmem:s11+$0x12480] =	vst v27;
	v56 =	vsub.f32 v21, v12  }
0x1c2: {  	s5 =	sadd.s32 $0x80, s1;
	v48 =	vmul.f32 $5.000000000e-01, v48;
	v52 =	vld.idx.msk [tilespmem:v8+s31+$0x0], $0xffff;
	v58 =	vadd.f32 v9, v50;
	[tilespmem:s6+$0x20] =	vst v14  }
0x1c3: {  	s7 =	sadd.s32 $0x80, s0;
	v8 =	vsub.f32 v44, v54;
	[tilespmem:s5+$0x20] =	vst v56  }
0x1c4: {  	v60 =	vor.u32 v26, v43;
	v14 =	vsub.f32 v45, v48;
	[tilespmem:s7+$0x20] =	vst v58  }
0x1c5: {  	v61 =	vor.u32 v4, v43;
	v21 =	vadd.f32 v12, v21;
	[tilespmem:s6+$0xFFFFFFE0] =	vst v8;
	v19 =	vmul.f32 $5.000000000e-01, v19  }
0x1c6: {  	s8 =	sadd.s32 $0x80, s17;
	v63 =	vor.u32 v17, v43;
	[tilespmem:s1+$0x0] =	vst v14  }
0x1c7: {  	s14 =	sadd.s32 $0x80, s18;
	[tilespmem:s8+$0x20] =	vst v21;
	v21 =	vor.u32 v18, v43;
	v9 =	vsub.f32 v52, v19  }
0x1c8: {  	v11 =	vor.u32 v26, v40;
	v10 =	vadd.f32 v54, v44;
	[tilespmem:s14+$0x20] =	vst v27  }
0x1c9: {  	v22 =	vmul.f32 $5.000000000e-01, v22;
	v12 =	vor.u32 v4, v40;
	v53 =	vld.idx.msk [tilespmem:v60+s31+$0x0], $0xffff;
	v19 =	vadd.f32 v19, v52;
	[tilespmem:s5+$0xFFFFFFE0] =	vst v9  }
0x1ca: {  	v13 =	vor.u32 v17, v40;
	v47 =	vld.idx.msk [tilespmem:v61+s31+$0x0], $0xffff;
	[tilespmem:s7+$0xFFFFFFE0] =	vst v10  }
0x1cb: {  	v59 =	vadd.f32 v22, v49;
	v50 =	vld.idx.msk [tilespmem:v63+s31+$0x0], $0xffff;
	[tilespmem:s8+$0xFFFFFFE0] =	vst v19;
	v19 =	vor.u32 v18, v40  }
0x1cc: {  	v20 =	vadd.f32 v20, v46;
	v21 =	vld.idx.msk [tilespmem:v21+s31+$0x0], $0xffff;
	[tilespmem:s14+$0xFFFFFFE0] =	vst v27  }
0x1cd: {  	v45 =	vadd.f32 v48, v45;
	[tilespmem:s11+$0x10A00] =	vst v59;
	v57 =	vld.idx.msk [tilespmem:v11+s31+$0x0], $0xffff  }
0x1ce: {  	[tilespmem:s0+$0x0] =	vst v20;
	v59 =	vmul.f32 $5.000000000e-01, v53;
	v58 =	vld.idx.msk [tilespmem:v12+s31+$0x0], $0xffff  }
0x1cf: {  	s15 =	sadd.s32 $0x80, s4;
	[tilespmem:s17+$0x0] =	vst v45;
	v20 =	vld.idx.msk [tilespmem:v13+s31+$0x0], $0xffff  }
0x1d0: {  	s16 =	sor.u32 $0x50, s15;
	v61 =	vor.u32 v37, v38;
	[tilespmem:s18+$0x0] =	vst v27;
	v60 =	vmul.f32 $5.000000000e-01, v47;
	v63 =	vsub.f32 v50, v59;
	v19 =	vld.idx.msk [tilespmem:v19+s31+$0x0], $0xffff  }
0x1d1: {  	[tilespmem:s16+$0x12480] =	vst v27;
	v11 =	vor.u32 v30, v43;
	v10 =	vadd.f32 v59, v50  }
0x1d2: {  	v9 =	vor.u32 v33, v43;
	v8 =	vsub.f32 v21, v60;
	[tilespmem:s16+$0xC200] =	vst v63;
	v46 =	vmul.f32 $5.000000000e-01, v57  }
0x1d3: {  	v13 =	vor.u32 v32, v43;
	v21 =	vadd.f32 v60, v21;
	[tilespmem:s16+$0xF200] =	vst v10;
	v48 =	vmul.f32 $5.000000000e-01, v58  }
0x1d4: {  	v12 =	vor.u32 v31, v43;
	[tilespmem:s16+$0xDA00] =	vst v8;
	v14 =	vsub.f32 v20, v46  }
0x1d5: {  	v56 =	vor.u32 v36, v38;
	v45 =	vld.idx.msk [tilespmem:v61+s31+$0x0], $0xffff;
	[tilespmem:s16+$0x10A00] =	vst v21;
	v21 =	vsub.f32 v19, v48  }
0x1d6: {  	v57 =	vor.u32 v33, v40;
	v59 =	vld.idx.msk [tilespmem:v11+s31+$0x0], $0xffff;
	v20 =	vadd.f32 v46, v20;
	[tilespmem:s6+$0xFFFFFFF0] =	vst v14  }
0x1d7: {  	v53 =	vld.idx.msk [tilespmem:v9+s31+$0x0], $0xffff;
	v58 =	vor.u32 v30, v40;
	v19 =	vadd.f32 v48, v19;
	[tilespmem:s5+$0xFFFFFFF0] =	vst v21  }
0x1d8: {  	v63 =	vld.idx.msk [tilespmem:v13+s31+$0x0], $0xffff;
	v21 =	vor.u32 v31, v40;
	[tilespmem:s7+$0xFFFFFFF0] =	vst v20  }
0x1d9: {  	v39 =	vmul.f32 $5.000000000e-01, v39;
	v61 =	vor.u32 v32, v40;
	v60 =	vld.idx.msk [tilespmem:v12+s31+$0x0], $0xffff;
	[tilespmem:s8+$0xFFFFFFF0] =	vst v19  }
0x1da: {  	s21 =	sor.u32 $0x60, s15;
	v19 =	vsub.f32 v49, v22;
	v22 =	vld.idx.msk [tilespmem:v56+s31+$0x0], $0xffff;
	[tilespmem:s14+$0xFFFFFFF0] =	vst v27  }
0x1db: {  	[tilespmem:s21+$0x12480] =	vst v27;
	v9 =	vmul.f32 $5.000000000e-01, v59;
	v20 =	vsub.f32 v51, v39;
	v33 =	vld.idx.msk [tilespmem:v57+s31+$0x0], $0xffff  }
0x1dc: {  	v8 =	vadd.f32 v39, v51;
	[tilespmem:s11+$0xDA00] =	vst v19;
	v19 =	vld.idx.msk [tilespmem:v58+s31+$0x0], $0xffff  }
0x1dd: {  	v11 =	vsub.f32 v63, v9;
	[tilespmem:s11+$0xC200] =	vst v20;
	v20 =	vmul.f32 $5.000000000e-01, v53;
	v21 =	vld.idx.msk [tilespmem:v21+s31+$0x0], $0xffff  }
0x1de: {  	[tilespmem:s11+$0xF200] =	vst v8;
	v14 =	vadd.f32 v9, v63;
	v32 =	vld.idx.msk [tilespmem:v61+s31+$0x0], $0xffff  }
0x1df: {  	v45 =	vmul.f32 $5.000000000e-01, v45;
	[tilespmem:s21+$0xDA00] =	vst v11;
	v10 =	vsub.f32 v60, v20  }
0x1e0: {  	v12 =	vld.idx.msk [tilespmem:v41+s31+$0x0], $0xffff;
	v13 =	vor.u32 v34, v43;
	[tilespmem:s21+$0x10A00] =	vst v14;
	v20 =	vadd.f32 v20, v60;
	v33 =	vmul.f32 $5.000000000e-01, v33  }
0x1e1: {  	v48 =	vor.u32 v35, v43;
	[tilespmem:s21+$0xC200] =	vst v10;
	v46 =	vsub.f32 v22, v45;
	v19 =	vmul.f32 $5.000000000e-01, v19  }
0x1e2: {  	v47 =	vld.idx.msk [tilespmem:v42+s31+$0x0], $0xffff;
	[tilespmem:s21+$0xF200] =	vst v20;
	v20 =	vor.u32 v37, v43;
	v49 =	vsub.f32 v21, v33  }
0x1e3: {  	v50 =	vor.u32 v36, v43;
	[tilespmem:s20+$0x10] =	vst v46;
	v51 =	vsub.f32 v32, v19  }
0x1e4: {  	v52 =	vor.u32 v37, v40;
	v21 =	vadd.f32 v33, v21;
	[tilespmem:s6+$0x0] =	vst v49  }
0x1e5: {  	v30 =	vmul.f32 $5.000000000e-01, v12;
	v53 =	vor.u32 v34, v40;
	v31 =	vld.idx.msk [tilespmem:v13+s31+$0x0], $0xffff;
	v19 =	vadd.f32 v19, v32;
	[tilespmem:s5+$0x0] =	vst v51  }
0x1e6: {  	v54 =	vor.u32 v36, v40;
	v56 =	vld.idx.msk [tilespmem:v48+s31+$0x0], $0xffff;
	[tilespmem:s7+$0x0] =	vst v21  }
0x1e7: {  	v55 =	vor.u32 v35, v40;
	v20 =	vld.idx.msk [tilespmem:v20+s31+$0x0], $0xffff;
	v21 =	vsub.f32 v47, v30;
	[tilespmem:s8+$0x0] =	vst v19  }
0x1e8: {  	v19 =	vadd.f32 v45, v22;
	v22 =	vld.idx.msk [tilespmem:v50+s31+$0x0], $0xffff;
	[tilespmem:s14+$0x0] =	vst v27  }
0x1e9: {  	[tilespmem:s1+$0x10] =	vst v21;
	v21 =	vld.idx.msk [tilespmem:v52+s31+$0x0], $0xffff  }
0x1ea: {  	s22 =	sor.u32 $0x70, s15;
	v30 =	vadd.f32 v30, v47;
	[tilespmem:s0+$0x10] =	vst v19;
	v19 =	vmul.f32 $5.000000000e-01, v31;
	v57 =	vld.idx.msk [tilespmem:v53+s31+$0x0], $0xffff  }
0x1eb: {  	[tilespmem:s22+$0x12480] =	vst v27;
	v58 =	vld.idx.msk [tilespmem:v54+s31+$0x0], $0xffff  }
0x1ec: {  	v20 =	vmul.f32 $5.000000000e-01, v20;
	v60 =	vld.idx.msk [tilespmem:v55+s31+$0x0], $0xffff;
	[tilespmem:s17+$0x10] =	vst v30;
	v59 =	vadd.f32 v19, v56  }
0x1ed: {  	[tilespmem:s18+$0x10] =	vst v27;
	v19 =	vsub.f32 v56, v19  }
0x1ee: {  	v61 =	vsub.f32 v22, v20;
	[tilespmem:s22+$0x10A00] =	vst v59;
	v21 =	vmul.f32 $5.000000000e-01, v21  }
0x1ef: {  	v20 =	vadd.f32 v20, v22;
	[tilespmem:s22+$0xDA00] =	vst v19;
	v22 =	vmul.f32 $5.000000000e-01, v57  }
0x1f0: {  	[tilespmem:s22+$0xC200] =	vst v61;
	v63 =	vsub.f32 v58, v21  }
0x1f1: {  	[tilespmem:s22+$0xF200] =	vst v20;
	v19 =	vsub.f32 v60, v22  }
0x1f2: {  	v20 =	vadd.f32 v21, v58;
	[tilespmem:s6+$0x10] =	vst v63  }
0x1f3: {  	v21 =	vadd.f32 v22, v60;
	[tilespmem:s5+$0x10] =	vst v19  }
.Ltmp6:
0x1f4: {  	[tilespmem:s7+$0x10] =	vst v20;
	(pc) =	sbr.rel .LBB2_9-.Ltmp6, $4  }
0x1f5: {  	[tilespmem:s8+$0x10] =	vst v21  }
0x1f6: {  	[tilespmem:s14+$0x10] =	vst v27  }
0x1f7: {  	[tilespmem:$0x1FE80] =	vst v0  }
0x1f8: {  	[tilespmem:$0x1FE90] =	vst v1  }
.LBB2_13:
0x1f9: {  	s31 =	sadd.s32 $0x1, s31  }
0x1fa: {  	p0 =	sne.s32 s31, $0x19  }
.Ltmp7:
0x1fb: {  	_ = 	snop;
	(pc) =	sbr.rel @!p0 .LBB2_14-.Ltmp7, $1  }
0x1fc: {  	_ =	sdelay $0x3  }
.LBB2_9:
0x1fd: {  	s0 =	sshll.u32 s31, $0x2  }
0x1fe: {  	v19 =	vmov s0;
	s1 =	sor.u32 $0x1, s0  }
0x1ff: {  	v19 =	vbroadcast v19, $0x0;
	v20 =	vmov s1  }
0x200: {  	s0 =	sor.u32 $0x2, s0;
	v20 =	vbroadcast v20, $0x0  }
0x201: {  	v21 =	vmov s0  }
0x202: {  	v21 =	vbroadcast v21, $0x0  }
0x203: {  	s21 =	sshllo.u32 s31, $0x2  }
0x204: {  	v22 =	vmov s21  }
0x205: {  	v33 =	vld.idx.msk [tilespmem:v19+s29+$0x0], $0xffff  }
0x206: {  	v32 =	vld.idx.msk [tilespmem:v20+s29+$0x0], $0xffff;
	_ =	sdelay $0x1  }
0x207: {  	v31 =	vld.idx.msk [tilespmem:v21+s29+$0x0], $0xffff  }
0x208: {  	v30 =	vld.idx.msk [tilespmem:v22+s29+$0x0], $0xffff;
	_ =	sdelay $0x1  }
0x209: {  	v34 =	vmul.f32 $6.000000000e+00, v33;
	v35 =	vmul.f32 $6.000000000e+00, v32  }
0x20a: {  	vm2 =	vlt.f32 v33, v0;
	vm4 =	vlt.f32 v32, v0  }
0x20b: {  	v60 =	vmul.f32 $6.000000000e+00, v31;
	vm3 =	vgt.f32 v34, v1;
	vm5 =	vgt.f32 v35, v1  }
0x20c: {  	v61 =	vmul.f32 $6.000000000e+00, v30;
	vm2 =	vmand vm2, vm3;
	vm3 =	vmand vm4, vm5  }
0x20d: {  	vm13 =	vgt.f32 v60, v1;
	vm2 =	vmor vm2, vm3;
	vm3 =	vlt.f32 v31, v0  }
0x20e: {  	vm14 =	vlt.f32 v30, v0;
	vm15 =	vgt.f32 v61, v1;
	vm3 =	vmand vm3, vm13  }
0x20f: {  	vm2 =	vmor vm2, vm3;
	vm3 =	vmand vm14, vm15  }
0x210: {  	vm2 =	vmor vm2, vm3  }
0x211: {  	v63 =	vsel vm2, $0x1, v62  }
0x212: {  	v34 =	vor.u32 $0x80000000, v63  }
0x213: {  	(xrf0) =	vmax.scan.msk.u32 $0xffff, v34;
	_ =	sdelay $0x5  }
0x214: {  	v34, _, _ =	vpop (xrf0)  }
0x215: {  	(v2sf) =	vpush v34, $0xF;
	_ =	sdelay $0x5  }
0x216: {  	v46 =	vld.idx.msk [tilespmem:v22+s24+$0x0], $0xffff  }
0x217: {  	v47 =	vld.idx.msk [tilespmem:v22+s25+$0x0], $0xffff  }
0x218: {  	v48 =	vld.idx.msk [tilespmem:v22+s26+$0x0], $0xffff  }
0x219: {  	v49 =	vld.idx.msk [tilespmem:v22+s28+$0x0], $0xffff  }
0x21a: {  	v36 =	vld.idx.msk [tilespmem:v19+s26+$0x0], $0xffff  }
0x21b: {  	v37 =	vld.idx.msk [tilespmem:v19+s28+$0x0], $0xffff  }
0x21c: {  	v38 =	vld.idx.msk [tilespmem:v20+s24+$0x0], $0xffff  }
0x21d: {  	v39 =	vld.idx.msk [tilespmem:v20+s25+$0x0], $0xffff  }
0x21e: {  	v40 =	vld.idx.msk [tilespmem:v20+s26+$0x0], $0xffff  }
0x21f: {  	v41 =	vld.idx.msk [tilespmem:v20+s28+$0x0], $0xffff;
	s22 =	spop (v2sf)  }
0x220: {  	v42 =	vld.idx.msk [tilespmem:v21+s24+$0x0], $0xffff;
	p0 =	slt.u32 s22, $0x80000001  }
.Ltmp8:
0x221: {  	v43 =	vld.idx.msk [tilespmem:v21+s25+$0x0], $0xffff;
	(pc) =	sbr.rel @p0 .LBB2_13-.Ltmp8, $4  }
0x222: {  	v44 =	vld.idx.msk [tilespmem:v21+s26+$0x0], $0xffff  }
0x223: {  	v45 =	vld.idx.msk [tilespmem:v21+s28+$0x0], $0xffff  }
0x224: {  	v35 =	vld.idx.msk [tilespmem:v19+s25+$0x0], $0xffff  }
0x225: {  	v34 =	vld.idx.msk [tilespmem:v19+s24+$0x0], $0xffff  }
0x226: {  	s4 =	simm.s32 $0xC220  }
0x227: {  	s0 =	simm.s32 $0xDA20;
	v19 =	vld [tilespmem:s4+$0x10]  }
0x228: {  	s1 =	simm.s32 $0xF220;
	v20 =	vld [tilespmem:s0+$0x10]  }
0x229: {  	s11 =	simm.s32 $0x10A20;
	v21 =	vld [tilespmem:s1+$0x10]  }
0x22a: {  	v22 =	vld [tilespmem:s11+$0x10];
	_ =	sdelay $0x3  }
0x22b: {  	v58 =	vld [tilespmem:s1+$0xFFFFFFE0];
	v50 =	vmin.f32 v48, v21  }
0x22c: {  	v62 =	vld [tilespmem:s11+$0xFFFFFFE0];
	v51 =	vmax.f32 v46, v19;
	v52 =	vmin.f32 v49, v22;
	v53 =	vmax.f32 v47, v20  }
0x22d: {  	v54 =	vld [tilespmem:s4+$0xFFFFFFF0];
	v55 =	vmin.f32 v44, v21;
	v56 =	vmax.f32 v42, v19;
	v57 =	vmin.f32 v45, v22  }
0x22e: {  	v59 =	vmin.f32 v40, v21;
	v60 =	vmax.f32 v38, v19;
	v61 =	vmax.f32 v43, v20  }
0x22f: {  	v0 =	vld [tilespmem:s0+$0xFFFFFFE0];
	v21 =	vmin.f32 v36, v21;
	v19 =	vmax.f32 v34, v19;
	v63 =	vmin.f32 v41, v22  }
0x230: {  	v22 =	vmin.f32 v37, v22;
	v12 =	vmax.f32 v35, v20;
	v20 =	vmax.f32 v39, v20  }
0x231: {  	v14 =	vmin.f32 v36, v58;
	v24 =	vmin.f32 v37, v62;
	v50 =	vsub.f32 v50, v51  }
0x232: {  	v25 =	vmax.f32 v34, v54;
	v11 =	vsub.f32 v52, v53;
	v55 =	vsub.f32 v55, v56  }
0x233: {  	v7 =	vmax.f32 v38, v54;
	v52 =	vld [tilespmem:s0+$0xFFFFFFF0];
	v13 =	vsub.f32 v57, v61;
	v19 =	vsub.f32 v21, v19  }
0x234: {  	v57 =	vld [tilespmem:s1+$0xFFFFFFF0];
	v21 =	vsub.f32 v22, v12;
	v59 =	vsub.f32 v59, v60;
	v12 =	vmax.f32 v35, v0  }
0x235: {  	v22 =	vld [tilespmem:s4+$0xFFFFFFE0];
	v20 =	vsub.f32 v63, v20;
	v63 =	vmin.f32 v40, v58;
	v24 =	vsub.f32 v24, v12  }
0x236: {  	v61 =	vld [tilespmem:s11+$0xFFFFFFF0];
	v19 =	vmax.f32 v19, $0.0e+00;
	v21 =	vmax.f32 v21, $0.0e+00;
	v50 =	vmax.f32 v50, $0.0e+00  }
0x237: {  	v56 =	vld [tilespmem:s1+$0x0];
	v20 =	vmax.f32 v20, $0.0e+00;
	v10 =	vmax.f32 v13, $0.0e+00;
	v51 =	vmax.f32 v11, $0.0e+00  }
0x238: {  	v19 =	vmul.f32 v21, v19;
	v21 =	vmax.f32 v59, $0.0e+00;
	v50 =	vmul.f32 v51, v50  }
0x239: {  	s12 =	simm.s32 $0x124A0;
	v24 =	vmax.f32 v24, $0.0e+00;
	v20 =	vmul.f32 v20, v21;
	v21 =	vmax.f32 v55, $0.0e+00  }
0x23a: {  	v9 =	vld [tilespmem:s12+$0x10];
	v19 =	vsub.f32 v19, v33;
	v21 =	vmul.f32 v10, v21;
	v11 =	vmax.f32 v34, v22  }
0x23b: {  	v13 =	vmin.f32 v36, v57;
	v26 =	vmax.f32 v35, v52;
	v1 =	vmin.f32 v40, v57  }
0x23c: {  	v8 =	vmin.f32 v41, v61;
	v10 =	vmin.f32 v40, v56;
	v60 =	vmin.f32 v44, v57  }
0x23d: {  	v51 =	vld [tilespmem:s0+$0x0];
	v15 =	vmax.f32 v43, v52;
	v20 =	vsub.f32 v20, v32;
	v53 =	vsub.f32 v14, v11  }
0x23e: {  	v59 =	vld [tilespmem:s4+$0x0];
	v28 =	vmin.f32 v44, v56;
	v25 =	vsub.f32 v13, v25;
	v7 =	vsub.f32 v1, v7  }
0x23f: {  	v13 =	vmax.f32 v42, v54;
	v54 =	vmax.f32 v46, v54;
	v19 =	vmax.f32 v9, v19  }
0x240: {  	v21 =	vsub.f32 v21, v31;
	v9 =	vmax.f32 v39, v52;
	v13 =	vsub.f32 v60, v13  }
0x241: {  	v55 =	vld [tilespmem:s11+$0x0];
	v60 =	vmin.f32 v49, v61;
	v52 =	vmax.f32 v47, v52;
	v19 =	vmax.f32 v19, v20  }
0x242: {  	v20 =	vsub.f32 v50, v30;
	v14 =	vmax.f32 v35, v51;
	v50 =	vmax.f32 v39, v0  }
0x243: {  	v11 =	vmax.f32 v38, v59;
	v8 =	vsub.f32 v8, v9;
	v9 =	vmax.f32 v42, v22  }
0x244: {  	v29 =	vmax.f32 v42, v59;
	v53 =	vmax.f32 v53, $0.0e+00;
	v1 =	vmax.f32 v43, v51  }
0x245: {  	v25 =	vmax.f32 v25, $0.0e+00;
	v7 =	vmax.f32 v7, $0.0e+00;
	v19 =	vmax.f32 v19, v21  }
0x246: {  	v21 =	vmin.f32 v37, v61;
	v6 =	vmin.f32 v37, v55;
	v12 =	vmin.f32 v41, v55  }
0x247: {  	v10 =	vsub.f32 v10, v11;
	v5 =	vmin.f32 v45, v55;
	v55 =	vmin.f32 v49, v55  }
0x248: {  	v24 =	vmul.f32 v24, v53;
	v2 =	vmax.f32 v19, v20;
	v19 =	vmin.f32 v36, v56  }
0x249: {  	v20 =	vmax.f32 v34, v59;
	v21 =	vsub.f32 v21, v26;
	v26 =	vmax.f32 v38, v22  }
0x24a: {  	v6 =	vsub.f32 v6, v14;
	v14 =	vmax.f32 v39, v51;
	v1 =	vsub.f32 v5, v1  }
0x24b: {  	v5 =	vmin.f32 v49, v62;
	v56 =	vmin.f32 v48, v56;
	v8 =	vmax.f32 v8, $0.0e+00  }
0x24c: {  	v19 =	vsub.f32 v19, v20;
	v20 =	vmin.f32 v41, v62;
	v26 =	vsub.f32 v63, v26  }
0x24d: {  	v63 =	vmin.f32 v44, v58;
	v11 =	vsub.f32 v12, v14;
	v12 =	vmin.f32 v45, v62  }
0x24e: {  	v14 =	vmin.f32 v45, v61;
	v61 =	vmax.f32 v46, v59;
	v10 =	vmax.f32 v10, $0.0e+00  }
0x24f: {  	v7 =	vmul.f32 v8, v7;
	v62 =	vmax.f32 v13, $0.0e+00;
	v20 =	vsub.f32 v20, v50  }
0x250: {  	v50 =	vmax.f32 v43, v0;
	v21 =	vmax.f32 v21, $0.0e+00;
	v9 =	vsub.f32 v63, v9  }
0x251: {  	v6 =	vmax.f32 v6, $0.0e+00;
	v63 =	vmin.f32 v48, v58;
	v14 =	vsub.f32 v14, v15  }
0x252: {  	v15 =	vmax.f32 v46, v22;
	v22 =	vsub.f32 v28, v29;
	v28 =	vmax.f32 v47, v0  }
0x253: {  	v29 =	vmin.f32 v48, v57;
	v8 =	vsub.f32 v56, v61;
	v58 =	vsub.f32 v24, v33  }
0x254: {  	v1 =	vmax.f32 v1, $0.0e+00;
	v19 =	vmax.f32 v19, $0.0e+00;
	v12 =	vsub.f32 v12, v50  }
0x255: {  	v21 =	vmul.f32 v21, v25;
	v25 =	vmax.f32 v47, v51;
	v26 =	vmax.f32 v26, $0.0e+00  }
0x256: {  	v15 =	vsub.f32 v63, v15;
	v5 =	vsub.f32 v5, v28;
	v11 =	vmax.f32 v11, $0.0e+00  }
0x257: {  	v28 =	vsub.f32 v60, v52;
	v61 =	vsub.f32 v7, v32;
	v20 =	vmax.f32 v20, $0.0e+00  }
0x258: {  	v6 =	vmul.f32 v6, v19;
	v25 =	vsub.f32 v55, v25;
	v9 =	vmax.f32 v9, $0.0e+00  }
0x259: {  	v53 =	vmul.f32 v11, v10;
	v63 =	vmax.f32 v14, $0.0e+00;
	v13 =	vmax.f32 v22, $0.0e+00  }
0x25a: {  	v50 =	vld [tilespmem:s12+$0xFFFFFFE0];
	v26 =	vmul.f32 v20, v26;
	v20 =	vsub.f32 v29, v54;
	v12 =	vmax.f32 v12, $0.0e+00  }
0x25b: {  	v52 =	vld [tilespmem:s12+$0xFFFFFFF0];
	v59 =	vsub.f32 v21, v33;
	v56 =	vmul.f32 v63, v62;
	v63 =	vmax.f32 v15, $0.0e+00  }
0x25c: {  	v51 =	vld [tilespmem:s12+$0x0];
	v19 =	vmax.f32 v5, $0.0e+00;
	v54 =	vmul.f32 v1, v13;
	v21 =	vmax.f32 v28, $0.0e+00  }
0x25d: {  	v62 =	vmax.f32 v8, $0.0e+00;
	v55 =	vmul.f32 v12, v9;
	v57 =	vsub.f32 v6, v33  }
0x25e: {  	s5 =	simm.s32 $0xC260;
	s4 =	simm.s32 $0x0;
	[tilespmem:s12+$0x10] =	vst v2;
	v22 =	vmax.f32 v25, $0.0e+00;
	v20 =	vmax.f32 v20, $0.0e+00;
	v60 =	vsub.f32 v26, v32  }
.LBB2_11:
0x25f: {  	v1 =	vld [tilespmem:s5+$0x10];
	v5 =	vmul.f32 v19, v63;
	v6 =	vmul.f32 v21, v20;
	v7 =	vsub.f32 v53, v32;
	s0 =	sadd.s32 $0x40, s0  }
0x260: {  	v9 =	vmax.f32 v50, v58;
	v10 =	vmax.f32 v52, v59;
	v11 =	vmul.f32 v22, v62;
	s1 =	sadd.s32 $0x40, s1;
	v8 =	vld [tilespmem:s0+$0x10]  }
0x261: {  	v13 =	vsub.f32 v55, v31;
	v14 =	vsub.f32 v56, v31;
	v15 =	vmax.f32 v51, v57;
	s11 =	sadd.s32 $0x40, s11;
	v12 =	vld [tilespmem:s1+$0x10]  }
0x262: {  	v20 =	vsub.f32 v54, v31;
	v9 =	vmax.f32 v9, v60;
	v10 =	vmax.f32 v10, v61;
	v19 =	vld [tilespmem:s11+$0x10]  }
0x263: {  	v5 =	vsub.f32 v5, v30;
	v6 =	vsub.f32 v6, v30;
	v7 =	vmax.f32 v15, v7;
	v53 =	vld [tilespmem:s0+$0xFFFFFFE0]  }
0x264: {  	v9 =	vmax.f32 v9, v13;
	v10 =	vmax.f32 v10, v14;
	v11 =	vsub.f32 v11, v30;
	v56 =	vld [tilespmem:s1+$0xFFFFFFE0]  }
0x265: {  	v7 =	vmax.f32 v7, v20;
	v5 =	vmax.f32 v9, v5;
	v6 =	vmax.f32 v10, v6;
	v54 =	vld [tilespmem:s11+$0xFFFFFFE0]  }
0x266: {  	v55 =	vld [tilespmem:s5+$0xFFFFFFF0];
	v9 =	vmin.f32 v48, v12;
	[tilespmem:s12+$0xFFFFFFE0] =	vst v5;
	v5 =	vmax.f32 v7, v11  }
0x267: {  	s4 =	sadd.s32 $0x4, s4;
	v7 =	vmax.f32 v46, v1;
	v11 =	vmax.f32 v47, v8;
	v57 =	vld [tilespmem:s0+$0xFFFFFFF0];
	v10 =	vmin.f32 v49, v19;
	[tilespmem:s12+$0xFFFFFFF0] =	vst v6  }
0x268: {  	p0 =	slt.u32 s4, $0x17C;
	v13 =	vmax.f32 v42, v1;
	v6 =	vmin.f32 v44, v12;
	v14 =	vmin.f32 v45, v19;
	v58 =	vld [tilespmem:s1+$0xFFFFFFF0];
	[tilespmem:s12+$0x0] =	vst v5  }
0x269: {  	v15 =	vmax.f32 v38, v1;
	v20 =	vmax.f32 v43, v8;
	v5 =	vmin.f32 v40, v12;
	v59 =	vld [tilespmem:s11+$0xFFFFFFF0]  }
0x26a: {  	v1 =	vmax.f32 v34, v1;
	v21 =	vmin.f32 v41, v19;
	v12 =	vmin.f32 v36, v12;
	v60 =	vld [tilespmem:s5+$0x0]  }
0x26b: {  	v19 =	vmin.f32 v37, v19;
	v7 =	vsub.f32 v9, v7;
	v9 =	vsub.f32 v10, v11;
	v61 =	vld [tilespmem:s0+$0x0]  }
0x26c: {  	v10 =	vmax.f32 v35, v8;
	v6 =	vsub.f32 v6, v13;
	v11 =	vsub.f32 v14, v20;
	v62 =	vld [tilespmem:s1+$0x0]  }
0x26d: {  	v8 =	vmax.f32 v39, v8;
	v1 =	vsub.f32 v12, v1;
	v10 =	vsub.f32 v19, v10;
	v63 =	vld [tilespmem:s11+$0x0]  }
0x26e: {  	s12 =	sadd.s32 $0x40, s12;
	v13 =	vmin.f32 v36, v56;
	v5 =	vsub.f32 v5, v15;
	v8 =	vsub.f32 v21, v8;
	v12 =	vld [tilespmem:s5+$0xFFFFFFE0]  }
0x26f: {  	v7 =	vmax.f32 v7, $0.0e+00;
	v1 =	vmax.f32 v1, $0.0e+00;
	v10 =	vmax.f32 v10, $0.0e+00;
	v14 =	vld [tilespmem:s12+$0x10]  }
0x270: {  	v5 =	vmax.f32 v5, $0.0e+00;
	v8 =	vmax.f32 v8, $0.0e+00;
	v1 =	vmul.f32 v10, v1;
	v50 =	vld [tilespmem:s12+$0xFFFFFFE0]  }
0x271: {  	v6 =	vmax.f32 v6, $0.0e+00;
	v5 =	vmul.f32 v8, v5;
	v8 =	vmax.f32 v11, $0.0e+00;
	v52 =	vld [tilespmem:s12+$0xFFFFFFF0]  }
0x272: {  	v6 =	vmul.f32 v8, v6;
	v8 =	vmax.f32 v9, $0.0e+00;
	v1 =	vsub.f32 v1, v33;
	v51 =	vld [tilespmem:s12+$0x0]  }
0x273: {  	v5 =	vsub.f32 v5, v32;
	v7 =	vmul.f32 v8, v7;
	v9 =	vmax.f32 v34, v12  }
0x274: {  	v8 =	vmin.f32 v37, v54;
	v6 =	vsub.f32 v6, v31;
	v1 =	vmax.f32 v14, v1  }
0x275: {  	v10 =	vmax.f32 v35, v53;
	v1 =	vmax.f32 v1, v5;
	v5 =	vsub.f32 v7, v30  }
0x276: {  	v11 =	vmax.f32 v34, v55;
	v7 =	vmin.f32 v36, v58;
	v1 =	vmax.f32 v1, v6  }
0x277: {  	v14 =	vmax.f32 v35, v57;
	v6 =	vmin.f32 v37, v59;
	v1 =	vmax.f32 v1, v5  }
0x278: {  	v15 =	vmax.f32 v34, v60;
	v19 =	vmin.f32 v37, v63;
	v5 =	vmin.f32 v36, v62;
	[tilespmem:s12+$0x10] =	vst v1  }
0x279: {  	v8 =	vsub.f32 v8, v10;
	v1 =	vsub.f32 v13, v9;
	v9 =	vmax.f32 v35, v61  }
0x27a: {  	v10 =	vmin.f32 v40, v56;
	v7 =	vsub.f32 v7, v11;
	v6 =	vsub.f32 v6, v14  }
0x27b: {  	v11 =	vmax.f32 v38, v12;
	v5 =	vsub.f32 v5, v15;
	v9 =	vsub.f32 v19, v9  }
0x27c: {  	v14 =	vmax.f32 v39, v53;
	v13 =	vmin.f32 v41, v54;
	v15 =	vmin.f32 v40, v58  }
0x27d: {  	v21 =	vmax.f32 v39, v57;
	v20 =	vmin.f32 v41, v59;
	v19 =	vmax.f32 v38, v55  }
0x27e: {  	v24 =	vmax.f32 v38, v60;
	v22 =	vmin.f32 v40, v62;
	v25 =	vmin.f32 v41, v63  }
0x27f: {  	v10 =	vsub.f32 v10, v11;
	v11 =	vsub.f32 v13, v14;
	v13 =	vmax.f32 v39, v61  }
0x280: {  	v14 =	vmin.f32 v44, v56;
	v15 =	vsub.f32 v15, v19;
	v19 =	vsub.f32 v20, v21  }
0x281: {  	v20 =	vmax.f32 v42, v12;
	v21 =	vsub.f32 v22, v24;
	v13 =	vsub.f32 v25, v13  }
0x282: {  	v22 =	vmin.f32 v45, v54;
	v24 =	vmax.f32 v43, v53;
	v25 =	vmin.f32 v44, v58  }
0x283: {  	v26 =	vmax.f32 v42, v55;
	v29 =	vmax.f32 v43, v57;
	v28 =	vmin.f32 v45, v59  }
0x284: {  	v2 =	vmax.f32 v42, v60;
	v23 =	vmin.f32 v44, v62;
	v0 =	vmin.f32 v45, v63  }
0x285: {  	v3 =	vmax.f32 v43, v61;
	v8 =	vmax.f32 v8, $0.0e+00;
	v1 =	vmax.f32 v1, $0.0e+00  }
0x286: {  	v7 =	vmax.f32 v7, $0.0e+00;
	v6 =	vmax.f32 v6, $0.0e+00;
	v5 =	vmax.f32 v5, $0.0e+00  }
0x287: {  	v14 =	vsub.f32 v14, v20;
	v20 =	vsub.f32 v22, v24;
	v9 =	vmax.f32 v9, $0.0e+00  }
0x288: {  	v22 =	vmin.f32 v48, v56;
	v24 =	vsub.f32 v25, v26;
	v25 =	vsub.f32 v28, v29  }
0x289: {  	v2 =	vsub.f32 v23, v2;
	v0 =	vsub.f32 v0, v3;
	v12 =	vmax.f32 v46, v12  }
0x28a: {  	v23 =	vmax.f32 v47, v53;
	v3 =	vmin.f32 v49, v54;
	v26 =	vmin.f32 v48, v58  }
0x28b: {  	v53 =	vmax.f32 v47, v57;
	v28 =	vmax.f32 v46, v55;
	v29 =	vmin.f32 v49, v59  }
0x28c: {  	v54 =	vmin.f32 v48, v62;
	v55 =	vmax.f32 v46, v60;
	v56 =	vmin.f32 v49, v63  }
0x28d: {  	v6 =	vmul.f32 v6, v7;
	v7 =	vmax.f32 v47, v61;
	v1 =	vmul.f32 v8, v1  }
0x28e: {  	v8 =	vmax.f32 v10, $0.0e+00;
	v10 =	vmax.f32 v11, $0.0e+00;
	v5 =	vmul.f32 v9, v5  }
0x28f: {  	v9 =	vmax.f32 v15, $0.0e+00;
	v11 =	vmax.f32 v19, $0.0e+00;
	v15 =	vmax.f32 v21, $0.0e+00  }
0x290: {  	v3 =	vsub.f32 v3, v23;
	v12 =	vsub.f32 v22, v12;
	v13 =	vmax.f32 v13, $0.0e+00  }
0x291: {  	v8 =	vmul.f32 v10, v8;
	v10 =	vsub.f32 v26, v28;
	v21 =	vsub.f32 v29, v53  }
0x292: {  	v7 =	vsub.f32 v56, v7;
	v9 =	vmul.f32 v11, v9;
	v11 =	vsub.f32 v54, v55  }
0x293: {  	v14 =	vmax.f32 v14, $0.0e+00;
	v19 =	vmax.f32 v20, $0.0e+00;
	v53 =	vmul.f32 v13, v15  }
0x294: {  	v2 =	vmax.f32 v2, $0.0e+00;
	v13 =	vmax.f32 v24, $0.0e+00;
	v15 =	vmax.f32 v25, $0.0e+00  }
.Ltmp9:
0x295: {  	v0 =	vmax.f32 v0, $0.0e+00;
	v59 =	vsub.f32 v6, v33;
	v58 =	vsub.f32 v1, v33;
	(pc) =	sbr.rel @p0 .LBB2_11-.Ltmp9, $4  }
0x296: {  	v55 =	vmul.f32 v19, v14;
	v56 =	vmul.f32 v15, v13;
	v57 =	vsub.f32 v5, v33  }
0x297: {  	v54 =	vmul.f32 v0, v2;
	v63 =	vmax.f32 v12, $0.0e+00;
	v19 =	vmax.f32 v3, $0.0e+00  }
0x298: {  	v20 =	vmax.f32 v10, $0.0e+00;
	v21 =	vmax.f32 v21, $0.0e+00;
	v62 =	vmax.f32 v11, $0.0e+00  }
0x299: {  	s5 =	sadd.s32 $0x40, s5;
	v60 =	vsub.f32 v8, v32;
	v22 =	vmax.f32 v7, $0.0e+00;
	v61 =	vsub.f32 v9, v32  }
0x29a: {  	v0 =	vmul.f32 v19, v63  }
0x29b: {  	v1 =	vmul.f32 v21, v20;
	v2 =	vsub.f32 v53, v32;
	v3 =	vmax.f32 v50, v58  }
0x29c: {  	v5 =	vmax.f32 v52, v59;
	v6 =	vmul.f32 v22, v62;
	v7 =	vsub.f32 v55, v31  }
0x29d: {  	v8 =	vsub.f32 v56, v31;
	v9 =	vmax.f32 v51, v57;
	v10 =	vsub.f32 v54, v31  }
0x29e: {  	v3 =	vmax.f32 v3, v60;
	v5 =	vmax.f32 v5, v61;
	v0 =	vsub.f32 v0, v30  }
0x29f: {  	v1 =	vsub.f32 v1, v30;
	v2 =	vmax.f32 v9, v2;
	v3 =	vmax.f32 v3, v7  }
0x2a0: {  	v5 =	vmax.f32 v5, v8;
	v6 =	vsub.f32 v6, v30;
	v0 =	vmax.f32 v3, v0  }
0x2a1: {  	v2 =	vmax.f32 v2, v10;
	v1 =	vmax.f32 v5, v1;
	[tilespmem:s12+$0xFFFFFFE0] =	vst v0  }
0x2a2: {  	v0 =	vmax.f32 v2, v6;
	[tilespmem:s12+$0xFFFFFFF0] =	vst v1  }
0x2a3: {  	[tilespmem:s12+$0x0] =	vst v0  }
0x2a4: {  	v23 =	vld [tilespmem:$0x1FF20]  }
.Ltmp10:
0x2a5: {  	v25 =	vld [tilespmem:$0x1FF40];
	(pc) =	sbr.rel .LBB2_13-.Ltmp10, $4  }
0x2a6: {  	v24 =	vld [tilespmem:$0x1FF30]  }
0x2a7: {  	v26 =	vld [tilespmem:$0x1FF50]  }
0x2a8: {  	v0 =	vld [tilespmem:$0x1FE80]  }
0x2a9: {  	v62 =	vimm.s32 $0x0;
	v1 =	vld [tilespmem:$0x1FE90]  }
.LBB2_14:
0x2aa: {  	s20 =	simm.s32 $0xF220  }
0x2ab: {  	s18 =	simm.s32 $0xC220;
	v0 =	vld [tilespmem:s20+$0x20]  }
0x2ac: {  	s8 =	simm.s32 $0x10A20;
	v1 =	vld [tilespmem:s18+$0x20]  }
0x2ad: {  	s7 =	simm.s32 $0xDA20;
	v2 =	vld [tilespmem:s8+$0x20]  }
0x2ae: {  	v3 =	vld [tilespmem:s7+$0x20];
	_ =	sdelay $0x4  }
0x2af: {  	s6 =	simm.s32 $0x124A0;
	v0 =	vsub.f32 v0, v1;
	v32 =	vsub.f32 v2, v3  }
0x2b0: {  	s1 =	simm.s32 $0x6280;
	v33 =	vld [tilespmem:s6+$0x20]  }
0x2b1: {  	v34 =	vld [tilespmem:s1+$0x0];
	v0 =	vmul.f32 v32, v0  }
0x2b2: {  	v5 =	vld [tilespmem:s8+$0xFFFFFFE0]  }
0x2b3: {  	v6 =	vld [tilespmem:s7+$0xFFFFFFE0];
	v0 =	vmul.f32 $3.333333430e-01, v0  }
0x2b4: {  	v7 =	vld [tilespmem:s20+$0xFFFFFFE0]  }
0x2b5: {  	v3 =	vld [tilespmem:s18+$0xFFFFFFE0];
	vm2 =	vgt.f32 v33, v0  }
0x2b6: {  	s13 =	simm.s32 $0x40;
	s0 =	simm.s32 $0x9280;
	v0 =	vsel vm2, $0x0, v34  }
0x2b7: {  	v35 =	vld [tilespmem:s6+$0xFFFFFFE0];
	s4 =	sor.u32 $0x50, s13;
	[tilespmem:s0+$0x0] =	vst v0  }
0x2b8: {  	v0 =	vld [tilespmem:s4+$0xF200]  }
0x2b9: {  	v36 =	vld [tilespmem:s4+$0xC200]  }
0x2ba: {  	v5 =	vsub.f32 v5, v6;
	v3 =	vsub.f32 v7, v3;
	v6 =	vld [tilespmem:s4+$0x10A00]  }
0x2bb: {  	v7 =	vld [tilespmem:s4+$0xDA00]  }
0x2bc: {  	v8 =	vld [tilespmem:s1+$0xFFFFFF80];
	v3 =	vmul.f32 v5, v3;
	_ =	sdelay $0x1  }
0x2bd: {  	v3 =	vmul.f32 $3.333333430e-01, v3;
	_ =	sdelay $0x1  }
0x2be: {  	vm2 =	vgt.f32 v35, v3;
	v0 =	vsub.f32 v0, v36;
	v37 =	vsub.f32 v6, v7  }
0x2bf: {  	v3 =	vld [tilespmem:s4+$0x12480];
	v38 =	vsel vm2, $0x0, v8  }
0x2c0: {  	v39 =	vld [tilespmem:s1+$0x10];
	[tilespmem:s0+$0xFFFFFF80] =	vst v38;
	v0 =	vmul.f32 v37, v0  }
0x2c1: {  	v2 =	vld [tilespmem:s20+$0xFFFFFFF0]  }
0x2c2: {  	v5 =	vld [tilespmem:s18+$0xFFFFFFF0];
	v0 =	vmul.f32 $3.333333430e-01, v0  }
0x2c3: {  	v6 =	vld [tilespmem:s8+$0xFFFFFFF0]  }
0x2c4: {  	v7 =	vld [tilespmem:s7+$0xFFFFFFF0];
	vm2 =	vgt.f32 v3, v0  }
0x2c5: {  	s11 =	simm.s32 $0x10AA0;
	v0 =	vsel vm2, $0x0, v39  }
0x2c6: {  	s21 =	sor.u32 $0x60, s13;
	v44 =	vld [tilespmem:s11+$0x20];
	[tilespmem:s0+$0x10] =	vst v0  }
0x2c7: {  	v0 =	vld [tilespmem:s21+$0xF200]  }
0x2c8: {  	v3 =	vld [tilespmem:s21+$0xC200]  }
0x2c9: {  	v2 =	vsub.f32 v2, v5;
	v5 =	vsub.f32 v6, v7;
	v6 =	vld [tilespmem:s21+$0x10A00]  }
0x2ca: {  	s5 =	simm.s32 $0xC2A0;
	v7 =	vld [tilespmem:s21+$0xDA00]  }
0x2cb: {  	s12 =	simm.s32 $0xDAA0;
	v11 =	vld [tilespmem:s5+$0xFFFFFFE0]  }
0x2cc: {  	s15 =	sor.u32 $0x70, s13;
	s13 =	simm.s32 $0x12520;
	v12 =	vld [tilespmem:s12+$0xFFFFFFE0]  }
0x2cd: {  	v46 =	vld [tilespmem:s13+$0xFFFFFFE0]  }
0x2ce: {  	v40 =	vld [tilespmem:s6+$0xFFFFFFF0]  }
0x2cf: {  	v41 =	vld [tilespmem:s1+$0xFFFFFF90];
	v2 =	vmul.f32 v5, v2;
	v0 =	vsub.f32 v0, v3;
	v42 =	vsub.f32 v6, v7  }
0x2d0: {  	s4 =	simm.s32 $0xF2A0;
	v3 =	vld [tilespmem:s21+$0x12480]  }
0x2d1: {  	v13 =	vld [tilespmem:s4+$0xFFFFFFE0];
	v2 =	vmul.f32 $3.333333430e-01, v2;
	v0 =	vmul.f32 v42, v0  }
0x2d2: {  	v43 =	vld [tilespmem:s1+$0x20]  }
0x2d3: {  	vm2 =	vgt.f32 v40, v2;
	v6 =	vld [tilespmem:s4+$0x20];
	v0 =	vmul.f32 $3.333333430e-01, v0  }
0x2d4: {  	v2 =	vsel vm2, $0x0, v41;
	v7 =	vld [tilespmem:s5+$0x20]  }
0x2d5: {  	[tilespmem:s0+$0xFFFFFF90] =	vst v2;
	vm2 =	vgt.f32 v3, v0;
	v3 =	vld [tilespmem:s12+$0x20]  }
0x2d6: {  	v2 =	vld [tilespmem:s20+$0x0]  }
0x2d7: {  	v5 =	vld [tilespmem:s18+$0x0]  }
0x2d8: {  	v19 =	vld [tilespmem:s8+$0x0]  }
0x2d9: {  	v20 =	vld [tilespmem:s7+$0x0]  }
0x2da: {  	v6 =	vsub.f32 v6, v7;
	v7 =	vld [tilespmem:s11+$0xFFFFFFE0];
	v0 =	vsub.f32 v44, v3  }
0x2db: {  	s16 =	simm.s32 $0x6380;
	v1 =	vsel vm2, $0x0, v43;
	v3 =	vld [tilespmem:s13+$0x20]  }
0x2dc: {  	[tilespmem:s0+$0x20] =	vst v1;
	v0 =	vmul.f32 v0, v6;
	v6 =	vld [tilespmem:s16+$0x0]  }
0x2dd: {  	v1 =	vld [tilespmem:s15+$0xF200]  }
0x2de: {  	v45 =	vld [tilespmem:s15+$0xC200];
	v0 =	vmul.f32 $3.333333430e-01, v0  }
0x2df: {  	v9 =	vld [tilespmem:s15+$0x10A00]  }
0x2e0: {  	v10 =	vld [tilespmem:s15+$0xDA00];
	vm2 =	vgt.f32 v3, v0  }
0x2e1: {  	s17 =	simm.s32 $0x9380;
	v14 =	vld [tilespmem:s15+$0x12480];
	s15 =	simm.s32 $0xC0;
	v3 =	vsel vm2, $0x0, v6  }
0x2e2: {  	s21 =	sor.u32 $0x50, s15;
	v6 =	vld [tilespmem:s16+$0xFFFFFF80];
	[tilespmem:s17+$0x0] =	vst v3  }
0x2e3: {  	v3 =	vld [tilespmem:s21+$0xF200]  }
0x2e4: {  	v11 =	vsub.f32 v13, v11;
	v7 =	vsub.f32 v7, v12;
	v47 =	vld [tilespmem:s21+$0xC200]  }
0x2e5: {  	v48 =	vld [tilespmem:s21+$0x10A00]  }
0x2e6: {  	v7 =	vmul.f32 v7, v11;
	v15 =	vld [tilespmem:s21+$0xDA00];
	_ =	sdelay $0x1  }
0x2e7: {  	v2 =	vsub.f32 v2, v5;
	v5 =	vsub.f32 v19, v20;
	v7 =	vmul.f32 $3.333333430e-01, v7  }
0x2e8: {  	v50 =	vld [tilespmem:s6+$0x0]  }
0x2e9: {  	v2 =	vmul.f32 v5, v2;
	v5 =	vld [tilespmem:s1+$0xFFFFFFA0];
	vm2 =	vgt.f32 v46, v7  }
0x2ea: {  	v51 =	vld [tilespmem:s21+$0x12480];
	v6 =	vsel vm2, $0x0, v6;
	v3 =	vsub.f32 v3, v47;
	v7 =	vsub.f32 v48, v15  }
0x2eb: {  	[tilespmem:s17+$0xFFFFFF80] =	vst v6;
	v6 =	vld [tilespmem:s16+$0x10]  }
0x2ec: {  	v52 =	vld [tilespmem:s5+$0xFFFFFFF0];
	v3 =	vmul.f32 v7, v3  }
0x2ed: {  	v15 =	vld [tilespmem:s11+$0xFFFFFFF0]  }
0x2ee: {  	v19 =	vld [tilespmem:s12+$0xFFFFFFF0];
	v3 =	vmul.f32 $3.333333430e-01, v3  }
0x2ef: {  	v7 =	vld [tilespmem:s4+$0xFFFFFFF0]  }
0x2f0: {  	v49 =	vld [tilespmem:s1+$0x30];
	vm2 =	vgt.f32 v51, v3  }
0x2f1: {  	v53 =	vld [tilespmem:s16+$0xFFFFFF90];
	v6 =	vsel vm2, $0x0, v6  }
0x2f2: {  	v2 =	vmul.f32 $3.333333430e-01, v2;
	s22 =	sor.u32 $0x60, s15;
	v3 =	vld [tilespmem:s13+$0xFFFFFFF0];
	[tilespmem:s17+$0x10] =	vst v6  }
0x2f3: {  	v6 =	vld [tilespmem:s22+$0xF200]  }
0x2f4: {  	v55 =	vsub.f32 v15, v19;
	vm2 =	vgt.f32 v50, v2;
	v54 =	vsub.f32 v7, v52;
	v7 =	vld [tilespmem:s22+$0xC200]  }
0x2f5: {  	v5 =	vsel vm2, $0x0, v5;
	v56 =	vld [tilespmem:s22+$0x10A00]  }
0x2f6: {  	[tilespmem:s0+$0xFFFFFFA0] =	vst v5;
	v0 =	vmul.f32 v55, v54;
	v57 =	vld [tilespmem:s22+$0xDA00]  }
0x2f7: {  	v1 =	vsub.f32 v1, v45;
	v5 =	vsub.f32 v9, v10;
	v58 =	vld [tilespmem:s20+$0x10]  }
0x2f8: {  	v59 =	vld [tilespmem:s18+$0x10];
	v0 =	vmul.f32 $3.333333430e-01, v0  }
0x2f9: {  	v60 =	vld [tilespmem:s7+$0x10];
	v1 =	vmul.f32 v5, v1  }
0x2fa: {  	v5 =	vld [tilespmem:s8+$0x10];
	vm2 =	vgt.f32 v3, v0  }
0x2fb: {  	v30 =	vld [tilespmem:s22+$0x12480];
	v1 =	vmul.f32 $3.333333430e-01, v1;
	v3 =	vsub.f32 v6, v7;
	v2 =	vsub.f32 v56, v57  }
0x2fc: {  	s14 =	smov.u32 s10;
	v32 =	vld [tilespmem:s16+$0x20];
	v6 =	vsel vm2, $0x0, v53  }
0x2fd: {  	s10 =	smov.u32 s9;
	s31 =	simm.s32 $0xDAA0;
	s21 =	simm.s32 $0x12520;
	v28 =	vld [tilespmem:s6+$0x10];
	vm2 =	vgt.f32 v14, v1;
	[tilespmem:s17+$0xFFFFFF90] =	vst v6;
	v61 =	vmul.f32 v2, v3  }
0x2fe: {  	s22 =	simm.s32 $0x10AA0;
	s7 =	simm.s32 $0x2;
	s20 =	simm.s32 $0x6380;
	v63 =	vsel vm2, $0x0, v49;
	v33 =	vld [tilespmem:s4+$0x0]  }
0x2ff: {  	s18 =	simm.s32 $0x9380;
	s6 =	simm.s32 $0xC2A0;
	s8 =	simm.s32 $0xF320;
	v29 =	vsub.f32 v58, v59;
	v34 =	vld [tilespmem:s5+$0x0];
	v31 =	vsub.f32 v5, v60;
	[tilespmem:s0+$0x30] =	vst v63;
	v19 =	vmul.f32 $3.333333430e-01, v61  }
.LBB2_15:
0x300: {  	v0 =	vld [tilespmem:s8+$0x20];
	s5 =	sadd.s32 $0x80, s5  }
0x301: {  	s11 =	sadd.s32 $0x80, s11;
	v1 =	vld [tilespmem:s5+$0x20];
	vm2 =	vgt.f32 v30, v19;
	v2 =	vmul.f32 v31, v29  }
0x302: {  	s12 =	sadd.s32 $0x80, s12;
	v3 =	vld [tilespmem:s11+$0x20];
	v5 =	vsel vm2, $0x0, v32  }
0x303: {  	s9 =	sor.u32 $0x70, s15;
	v6 =	vld [tilespmem:s12+$0x20];
	[tilespmem:s17+$0x20] =	vst v5;
	v2 =	vmul.f32 $3.333333430e-01, v2  }
0x304: {  	v5 =	vsub.f32 v33, v34;
	v7 =	vld [tilespmem:s9+$0xF200]  }
0x305: {  	v8 =	vld [tilespmem:s9+$0xC200];
	vm2 =	vgt.f32 v28, v2  }
0x306: {  	v2 =	vld [tilespmem:s9+$0x10A00]  }
0x307: {  	v9 =	vld [tilespmem:s9+$0xDA00]  }
0x308: {  	v10 =	vld [tilespmem:s5+$0xFFFFFFE0]  }
0x309: {  	s13 =	sadd.s32 $0x80, s13;
	v0 =	vsub.f32 v0, v1;
	v1 =	vsub.f32 v3, v6;
	v11 =	vld [tilespmem:s11+$0xFFFFFFE0]  }
0x30a: {  	s16 =	sadd.s32 $0x100, s16;
	v3 =	vld [tilespmem:s13+$0x20]  }
0x30b: {  	v0 =	vmul.f32 v1, v0;
	v1 =	vld [tilespmem:s16+$0x0]  }
0x30c: {  	v7 =	vsub.f32 v7, v8;
	v6 =	vld [tilespmem:s12+$0xFFFFFFE0];
	v2 =	vsub.f32 v2, v9  }
0x30d: {  	s7 =	sadd.s32 $0x2, s7;
	v0 =	vmul.f32 $3.333333430e-01, v0;
	v8 =	vld [tilespmem:s9+$0x12480]  }
0x30e: {  	p0 =	slt.u32 s7, $0x5E;
	v2 =	vmul.f32 v2, v7;
	v7 =	vld [tilespmem:s20+$0x30]  }
0x30f: {  	v9 =	vld [tilespmem:s8+$0xFFFFFFE0];
	vm3 =	vgt.f32 v3, v0  }
0x310: {  	s15 =	sadd.s32 $0x80, s15;
	s17 =	sadd.s32 $0x100, s17;
	v0 =	vld [tilespmem:s13+$0xFFFFFFE0];
	v1 =	vsel vm3, $0x0, v1;
	v2 =	vmul.f32 $3.333333430e-01, v2  }
0x311: {  	s9 =	sor.u32 $0x50, s15;
	v3 =	vsub.f32 v11, v6;
	v6 =	vld [tilespmem:s16+$0xFFFFFF80];
	[tilespmem:s17+$0x0] =	vst v1  }
0x312: {  	v1 =	vld [tilespmem:s9+$0xF200];
	vm3 =	vgt.f32 v8, v2  }
0x313: {  	v2 =	vld [tilespmem:s9+$0xC200];
	v7 =	vsel vm3, $0x0, v7  }
0x314: {  	v8 =	vsub.f32 v9, v10;
	v9 =	vld [tilespmem:s9+$0x10A00];
	[tilespmem:s18+$0x30] =	vst v7  }
0x315: {  	v7 =	vld [tilespmem:s9+$0xDA00]  }
0x316: {  	v3 =	vmul.f32 v3, v8;
	v8 =	vld [tilespmem:s22+$0x0]  }
0x317: {  	v10 =	vld [tilespmem:s31+$0x0]  }
0x318: {  	v3 =	vmul.f32 $3.333333430e-01, v3;
	v11 =	vld [tilespmem:s21+$0x0]  }
0x319: {  	v12 =	vld [tilespmem:s20+$0xFFFFFFA0]  }
0x31a: {  	vm3 =	vgt.f32 v0, v3;
	v0 =	vsub.f32 v1, v2;
	v1 =	vsub.f32 v9, v7;
	v2 =	vld [tilespmem:s1+$0xFFFFFFB0];
	s1 =	smov.u32 s20;
	s20 =	smov.u32 s16  }
0x31b: {  	v3 =	vsel vm3, $0x0, v6;
	v6 =	vld [tilespmem:s9+$0x12480]  }
0x31c: {  	[tilespmem:s17+$0xFFFFFF80] =	vst v3;
	v0 =	vmul.f32 v1, v0;
	v1 =	vld [tilespmem:s16+$0x10];
	v3 =	vsub.f32 v8, v10  }
0x31d: {  	v7 =	vld [tilespmem:s8+$0xFFFFFFF0]  }
0x31e: {  	v8 =	vld [tilespmem:s5+$0xFFFFFFF0];
	v0 =	vmul.f32 $3.333333430e-01, v0;
	v3 =	vmul.f32 v3, v5  }
0x31f: {  	v5 =	vld [tilespmem:s11+$0xFFFFFFF0];
	v2 =	vsel vm2, $0x0, v2  }
0x320: {  	v9 =	vld [tilespmem:s12+$0xFFFFFFF0];
	vm2 =	vgt.f32 v6, v0;
	v0 =	vmul.f32 $3.333333430e-01, v3;
	[tilespmem:s0+$0xFFFFFFB0] =	vst v2;
	s0 =	smov.u32 s18;
	s18 =	smov.u32 s17  }
0x321: {  	v2 =	vld [tilespmem:s13+$0xFFFFFFF0];
	v1 =	vsel vm2, $0x0, v1  }
0x322: {  	s9 =	sor.u32 $0x60, s15;
	v3 =	vld [tilespmem:s16+$0xFFFFFF90];
	[tilespmem:s17+$0x10] =	vst v1;
	vm2 =	vgt.f32 v11, v0  }
0x323: {  	v0 =	vsub.f32 v7, v8;
	v1 =	vld [tilespmem:s9+$0xF200];
	v6 =	vsel vm2, $0x0, v12  }
0x324: {  	v7 =	vld [tilespmem:s9+$0xC200];
	[tilespmem:s0+$0xFFFFFFA0] =	vst v6  }
0x325: {  	v5 =	vsub.f32 v5, v9;
	v6 =	vld [tilespmem:s9+$0x10A00]  }
0x326: {  	v8 =	vld [tilespmem:s9+$0xDA00]  }
0x327: {  	v0 =	vmul.f32 v5, v0;
	v5 =	vld [tilespmem:s4+$0x10];
	s4 =	smov.u32 s8  }
0x328: {  	v9 =	vld [tilespmem:s6+$0x10];
	s6 =	smov.u32 s5  }
0x329: {  	v0 =	vmul.f32 $3.333333430e-01, v0;
	v10 =	vld [tilespmem:s22+$0x10];
	s22 =	smov.u32 s11  }
0x32a: {  	v11 =	vld [tilespmem:s31+$0x10];
	s31 =	smov.u32 s12  }
.Ltmp11:
0x32b: {  	vm2 =	vgt.f32 v2, v0;
	v0 =	vsub.f32 v1, v7;
	v1 =	vsub.f32 v6, v8;
	v28 =	vld [tilespmem:s21+$0x10];
	s21 =	smov.u32 s13;
	(pc) =	sbr.rel @p0 .LBB2_15-.Ltmp11, $4  }
0x32c: {  	v2 =	vsel vm2, $0x0, v3;
	v30 =	vld [tilespmem:s9+$0x12480]  }
0x32d: {  	[tilespmem:s17+$0xFFFFFF90] =	vst v2;
	v0 =	vmul.f32 v1, v0;
	v32 =	vld [tilespmem:s16+$0x20];
	v29 =	vsub.f32 v5, v9  }
0x32e: {  	v33 =	vld [tilespmem:s8+$0x0]  }
0x32f: {  	s8 =	sadd.s32 $0x80, s8;
	v34 =	vld [tilespmem:s5+$0x0];
	v19 =	vmul.f32 $3.333333430e-01, v0;
	v31 =	vsub.f32 v10, v11  }
0x330: {  	v0 =	vld [tilespmem:s22+$0x0]  }
0x331: {  	v1 =	vld [tilespmem:s31+$0x0];
	_ =	sdelay $0x4  }
0x332: {  	v2 =	vsub.f32 v33, v34;
	v0 =	vsub.f32 v0, v1  }
0x333: {  	v1 =	vld [tilespmem:s21+$0x0]  }
0x334: {  	v3 =	vld [tilespmem:s20+$0xFFFFFFA0];
	vm2 =	vgt.f32 v30, v19;
	v0 =	vmul.f32 v0, v2  }
0x335: {  	v2 =	vsel vm2, $0x0, v32  }
0x336: {  	s5 =	sor.u32 $0x70, s15;
	[tilespmem:s17+$0x20] =	vst v2;
	v0 =	vmul.f32 $3.333333430e-01, v0  }
0x337: {  	v2 =	vld [tilespmem:s5+$0xF200]  }
0x338: {  	v5 =	vld [tilespmem:s5+$0xC200];
	vm2 =	vgt.f32 v1, v0  }
0x339: {  	v0 =	vld [tilespmem:s5+$0x10A00];
	v1 =	vsel vm2, $0x0, v3  }
0x33a: {  	v3 =	vld [tilespmem:s5+$0xDA00];
	[tilespmem:s18+$0xFFFFFFA0] =	vst v1  }
0x33b: {  	v1 =	vld [tilespmem:s4+$0x10]  }
0x33c: {  	v6 =	vld [tilespmem:s6+$0x10]  }
0x33d: {  	v7 =	vld [tilespmem:s22+$0x10]  }
0x33e: {  	v8 =	vld [tilespmem:s31+$0x10];
	_ =	sdelay $0x2  }
0x33f: {  	v2 =	vsub.f32 v2, v5;
	v5 =	vld [tilespmem:s20+$0x30];
	v0 =	vsub.f32 v0, v3  }
0x340: {  	v3 =	vld [tilespmem:s5+$0x12480]  }
0x341: {  	v0 =	vmul.f32 v0, v2;
	v1 =	vsub.f32 v1, v6;
	v2 =	vsub.f32 v7, v8;
	v6 =	vld [tilespmem:s1+$0xFFFFFFB0]  }
0x342: {  	v7 =	vmul.f32 v31, v29;
	v8 =	vld [tilespmem:s21+$0x10]  }
0x343: {  	v0 =	vmul.f32 $3.333333430e-01, v0;
	v1 =	vmul.f32 v2, v1;
	v2 =	vld [tilespmem:s20+$0xFFFFFFB0]  }
0x344: {  	v7 =	vmul.f32 $3.333333430e-01, v7  }
0x345: {  	vm2 =	vgt.f32 v3, v0;
	v0 =	vmul.f32 $3.333333430e-01, v1  }
0x346: {  	vm3 =	vgt.f32 v28, v7;
	v1 =	vsel vm2, $0x0, v5  }
0x347: {  	[tilespmem:s18+$0x30] =	vst v1;
	v1 =	vsel vm3, $0x0, v6;
	vm2 =	vgt.f32 v8, v0  }
0x348: {  	[tilespmem:s0+$0xFFFFFFB0] =	vst v1;
	v0 =	vsel vm2, $0x0, v2  }
0x349: {  	[tilespmem:s18+$0xFFFFFFB0] =	vst v0  }
0x34a: {  	v0 =	vld [tilespmem:$0x1FF60]  }
0x34b: {  	s17 =	rddreg [dreg:$0x4];
	v1 =	vld [tilespmem:$0x1FF70]  }
0x34c: {  	s11 =	rddreg [dreg:$0x5];
	v2 =	vld [tilespmem:$0x1FF80]  }
0x34d: {  	s13 =	rddreg [dreg:$0x6];
	v3 =	vld [tilespmem:$0x1FF90]  }
0x34e: {  	s8 =	rddreg [dreg:$0x7];
	v5 =	vld [tilespmem:$0x1FFA0]  }
.Ltmp12:
0x34f: {  	s12 =	rddreg [dreg:$0x8];
	v6 =	vld [tilespmem:$0x1FFB0];
	(pc) =	sbr.rel .LBB2_17-.Ltmp12, $4  }
0x350: {  	s9 =	smov.u32 s10;
	s10 =	smov.u32 s14;
	s14 =	rddreg [dreg:$0x9];
	v7 =	vld [tilespmem:$0x1FFC0]  }
0x351: {  	s4 =	simm.s32 $0x9200;
	s18 =	rddreg [dreg:$0xa];
	v8 =	vld [tilespmem:$0x1FFD0]  }
0x352: {  	s22 =	simm.s32 $0x2000;
	s31 =	simm.s32 $0x4000;
	s20 =	rddreg [dreg:$0xb];
	v9 =	vld [tilespmem:$0x1FFE0]  }
0x353: {  	s1 =	simm.s32 $0xA200;
	s0 =	simm.s32 $0xB200;
	s21 =	rddreg [dreg:$0xc];
	v10 =	vld [tilespmem:$0x1FFF0]  }
.LBB2_19:
0x354: {  	_ =	sfence.sel $0x180000  }
0x355: {  	[bflag:$0x0] =	sbarrier.arrive $0xFFFF  }
0x356: {  	_ =	strace $0x90000047  }
0x357: {  	s0 =	stileid.u32;
	[bflag:$0x2] =	sbarrier.arrive $0xFFFF  }
0x358: {  	p0 =	sne.s32 s0, $0x0;
	s0 =	rddreg [dreg:$0x3]  }
0x359: {  	s0 =	sadd.s32 @!p0 $0x100000, s0  }
0x35a: {  	[sflag:s0] =	ssyncadd.tile.s32 @!p0 $0x1;
	_ =	shalt  }
.Lfunc_end2:
_tile_overlayer_lowered:
.L_overlay_start_2:
0x35b: {  	(tag) =	ssettag $0x2  }
0x35c: {  	s0 =	rddreg [dreg:$0x0];
	s2 =	stileid.u32  }
0x35d: {  	s1 =	rddreg [dreg:$0x1];
	p0 =	sne.s32 s2, $0x0  }
0x35e: {  	s3 =	rddreg [dreg:$0x2];
	[bflag:$0x3] =	sbarrier.arrive $0xFFFF;
	s2 =	simm.s32 @!p0 $0x1C03  }
0x35f: {  	[timem:s3], [sflag:s2] =	dma.local @!p0 [hbm:s0], s1  }
0x360: {  	s0 =	simm.s32 @!p0 $0x3  }
0x361: {  	_ =	swait.ge @!p0 [sflag:s0], s1  }
0x362: {  	s1 =	ssub.s32 @!p0 $0x0, s1;
	[sflag:s0] =	ssyncset.done @!p0 $0x0  }
0x363: {  	[sflag:s0] =	ssyncadd.s32 @!p0 s1  }
0x364: {  	[bflag:$0x3] =	sbarrier.arrive $0xFFFF  }
0x365: {  	_ =	shalt  }

</sc_bundles>
